<compile_context>
chip_gen: v7x
topology: tpu7x:2x2x1
jax: 0.10.2.dev20260603
libtpu: 0.0.44.dev20260713+nightly
codegen_flags: <defaults>
</compile_context>

<pallas_src>
import functools

import jax
import jax.numpy as jnp
from jax import lax
from jax.experimental import pallas as pl
from jax.experimental.pallas import tpu as pltpu
from jax.experimental.pallas import tpu_sc as plsc

_NC = 2
_NS = 16
_L = 16
_C = 80


def _matmul_body(x_ref, w_ref, o_ref):
    o_ref[0] = jnp.dot(x_ref[...], w_ref[0], preferred_element_type=jnp.float32)


def _project_all(x, Wcat):
    N, D = x.shape
    RR, _, H = Wcat.shape
    BN = 1000
    return pl.pallas_call(
        _matmul_body,
        grid=(N // BN, RR),
        in_specs=[
            pl.BlockSpec((BN, D), lambda i, r: (i, 0)),
            pl.BlockSpec((1, D, H), lambda i, r: (r, 0, 0)),
        ],
        out_specs=pl.BlockSpec((1, BN, H), lambda i, r: (r, i, 0)),
        out_shape=jax.ShapeDtypeStruct((RR, N, H), jnp.float32),
    )(x, Wcat)


def _head_body(h0_ref, p_ref, b_ref, wl_ref, o_ref):
    s = h0_ref[0] + p_ref[0, 0] + p_ref[1, 0] + b_ref[...]
    s = jnp.maximum(s, 0.0)
    m = jnp.sum(s, axis=0, keepdims=True)
    o_ref[0] = jnp.dot(m, wl_ref[...], preferred_element_type=jnp.float32)


def _pool_head(h0r, Pr, b, W_lin):
    B, PG, H = h0r.shape
    ND = W_lin.shape[1]
    return pl.pallas_call(
        _head_body,
        grid=(B,),
        in_specs=[
            pl.BlockSpec((1, PG, H), lambda g: (g, 0, 0)),
            pl.BlockSpec((2, 1, PG, H), lambda g: (0, g, 0, 0)),
            pl.BlockSpec((1, H), lambda g: (0, 0)),
            pl.BlockSpec((H, ND), lambda g: (0, 0)),
        ],
        out_specs=pl.BlockSpec((1, 1, ND), lambda g: (g, 0, 0)),
        out_shape=jax.ShapeDtypeStruct((B, 1, ND), jnp.float32),
    )(h0r, Pr, b.reshape(1, H), W_lin).reshape(B, ND)


def _make_sc_edge_kernel(N, E, H, R):
    NK = N * R
    kslice = -(-NK // (_NS * 8)) * 8
    NKP = kslice * _NS
    ept = E // (_NC * _NS)
    eph = E // _NS
    rpt = -(-(N // _NS) // 8) * 8
    NP = rpt * _NS
    GR = _C // _L
    mesh = plsc.VectorSubcoreMesh(core_axis_name="c", subcore_axis_name="s")

    SB = 25
    SE = SB * _C

    @functools.partial(
        pl.kernel,
        out_type=jax.ShapeDtypeStruct((_NC, NP, H), jnp.float32),
        mesh=mesh,
        scratch_types=[
            pltpu.VMEM((SE,), jnp.int32),
            pltpu.VMEM((SE,), jnp.int32),
            pltpu.VMEM((SE,), jnp.int32),
            [pltpu.VMEM((_C,), jnp.int32)] * 4,
            [pltpu.VMEM((_C,), jnp.int32)] * 3,
            [pltpu.VMEM((_C,), jnp.int32)] * 3,
            [pltpu.VMEM((_C,), jnp.float32)] * 3,
            [pltpu.VMEM((_C, H), jnp.float32)] * 3,
            pltpu.VMEM((_C,), jnp.float32),
            pltpu.VMEM((kslice // 2,), jnp.float32),
            pltpu.VMEM_SHARED((NKP,), jnp.float32),
            pltpu.VMEM_SHARED((NP, H), jnp.float32),
            [pltpu.SemaphoreType.DMA] * 3,
            [pltpu.SemaphoreType.DMA] * 3,
            [pltpu.SemaphoreType.DMA] * 3,
            [pltpu.SemaphoreType.DMA] * 4,
        ],
        compiler_params=pltpu.CompilerParams(needs_layout_passes=False),
    )
    def sc_kernel(y_hbm, src_hbm, dst_hbm, et_hbm, zc_hbm, zr_hbm, out_hbm,
                  src1, dst1, et1, sib, gib, kib, wb, rows, onesb, recb,
                  cnt_sh, hacc_sh, gsems, wsems, ssems, hsems):
        cid = lax.axis_index("c")
        sid = lax.axis_index("s")

        for g in range(GR):
            onesb[pl.ds(g * _L, _L)] = jnp.ones((_L,), jnp.float32)

        pltpu.sync_copy(zc_hbm, cnt_sh.at[pl.ds(sid * kslice, kslice)])
        pltpu.sync_copy(zr_hbm, hacc_sh.at[pl.ds(sid * rpt, rpt)])
        plsc.subcore_barrier()

        def hist_super(sc, carry):
            base = sid * eph + sc * SE
            pltpu.sync_copy(dst_hbm.at[pl.ds(base, SE)], dst1)
            pltpu.sync_copy(et_hbm.at[pl.ds(base, SE)], et1)

            def hkey_body(i, c2):
                s = pl.ds(i * _L, _L)
                et1[s] = dst1[s] * R + et1[s]
                return c2
            lax.fori_loop(0, SE // _L, hkey_body, 0)

            def hquad_body(p, c2):
                ds = []
                for k in range(4):
                    off = (4 * p + k) * _C
                    for g in range(GR):
                        sib[k][pl.ds(g * _L, _L)] = et1[pl.ds(off + g * _L,
                                                              _L)]
                    ds.append(pltpu.async_copy(onesb, cnt_sh.at[sib[k]],
                                               hsems[k], add=True))
                for d in ds:
                    d.wait()
                return c2
            lax.fori_loop(0, SB // 4, hquad_body, 0)
            off = (SB - 1) * _C
            for g in range(GR):
                sib[0][pl.ds(g * _L, _L)] = et1[pl.ds(off + g * _L, _L)]
            pltpu.async_copy(onesb, cnt_sh.at[sib[0]], hsems[0],
                             add=True).wait()
            return carry
        lax.fori_loop(0, eph // SE, hist_super, 0)
        plsc.subcore_barrier()

        KH = kslice // 2
        for half in range(2):
            off = sid * kslice + half * KH
            pltpu.sync_copy(cnt_sh.at[pl.ds(off, KH)], recb)

            def rec_body(i, carry):
                s = pl.ds(i * _L, _L)
                recb[s] = 1.0 / jnp.maximum(recb[s], 1.0)
                return carry
            lax.fori_loop(0, KH // _L, rec_body, 0)
            pltpu.sync_copy(recb, cnt_sh.at[pl.ds(off, KH)])
        plsc.subcore_barrier()

        ebase = cid * (E // _NC) + sid * ept

        def eload(i, k):
            off = i * _C
            for g in range(GR):
                s = pl.ds(g * _L, _L)
                so = pl.ds(off + g * _L, _L)
                sib[k][s] = dst1[so]
                gib[k][s] = src1[so]
                kib[k][s] = et1[so]
            dw = pltpu.async_copy(cnt_sh.at[kib[k]], wb[k], wsems[k])
            dr = pltpu.async_copy(y_hbm.at[gib[k]], rows[k], gsems[k])
            return dw, dr

        def edge_compute(k):
            def scale_body(e4, c2):
                for u in range(4):
                    e = e4 * 4 + u
                    w16 = plsc.load_gather(wb[k],
                                           [jnp.full((_L,), e, jnp.int32)])
                    for j in range(H // _L):
                        sj = pl.ds(j * _L, _L)
                        rows[k][e, sj] = rows[k][e, sj] * w16
                return c2
            lax.fori_loop(0, _C // 4, scale_body, 0)
            return pltpu.async_copy(rows[k], hacc_sh.at[sib[k]], ssems[k],
                                    add=True)

        def edge_super(sc, carry):
            base = ebase + sc * SE
            pltpu.sync_copy(src_hbm.at[pl.ds(base, SE)], src1)
            pltpu.sync_copy(dst_hbm.at[pl.ds(base, SE)], dst1)
            pltpu.sync_copy(et_hbm.at[pl.ds(base, SE)], et1)

            def ekey_body(i, c2):
                s = pl.ds(i * _L, _L)
                src1[s] = et1[s] * N + src1[s]
                et1[s] = dst1[s] * R + et1[s]
                return c2
            lax.fori_loop(0, SE // _L, ekey_body, 0)

            def etri_body(p, c2):
                dls = [eload(3 * p + k, k) for k in range(3)]
                scs = []
                for k in range(3):
                    dls[k][0].wait()
                    dls[k][1].wait()
                    scs.append(edge_compute(k))
                for s in scs:
                    s.wait()
                return c2
            lax.fori_loop(0, SB // 3, etri_body, 0)
            dw, dr = eload(SB - 1, 0)
            dw.wait()
            dr.wait()
            edge_compute(0).wait()
            return carry
        lax.fori_loop(0, ept // SE, edge_super, 0)
        plsc.subcore_barrier()

        pltpu.sync_copy(hacc_sh.at[pl.ds(sid * rpt, rpt)],
                        out_hbm.at[cid, pl.ds(sid * rpt, rpt)])

    return sc_kernel


def kernel(x, edge_index, edge_type, batch_size, W_rel, W_self, b, W_lin, b_lin):
    N, D = x.shape
    R, _, H = W_rel.shape
    E = edge_index.shape[1]
    B = 16

    Wcat = jnp.concatenate([W_rel, W_self[None]], axis=0)
    Y = _project_all(x, Wcat)
    Yflat = Y.reshape((R + 1) * N, H)

    src = edge_index[0].astype(jnp.int32)
    dst = edge_index[1].astype(jnp.int32)
    et = edge_type.astype(jnp.int32)

    sc = _make_sc_edge_kernel(N, E, H, R)
    kslice = -(-(N * R) // (_NS * 8)) * 8
    rpt = -(-(N // _NS) // 8) * 8
    zc = jnp.zeros((kslice,), jnp.float32)
    zr = jnp.zeros((rpt, H), jnp.float32)
    P = sc(Yflat, src, dst, et, zc, zr)[:, :N, :]

    h0r = Y[R].reshape(B, N // B, H)
    Pr = P.reshape(2, B, N // B, H)
    osum = _pool_head(h0r, Pr, b, W_lin)
    per_graph = N // batch_size
    out = osum / per_graph.astype(jnp.float32) + b_lin[None, :]
    return jnp.squeeze(out)

# --- scband reference (transcript-rebuilt; emitter-appended) ---
"""Pipeline reference for scband-dialog-rater-1984274890815 (READ-ONLY COPY).

The authoritative reference and input builder live on the scoring server;
editing this copy changes nothing except your own understanding.
"""

import jax, jax.numpy as jnp
import numpy as np


def setup_inputs(seed: int = 0) -> dict:
    key = jax.random.key(seed)
    ks = jax.random.split(key, 8)
    N, E, D, H, R, ND, B = 10000, 320000, 128, 128, 9, 5, 16
    x = jax.random.normal(ks[0], (N, D), dtype=jnp.float32)
    edge_index = jax.random.randint(ks[1], (2, E), 0, N)
    edge_type = jax.random.randint(ks[2], (E,), 0, R)
    # GraphEmbedding parameters (1-layer relational graph conv, RGCN-style)
    W_rel = jax.random.normal(ks[3], (R, D, H), dtype=jnp.float32) * 0.05
    W_self = jax.random.normal(ks[4], (D, H), dtype=jnp.float32) * 0.05
    b = jnp.zeros((H,), dtype=jnp.float32)
    # self.lin = nn.Linear(hidden_size, n_dimensions)
    W_lin = jax.random.normal(ks[5], (H, ND), dtype=jnp.float32) * 0.05
    b_lin = jnp.zeros((ND,), dtype=jnp.float32)
    return {"x": x, "edge_index": edge_index, "edge_type": edge_type, "batch_size": B,
            "W_rel": W_rel, "W_self": W_self, "b": b, "W_lin": W_lin, "b_lin": b_lin}


def reference(x, edge_index, edge_type, batch_size, W_rel, W_self, b, W_lin, b_lin):
    N = x.shape[0]
    R = W_rel.shape[0]
    src = edge_index[0]
    dst = edge_index[1]
    # RGCN layer: h_i = relu(W_self x_i + sum_r (1/c_{i,r}) sum_{j in N_r(i)} x_j W_r + b)
    h = x @ W_self
    x_src = jnp.take(x, src, axis=0)
    for r in range(R):
        mask = (edge_type == r).astype(x.dtype)
        agg = jax.ops.segment_sum(x_src * mask[:, None], dst, num_segments=N)
        cnt = jax.ops.segment_sum(mask, dst, num_segments=N)
        agg = agg / jnp.clip(cnt, 1.0, None)[:, None]
        h = h + agg @ W_rel[r]
    h = jax.nn.relu(h + b)
    # graph-level readout: global mean pool over equal-sized graphs in the batch
    B_static = 16
    per_graph = N // batch_size
    pooled = h.reshape(B_static, N // B_static, h.shape[-1]).sum(axis=1) / per_graph
    out = pooled @ W_lin + b_lin
    return jnp.squeeze(out)

if __name__ == "__main__":
    import jax
    _d = setup_inputs()
    print(jax.jit(kernel)(*tuple(_d.values())))

</pallas_src>

<mosaic_0001>
#map = affine_map<(d0, d1) -> (0, 0)>
#map1 = affine_map<(d0, d1) -> (0)>
#map2 = affine_map<(d0, d1) -> (0, 0, 0)>
module attributes {stable_mosaic.version = 14 : i64} {
  func.func @sc_kernel(%arg0: i32, %arg1: i32, %arg2: memref<100000x128xf32, #tpu.memory_space<hbm>>, %arg3: memref<320000xi32, #tpu.memory_space<hbm>>, %arg4: memref<320000xi32, #tpu.memory_space<hbm>>, %arg5: memref<320000xi32, #tpu.memory_space<hbm>>, %arg6: memref<5632xf32, #tpu.memory_space<hbm>>, %arg7: memref<632x128xf32, #tpu.memory_space<hbm>>, %arg8: memref<2x10112x128xf32, #tpu.memory_space<hbm>>, %arg9: memref<2000xi32, #tpu.memory_space<vmem>>, %arg10: memref<2000xi32, #tpu.memory_space<vmem>>, %arg11: memref<2000xi32, #tpu.memory_space<vmem>>, %arg12: memref<80xi32, #tpu.memory_space<vmem>>, %arg13: memref<80xi32, #tpu.memory_space<vmem>>, %arg14: memref<80xi32, #tpu.memory_space<vmem>>, %arg15: memref<80xi32, #tpu.memory_space<vmem>>, %arg16: memref<80xi32, #tpu.memory_space<vmem>>, %arg17: memref<80xi32, #tpu.memory_space<vmem>>, %arg18: memref<80xi32, #tpu.memory_space<vmem>>, %arg19: memref<80xi32, #tpu.memory_space<vmem>>, %arg20: memref<80xi32, #tpu.memory_space<vmem>>, %arg21: memref<80xi32, #tpu.memory_space<vmem>>, %arg22: memref<80xf32, #tpu.memory_space<vmem>>, %arg23: memref<80xf32, #tpu.memory_space<vmem>>, %arg24: memref<80xf32, #tpu.memory_space<vmem>>, %arg25: memref<80x128xf32, #tpu.memory_space<vmem>>, %arg26: memref<80x128xf32, #tpu.memory_space<vmem>>, %arg27: memref<80x128xf32, #tpu.memory_space<vmem>>, %arg28: memref<80xf32, #tpu.memory_space<vmem>>, %arg29: memref<2816xf32, #tpu.memory_space<vmem>>, %arg30: memref<90112xf32, #tpu.memory_space<vmem_shared>>, %arg31: memref<10112x128xf32, #tpu.memory_space<vmem_shared>>, %arg32: memref<!tpu.dma_semaphore, #tpu.memory_space<semaphore_mem>>, %arg33: memref<!tpu.dma_semaphore, #tpu.memory_space<semaphore_mem>>, %arg34: memref<!tpu.dma_semaphore, #tpu.memory_space<semaphore_mem>>, %arg35: memref<!tpu.dma_semaphore, #tpu.memory_space<semaphore_mem>>, %arg36: memref<!tpu.dma_semaphore, #tpu.memory_space<semaphore_mem>>, %arg37: memref<!tpu.dma_semaphore, #tpu.memory_space<semaphore_mem>>, %arg38: memref<!tpu.dma_semaphore, #tpu.memory_space<semaphore_mem>>, %arg39: memref<!tpu.dma_semaphore, #tpu.memory_space<semaphore_mem>>, %arg40: memref<!tpu.dma_semaphore, #tpu.memory_space<semaphore_mem>>, %arg41: memref<!tpu.dma_semaphore, #tpu.memory_space<semaphore_mem>>, %arg42: memref<!tpu.dma_semaphore, #tpu.memory_space<semaphore_mem>>, %arg43: memref<!tpu.dma_semaphore, #tpu.memory_space<semaphore_mem>>, %arg44: memref<!tpu.dma_semaphore, #tpu.memory_space<semaphore_mem>>) attributes {dimension_semantics = [#tpu.dimension_semantics<core_parallel>, #tpu.dimension_semantics<subcore_parallel>], iteration_bounds = array<i64: 2, 16>, scalar_prefetch = 0 : i64, scratch_operands = 36 : i64, tpu.core_type = #tpu.core_type<sc_vector_subcore>, window_params = [{transform_indices = #map}, {transform_indices = #map1}, {transform_indices = #map1}, {transform_indices = #map1}, {transform_indices = #map1}, {transform_indices = #map}, {transform_indices = #map2}]} {
    %broadcast_in_dim3A = arith.constant 1.000000e+00 : f32
    %broadcast_in_dim3A_0 = vector.broadcast %broadcast_in_dim3A : f32 to vector<16xf32>
    %swap3A = arith.constant 0 : index
    %swap3A_1 = tpu.vector_load %arg28[%swap3A] {strides = array<i32>} : memref<80xf32, #tpu.memory_space<vmem>>, vector<16xf32>,
    tpu.vector_store %arg28[%swap3A], %broadcast_in_dim3A_0 {strides = array<i32>} : memref<80xf32, #tpu.memory_space<vmem>>, vector<16xf32>,
    %broadcast_in_dim3A_2 = arith.constant 1.000000e+00 : f32
    %broadcast_in_dim3A_3 = vector.broadcast %broadcast_in_dim3A_2 : f32 to vector<16xf32>
    %swap3A_4 = arith.constant 16 : index
    %swap3A_5 = tpu.vector_load %arg28[%swap3A_4] {strides = array<i32>} : memref<80xf32, #tpu.memory_space<vmem>>, vector<16xf32>,
    tpu.vector_store %arg28[%swap3A_4], %broadcast_in_dim3A_3 {strides = array<i32>} : memref<80xf32, #tpu.memory_space<vmem>>, vector<16xf32>,
    %broadcast_in_dim3A_6 = arith.constant 1.000000e+00 : f32
    %broadcast_in_dim3A_7 = vector.broadcast %broadcast_in_dim3A_6 : f32 to vector<16xf32>
    %swap3A_8 = arith.constant 32 : index
    %swap3A_9 = tpu.vector_load %arg28[%swap3A_8] {strides = array<i32>} : memref<80xf32, #tpu.memory_space<vmem>>, vector<16xf32>,
    tpu.vector_store %arg28[%swap3A_8], %broadcast_in_dim3A_7 {strides = array<i32>} : memref<80xf32, #tpu.memory_space<vmem>>, vector<16xf32>,
    %broadcast_in_dim3A_10 = arith.constant 1.000000e+00 : f32
    %broadcast_in_dim3A_11 = vector.broadcast %broadcast_in_dim3A_10 : f32 to vector<16xf32>
    %swap3A_12 = arith.constant 48 : index
    %swap3A_13 = tpu.vector_load %arg28[%swap3A_12] {strides = array<i32>} : memref<80xf32, #tpu.memory_space<vmem>>, vector<16xf32>,
    tpu.vector_store %arg28[%swap3A_12], %broadcast_in_dim3A_11 {strides = array<i32>} : memref<80xf32, #tpu.memory_space<vmem>>, vector<16xf32>,
    %broadcast_in_dim3A_14 = arith.constant 1.000000e+00 : f32
    %broadcast_in_dim3A_15 = vector.broadcast %broadcast_in_dim3A_14 : f32 to vector<16xf32>
    %swap3A_16 = arith.constant 64 : index
    %swap3A_17 = tpu.vector_load %arg28[%swap3A_16] {strides = array<i32>} : memref<80xf32, #tpu.memory_space<vmem>>, vector<16xf32>,
    tpu.vector_store %arg28[%swap3A_16], %broadcast_in_dim3A_15 {strides = array<i32>} : memref<80xf32, #tpu.memory_space<vmem>>, vector<16xf32>,
    %mul3A = arith.constant 5632 : i32
    %mul3A_18 = arith.muli %arg1, %mul3A : i32
    "tpu.region"() ({
      %run_scoped3A = tpu.sem_alloc : memref<!tpu.dma_semaphore, #tpu.memory_space<semaphore_mem>>
      %dma_start3A = tpu.memref_slice %arg30[%mul3A_18] : memref<90112xf32, #tpu.memory_space<vmem_shared>> -> memref<5632xf32, #tpu.memory_space<vmem_shared>>
      tpu.enqueue_dma source(%arg6 : memref<5632xf32, #tpu.memory_space<hbm>>) target(%dma_start3A : memref<5632xf32, #tpu.memory_space<vmem_shared>>) target_semaphore(%run_scoped3A : memref<!tpu.dma_semaphore, #tpu.memory_space<semaphore_mem>>)
      %dma_wait3A = tpu.memref_slice %arg30[%mul3A_18] : memref<90112xf32, #tpu.memory_space<vmem_shared>> -> memref<5632xf32, #tpu.memory_space<vmem_shared>>
      tpu.wait_dma2 semaphore(%run_scoped3A : memref<!tpu.dma_semaphore, #tpu.memory_space<semaphore_mem>>) src(%arg6 : memref<5632xf32, #tpu.memory_space<hbm>>) dst(%dma_wait3A : memref<5632xf32, #tpu.memory_space<vmem_shared>>)
      tpu.yield
    }) : () -> ()
    %mul3A_19 = arith.constant 632 : i32
    %mul3A_20 = arith.muli %arg1, %mul3A_19 : i32
    "tpu.region"() ({
      %run_scoped3A = tpu.sem_alloc : memref<!tpu.dma_semaphore, #tpu.memory_space<semaphore_mem>>
      %dma_start3A = arith.constant 0 : i32
      %dma_start3A_63 = tpu.memref_slice %arg31[%mul3A_20, %dma_start3A] : memref<10112x128xf32, #tpu.memory_space<vmem_shared>> -> memref<632x128xf32, #tpu.memory_space<vmem_shared>>
      tpu.enqueue_dma source(%arg7 : memref<632x128xf32, #tpu.memory_space<hbm>>) target(%dma_start3A_63 : memref<632x128xf32, #tpu.memory_space<vmem_shared>>) target_semaphore(%run_scoped3A : memref<!tpu.dma_semaphore, #tpu.memory_space<semaphore_mem>>)
      %dma_wait3A = arith.constant 0 : i32
      %dma_wait3A_64 = tpu.memref_slice %arg31[%mul3A_20, %dma_wait3A] : memref<10112x128xf32, #tpu.memory_space<vmem_shared>> -> memref<632x128xf32, #tpu.memory_space<vmem_shared>>
      tpu.wait_dma2 semaphore(%run_scoped3A : memref<!tpu.dma_semaphore, #tpu.memory_space<semaphore_mem>>) src(%arg7 : memref<632x128xf32, #tpu.memory_space<hbm>>) dst(%dma_wait3A_64 : memref<632x128xf32, #tpu.memory_space<vmem_shared>>)
      tpu.yield
    }) : () -> ()
    %barrier3A = arith.constant 0 : index
    tpu.barrier barrier_id(%barrier3A)
    %scan3A = arith.constant 0 : i32
    %scan3A_21 = arith.constant 0 : i32
    %scan3A_22 = arith.constant 10 : i32
    %scan3A_23 = arith.addi %scan3A_21, %scan3A_22 : i32
    %scan3A_24 = arith.constant 1 : i32
    scf.for %scan3A_63 = %scan3A_21 to %scan3A_23 step %scan3A_24  : i32 {
      %mul3A_64 = arith.constant 20000 : i32
      %mul3A_65 = arith.muli %arg1, %mul3A_64 : i32
      %mul3A_66 = arith.constant 2000 : i32
      %mul3A_67 = arith.muli %scan3A_63, %mul3A_66 : i32
      %add3A_68 = arith.addi %mul3A_65, %mul3A_67 : i32
      "tpu.region"() ({
        %run_scoped3A = tpu.sem_alloc : memref<!tpu.dma_semaphore, #tpu.memory_space<semaphore_mem>>
        %dma_start3A_102 = tpu.memref_slice %arg4[%add3A_68] : memref<320000xi32, #tpu.memory_space<hbm>> -> memref<2000xi32, #tpu.memory_space<hbm>>
        %dma_start3A_103 = tpu.memref_slice %arg4[%add3A_68] : memref<320000xi32, #tpu.memory_space<hbm>> -> memref<2000xi32, #tpu.memory_space<hbm>>
        tpu.enqueue_dma source(%dma_start3A_103 : memref<2000xi32, #tpu.memory_space<hbm>>) target(%arg10 : memref<2000xi32, #tpu.memory_space<vmem>>) target_semaphore(%run_scoped3A : memref<!tpu.dma_semaphore, #tpu.memory_space<semaphore_mem>>)
        %dma_wait3A_104 = tpu.memref_slice %arg4[%add3A_68] : memref<320000xi32, #tpu.memory_space<hbm>> -> memref<2000xi32, #tpu.memory_space<hbm>>
        %dma_wait3A_105 = tpu.memref_slice %arg4[%add3A_68] : memref<320000xi32, #tpu.memory_space<hbm>> -> memref<2000xi32, #tpu.memory_space<hbm>>
        tpu.wait_dma2 semaphore(%run_scoped3A : memref<!tpu.dma_semaphore, #tpu.memory_space<semaphore_mem>>) src(%dma_wait3A_105 : memref<2000xi32, #tpu.memory_space<hbm>>) dst(%arg10 : memref<2000xi32, #tpu.memory_space<vmem>>)
        tpu.yield
      }) : () -> ()
      "tpu.region"() ({
        %run_scoped3A = tpu.sem_alloc : memref<!tpu.dma_semaphore, #tpu.memory_space<semaphore_mem>>
        %dma_start3A_102 = tpu.memref_slice %arg5[%add3A_68] : memref<320000xi32, #tpu.memory_space<hbm>> -> memref<2000xi32, #tpu.memory_space<hbm>>
        %dma_start3A_103 = tpu.memref_slice %arg5[%add3A_68] : memref<320000xi32, #tpu.memory_space<hbm>> -> memref<2000xi32, #tpu.memory_space<hbm>>
        tpu.enqueue_dma source(%dma_start3A_103 : memref<2000xi32, #tpu.memory_space<hbm>>) target(%arg11 : memref<2000xi32, #tpu.memory_space<vmem>>) target_semaphore(%run_scoped3A : memref<!tpu.dma_semaphore, #tpu.memory_space<semaphore_mem>>)
        %dma_wait3A_104 = tpu.memref_slice %arg5[%add3A_68] : memref<320000xi32, #tpu.memory_space<hbm>> -> memref<2000xi32, #tpu.memory_space<hbm>>
        %dma_wait3A_105 = tpu.memref_slice %arg5[%add3A_68] : memref<320000xi32, #tpu.memory_space<hbm>> -> memref<2000xi32, #tpu.memory_space<hbm>>
        tpu.wait_dma2 semaphore(%run_scoped3A : memref<!tpu.dma_semaphore, #tpu.memory_space<semaphore_mem>>) src(%dma_wait3A_105 : memref<2000xi32, #tpu.memory_space<hbm>>) dst(%arg11 : memref<2000xi32, #tpu.memory_space<vmem>>)
        tpu.yield
      }) : () -> ()
      %scan3A_69 = arith.constant 0 : i32
      %scan3A_70 = arith.constant 0 : i32
      %scan3A_71 = arith.constant 125 : i32
      %scan3A_72 = arith.addi %scan3A_70, %scan3A_71 : i32
      %scan3A_73 = arith.constant 1 : i32
      scf.for %scan3A_102 = %scan3A_70 to %scan3A_72 step %scan3A_73  : i32 {
        %mul3A_103 = arith.constant 16 : i32
        %mul3A_104 = arith.muli %scan3A_102, %mul3A_103 : i32
        %get3A_105 = arith.index_cast %mul3A_104 : i32 to index
        %get3A_106 = tpu.vector_load %arg10[%get3A_105] {strides = array<i32>} : memref<2000xi32, #tpu.memory_space<vmem>>, vector<16xi32>,
        %mul3A_107 = arith.constant 9 : i32
        %mul3A_108 = vector.broadcast %mul3A_107 : i32 to vector<16xi32>
        %mul3A_109 = arith.muli %get3A_106, %mul3A_108 : vector<16xi32>
        %get3A_110 = arith.index_cast %mul3A_104 : i32 to index
        %get3A_111 = tpu.vector_load %arg11[%get3A_110] {strides = array<i32>} : memref<2000xi32, #tpu.memory_space<vmem>>, vector<16xi32>,
        %add3A_112 = arith.addi %mul3A_109, %get3A_111 : vector<16xi32>
        %swap3A_113 = arith.index_cast %mul3A_104 : i32 to index
        %swap3A_114 = tpu.vector_load %arg11[%swap3A_113] {strides = array<i32>} : memref<2000xi32, #tpu.memory_space<vmem>>, vector<16xi32>,
        tpu.vector_store %arg11[%swap3A_113], %add3A_112 {strides = array<i32>} : memref<2000xi32, #tpu.memory_space<vmem>>, vector<16xi32>,
      }
      %scan3A_74 = arith.constant 125 : i32
      %scan3A_75 = arith.constant 0 : i32
      %scan3A_76 = arith.constant 0 : i32
      %scan3A_77 = arith.constant 6 : i32
      %scan3A_78 = arith.addi %scan3A_76, %scan3A_77 : i32
      %scan3A_79 = arith.constant 1 : i32
      scf.for %scan3A_102 = %scan3A_76 to %scan3A_78 step %scan3A_79  : i32 {
        %mul3A_103 = arith.constant 4 : i32
        %mul3A_104 = arith.muli %mul3A_103, %scan3A_102 : i32
        %add3A_105 = arith.constant 0 : i32
        %add3A_106 = arith.addi %mul3A_104, %add3A_105 : i32
        %mul3A_107 = arith.constant 80 : i32
        %mul3A_108 = arith.muli %add3A_106, %mul3A_107 : i32
        %add3A_109 = arith.constant 0 : i32
        %add3A_110 = arith.addi %mul3A_108, %add3A_109 : i32
        %get3A_111 = arith.index_cast %add3A_110 : i32 to index
        %get3A_112 = tpu.vector_load %arg11[%get3A_111] {strides = array<i32>} : memref<2000xi32, #tpu.memory_space<vmem>>, vector<16xi32>,
        %swap3A_113 = arith.constant 0 : index
        %swap3A_114 = tpu.vector_load %arg12[%swap3A_113] {strides = array<i32>} : memref<80xi32, #tpu.memory_space<vmem>>, vector<16xi32>,
        tpu.vector_store %arg12[%swap3A_113], %get3A_112 {strides = array<i32>} : memref<80xi32, #tpu.memory_space<vmem>>, vector<16xi32>,
        %add3A_115 = arith.constant 16 : i32
        %add3A_116 = arith.addi %mul3A_108, %add3A_115 : i32
        %get3A_117 = arith.index_cast %add3A_116 : i32 to index
        %get3A_118 = tpu.vector_load %arg11[%get3A_117] {strides = array<i32>} : memref<2000xi32, #tpu.memory_space<vmem>>, vector<16xi32>,
        %swap3A_119 = arith.constant 16 : index
        %swap3A_120 = tpu.vector_load %arg12[%swap3A_119] {strides = array<i32>} : memref<80xi32, #tpu.memory_space<vmem>>, vector<16xi32>,
        tpu.vector_store %arg12[%swap3A_119], %get3A_118 {strides = array<i32>} : memref<80xi32, #tpu.memory_space<vmem>>, vector<16xi32>,
        %add3A_121 = arith.constant 32 : i32
        %add3A_122 = arith.addi %mul3A_108, %add3A_121 : i32
        %get3A_123 = arith.index_cast %add3A_122 : i32 to index
        %get3A_124 = tpu.vector_load %arg11[%get3A_123] {strides = array<i32>} : memref<2000xi32, #tpu.memory_space<vmem>>, vector<16xi32>,
        %swap3A_125 = arith.constant 32 : index
        %swap3A_126 = tpu.vector_load %arg12[%swap3A_125] {strides = array<i32>} : memref<80xi32, #tpu.memory_space<vmem>>, vector<16xi32>,
        tpu.vector_store %arg12[%swap3A_125], %get3A_124 {strides = array<i32>} : memref<80xi32, #tpu.memory_space<vmem>>, vector<16xi32>,
        %add3A_127 = arith.constant 48 : i32
        %add3A_128 = arith.addi %mul3A_108, %add3A_127 : i32
        %get3A_129 = arith.index_cast %add3A_128 : i32 to index
        %get3A_130 = tpu.vector_load %arg11[%get3A_129] {strides = array<i32>} : memref<2000xi32, #tpu.memory_space<vmem>>, vector<16xi32>,
        %swap3A_131 = arith.constant 48 : index
        %swap3A_132 = tpu.vector_load %arg12[%swap3A_131] {strides = array<i32>} : memref<80xi32, #tpu.memory_space<vmem>>, vector<16xi32>,
        tpu.vector_store %arg12[%swap3A_131], %get3A_130 {strides = array<i32>} : memref<80xi32, #tpu.memory_space<vmem>>, vector<16xi32>,
        %add3A_133 = arith.constant 64 : i32
        %add3A_134 = arith.addi %mul3A_108, %add3A_133 : i32
        %get3A_135 = arith.index_cast %add3A_134 : i32 to index
        %get3A_136 = tpu.vector_load %arg11[%get3A_135] {strides = array<i32>} : memref<2000xi32, #tpu.memory_space<vmem>>, vector<16xi32>,
        %swap3A_137 = arith.constant 64 : index
        %swap3A_138 = tpu.vector_load %arg12[%swap3A_137] {strides = array<i32>} : memref<80xi32, #tpu.memory_space<vmem>>, vector<16xi32>,
        tpu.vector_store %arg12[%swap3A_137], %get3A_136 {strides = array<i32>} : memref<80xi32, #tpu.memory_space<vmem>>, vector<16xi32>,
        %dma_start3A_139 = arith.constant 0 : i32
        %dma_start3A_140 = tpu.memref_slice %arg30[%dma_start3A_139] : memref<90112xf32, #tpu.memory_space<vmem_shared>> -> memref<90112xf32, #tpu.memory_space<vmem_shared>>
        tpu.enqueue_indirect_dma source(%arg28 : memref<80xf32, #tpu.memory_space<vmem>>) target(%dma_start3A_140 : memref<90112xf32, #tpu.memory_space<vmem_shared>>) offsets(%arg12 : memref<80xi32, #tpu.memory_space<vmem>>) semaphore(%arg41 : memref<!tpu.dma_semaphore, #tpu.memory_space<semaphore_mem>>) {add = true}
        %mul3A_141 = arith.constant 4 : i32
        %mul3A_142 = arith.muli %mul3A_141, %scan3A_102 : i32
        %add3A_143 = arith.constant 1 : i32
        %add3A_144 = arith.addi %mul3A_142, %add3A_143 : i32
        %mul3A_145 = arith.constant 80 : i32
        %mul3A_146 = arith.muli %add3A_144, %mul3A_145 : i32
        %add3A_147 = arith.constant 0 : i32
        %add3A_148 = arith.addi %mul3A_146, %add3A_147 : i32
        %get3A_149 = arith.index_cast %add3A_148 : i32 to index
        %get3A_150 = tpu.vector_load %arg11[%get3A_149] {strides = array<i32>} : memref<2000xi32, #tpu.memory_space<vmem>>, vector<16xi32>,
        %swap3A_151 = arith.constant 0 : index
        %swap3A_152 = tpu.vector_load %arg13[%swap3A_151] {strides = array<i32>} : memref<80xi32, #tpu.memory_space<vmem>>, vector<16xi32>,
        tpu.vector_store %arg13[%swap3A_151], %get3A_150 {strides = array<i32>} : memref<80xi32, #tpu.memory_space<vmem>>, vector<16xi32>,
        %add3A_153 = arith.constant 16 : i32
        %add3A_154 = arith.addi %mul3A_146, %add3A_153 : i32
        %get3A_155 = arith.index_cast %add3A_154 : i32 to index
        %get3A_156 = tpu.vector_load %arg11[%get3A_155] {strides = array<i32>} : memref<2000xi32, #tpu.memory_space<vmem>>, vector<16xi32>,
        %swap3A_157 = arith.constant 16 : index
        %swap3A_158 = tpu.vector_load %arg13[%swap3A_157] {strides = array<i32>} : memref<80xi32, #tpu.memory_space<vmem>>, vector<16xi32>,
        tpu.vector_store %arg13[%swap3A_157], %get3A_156 {strides = array<i32>} : memref<80xi32, #tpu.memory_space<vmem>>, vector<16xi32>,
        %add3A_159 = arith.constant 32 : i32
        %add3A_160 = arith.addi %mul3A_146, %add3A_159 : i32
        %get3A_161 = arith.index_cast %add3A_160 : i32 to index
        %get3A_162 = tpu.vector_load %arg11[%get3A_161] {strides = array<i32>} : memref<2000xi32, #tpu.memory_space<vmem>>, vector<16xi32>,
        %swap3A_163 = arith.constant 32 : index
        %swap3A_164 = tpu.vector_load %arg13[%swap3A_163] {strides = array<i32>} : memref<80xi32, #tpu.memory_space<vmem>>, vector<16xi32>,
        tpu.vector_store %arg13[%swap3A_163], %get3A_162 {strides = array<i32>} : memref<80xi32, #tpu.memory_space<vmem>>, vector<16xi32>,
        %add3A_165 = arith.constant 48 : i32
        %add3A_166 = arith.addi %mul3A_146, %add3A_165 : i32
        %get3A_167 = arith.index_cast %add3A_166 : i32 to index
        %get3A_168 = tpu.vector_load %arg11[%get3A_167] {strides = array<i32>} : memref<2000xi32, #tpu.memory_space<vmem>>, vector<16xi32>,
        %swap3A_169 = arith.constant 48 : index
        %swap3A_170 = tpu.vector_load %arg13[%swap3A_169] {strides = array<i32>} : memref<80xi32, #tpu.memory_space<vmem>>, vector<16xi32>,
        tpu.vector_store %arg13[%swap3A_169], %get3A_168 {strides = array<i32>} : memref<80xi32, #tpu.memory_space<vmem>>, vector<16xi32>,
        %add3A_171 = arith.constant 64 : i32
        %add3A_172 = arith.addi %mul3A_146, %add3A_171 : i32
        %get3A_173 = arith.index_cast %add3A_172 : i32 to index
        %get3A_174 = tpu.vector_load %arg11[%get3A_173] {strides = array<i32>} : memref<2000xi32, #tpu.memory_space<vmem>>, vector<16xi32>,
        %swap3A_175 = arith.constant 64 : index
        %swap3A_176 = tpu.vector_load %arg13[%swap3A_175] {strides = array<i32>} : memref<80xi32, #tpu.memory_space<vmem>>, vector<16xi32>,
        tpu.vector_store %arg13[%swap3A_175], %get3A_174 {strides = array<i32>} : memref<80xi32, #tpu.memory_space<vmem>>, vector<16xi32>,
        %dma_start3A_177 = arith.constant 0 : i32
        %dma_start3A_178 = tpu.memref_slice %arg30[%dma_start3A_177] : memref<90112xf32, #tpu.memory_space<vmem_shared>> -> memref<90112xf32, #tpu.memory_space<vmem_shared>>
        tpu.enqueue_indirect_dma source(%arg28 : memref<80xf32, #tpu.memory_space<vmem>>) target(%dma_start3A_178 : memref<90112xf32, #tpu.memory_space<vmem_shared>>) offsets(%arg13 : memref<80xi32, #tpu.memory_space<vmem>>) semaphore(%arg42 : memref<!tpu.dma_semaphore, #tpu.memory_space<semaphore_mem>>) {add = true}
        %mul3A_179 = arith.constant 4 : i32
        %mul3A_180 = arith.muli %mul3A_179, %scan3A_102 : i32
        %add3A_181 = arith.constant 2 : i32
        %add3A_182 = arith.addi %mul3A_180, %add3A_181 : i32
        %mul3A_183 = arith.constant 80 : i32
        %mul3A_184 = arith.muli %add3A_182, %mul3A_183 : i32
        %add3A_185 = arith.constant 0 : i32
        %add3A_186 = arith.addi %mul3A_184, %add3A_185 : i32
        %get3A_187 = arith.index_cast %add3A_186 : i32 to index
        %get3A_188 = tpu.vector_load %arg11[%get3A_187] {strides = array<i32>} : memref<2000xi32, #tpu.memory_space<vmem>>, vector<16xi32>,
        %swap3A_189 = arith.constant 0 : index
        %swap3A_190 = tpu.vector_load %arg14[%swap3A_189] {strides = array<i32>} : memref<80xi32, #tpu.memory_space<vmem>>, vector<16xi32>,
        tpu.vector_store %arg14[%swap3A_189], %get3A_188 {strides = array<i32>} : memref<80xi32, #tpu.memory_space<vmem>>, vector<16xi32>,
        %add3A_191 = arith.constant 16 : i32
        %add3A_192 = arith.addi %mul3A_184, %add3A_191 : i32
        %get3A_193 = arith.index_cast %add3A_192 : i32 to index
        %get3A_194 = tpu.vector_load %arg11[%get3A_193] {strides = array<i32>} : memref<2000xi32, #tpu.memory_space<vmem>>, vector<16xi32>,
        %swap3A_195 = arith.constant 16 : index
        %swap3A_196 = tpu.vector_load %arg14[%swap3A_195] {strides = array<i32>} : memref<80xi32, #tpu.memory_space<vmem>>, vector<16xi32>,
        tpu.vector_store %arg14[%swap3A_195], %get3A_194 {strides = array<i32>} : memref<80xi32, #tpu.memory_space<vmem>>, vector<16xi32>,
        %add3A_197 = arith.constant 32 : i32
        %add3A_198 = arith.addi %mul3A_184, %add3A_197 : i32
        %get3A_199 = arith.index_cast %add3A_198 : i32 to index
        %get3A_200 = tpu.vector_load %arg11[%get3A_199] {strides = array<i32>} : memref<2000xi32, #tpu.memory_space<vmem>>, vector<16xi32>,
        %swap3A_201 = arith.constant 32 : index
        %swap3A_202 = tpu.vector_load %arg14[%swap3A_201] {strides = array<i32>} : memref<80xi32, #tpu.memory_space<vmem>>, vector<16xi32>,
        tpu.vector_store %arg14[%swap3A_201], %get3A_200 {strides = array<i32>} : memref<80xi32, #tpu.memory_space<vmem>>, vector<16xi32>,
        %add3A_203 = arith.constant 48 : i32
        %add3A_204 = arith.addi %mul3A_184, %add3A_203 : i32
        %get3A_205 = arith.index_cast %add3A_204 : i32 to index
        %get3A_206 = tpu.vector_load %arg11[%get3A_205] {strides = array<i32>} : memref<2000xi32, #tpu.memory_space<vmem>>, vector<16xi32>,
        %swap3A_207 = arith.constant 48 : index
        %swap3A_208 = tpu.vector_load %arg14[%swap3A_207] {strides = array<i32>} : memref<80xi32, #tpu.memory_space<vmem>>, vector<16xi32>,
        tpu.vector_store %arg14[%swap3A_207], %get3A_206 {strides = array<i32>} : memref<80xi32, #tpu.memory_space<vmem>>, vector<16xi32>,
        %add3A_209 = arith.constant 64 : i32
        %add3A_210 = arith.addi %mul3A_184, %add3A_209 : i32
        %get3A_211 = arith.index_cast %add3A_210 : i32 to index
        %get3A_212 = tpu.vector_load %arg11[%get3A_211] {strides = array<i32>} : memref<2000xi32, #tpu.memory_space<vmem>>, vector<16xi32>,
        %swap3A_213 = arith.constant 64 : index
        %swap3A_214 = tpu.vector_load %arg14[%swap3A_213] {strides = array<i32>} : memref<80xi32, #tpu.memory_space<vmem>>, vector<16xi32>,
        tpu.vector_store %arg14[%swap3A_213], %get3A_212 {strides = array<i32>} : memref<80xi32, #tpu.memory_space<vmem>>, vector<16xi32>,
        %dma_start3A_215 = arith.constant 0 : i32
        %dma_start3A_216 = tpu.memref_slice %arg30[%dma_start3A_215] : memref<90112xf32, #tpu.memory_space<vmem_shared>> -> memref<90112xf32, #tpu.memory_space<vmem_shared>>
        tpu.enqueue_indirect_dma source(%arg28 : memref<80xf32, #tpu.memory_space<vmem>>) target(%dma_start3A_216 : memref<90112xf32, #tpu.memory_space<vmem_shared>>) offsets(%arg14 : memref<80xi32, #tpu.memory_space<vmem>>) semaphore(%arg43 : memref<!tpu.dma_semaphore, #tpu.memory_space<semaphore_mem>>) {add = true}
        %mul3A_217 = arith.constant 4 : i32
        %mul3A_218 = arith.muli %mul3A_217, %scan3A_102 : i32
        %add3A_219 = arith.constant 3 : i32
        %add3A_220 = arith.addi %mul3A_218, %add3A_219 : i32
        %mul3A_221 = arith.constant 80 : i32
        %mul3A_222 = arith.muli %add3A_220, %mul3A_221 : i32
        %add3A_223 = arith.constant 0 : i32
        %add3A_224 = arith.addi %mul3A_222, %add3A_223 : i32
        %get3A_225 = arith.index_cast %add3A_224 : i32 to index
        %get3A_226 = tpu.vector_load %arg11[%get3A_225] {strides = array<i32>} : memref<2000xi32, #tpu.memory_space<vmem>>, vector<16xi32>,
        %swap3A_227 = arith.constant 0 : index
        %swap3A_228 = tpu.vector_load %arg15[%swap3A_227] {strides = array<i32>} : memref<80xi32, #tpu.memory_space<vmem>>, vector<16xi32>,
        tpu.vector_store %arg15[%swap3A_227], %get3A_226 {strides = array<i32>} : memref<80xi32, #tpu.memory_space<vmem>>, vector<16xi32>,
        %add3A_229 = arith.constant 16 : i32
        %add3A_230 = arith.addi %mul3A_222, %add3A_229 : i32
        %get3A_231 = arith.index_cast %add3A_230 : i32 to index
        %get3A_232 = tpu.vector_load %arg11[%get3A_231] {strides = array<i32>} : memref<2000xi32, #tpu.memory_space<vmem>>, vector<16xi32>,
        %swap3A_233 = arith.constant 16 : index
        %swap3A_234 = tpu.vector_load %arg15[%swap3A_233] {strides = array<i32>} : memref<80xi32, #tpu.memory_space<vmem>>, vector<16xi32>,
        tpu.vector_store %arg15[%swap3A_233], %get3A_232 {strides = array<i32>} : memref<80xi32, #tpu.memory_space<vmem>>, vector<16xi32>,
        %add3A_235 = arith.constant 32 : i32
        %add3A_236 = arith.addi %mul3A_222, %add3A_235 : i32
        %get3A_237 = arith.index_cast %add3A_236 : i32 to index
        %get3A_238 = tpu.vector_load %arg11[%get3A_237] {strides = array<i32>} : memref<2000xi32, #tpu.memory_space<vmem>>, vector<16xi32>,
        %swap3A_239 = arith.constant 32 : index
        %swap3A_240 = tpu.vector_load %arg15[%swap3A_239] {strides = array<i32>} : memref<80xi32, #tpu.memory_space<vmem>>, vector<16xi32>,
        tpu.vector_store %arg15[%swap3A_239], %get3A_238 {strides = array<i32>} : memref<80xi32, #tpu.memory_space<vmem>>, vector<16xi32>,
        %add3A_241 = arith.constant 48 : i32
        %add3A_242 = arith.addi %mul3A_222, %add3A_241 : i32
        %get3A_243 = arith.index_cast %add3A_242 : i32 to index
        %get3A_244 = tpu.vector_load %arg11[%get3A_243] {strides = array<i32>} : memref<2000xi32, #tpu.memory_space<vmem>>, vector<16xi32>,
        %swap3A_245 = arith.constant 48 : index
        %swap3A_246 = tpu.vector_load %arg15[%swap3A_245] {strides = array<i32>} : memref<80xi32, #tpu.memory_space<vmem>>, vector<16xi32>,
        tpu.vector_store %arg15[%swap3A_245], %get3A_244 {strides = array<i32>} : memref<80xi32, #tpu.memory_space<vmem>>, vector<16xi32>,
        %add3A_247 = arith.constant 64 : i32
        %add3A_248 = arith.addi %mul3A_222, %add3A_247 : i32
        %get3A_249 = arith.index_cast %add3A_248 : i32 to index
        %get3A_250 = tpu.vector_load %arg11[%get3A_249] {strides = array<i32>} : memref<2000xi32, #tpu.memory_space<vmem>>, vector<16xi32>,
        %swap3A_251 = arith.constant 64 : index
        %swap3A_252 = tpu.vector_load %arg15[%swap3A_251] {strides = array<i32>} : memref<80xi32, #tpu.memory_space<vmem>>, vector<16xi32>,
        tpu.vector_store %arg15[%swap3A_251], %get3A_250 {strides = array<i32>} : memref<80xi32, #tpu.memory_space<vmem>>, vector<16xi32>,
        %dma_start3A_253 = arith.constant 0 : i32
        %dma_start3A_254 = tpu.memref_slice %arg30[%dma_start3A_253] : memref<90112xf32, #tpu.memory_space<vmem_shared>> -> memref<90112xf32, #tpu.memory_space<vmem_shared>>
        tpu.enqueue_indirect_dma source(%arg28 : memref<80xf32, #tpu.memory_space<vmem>>) target(%dma_start3A_254 : memref<90112xf32, #tpu.memory_space<vmem_shared>>) offsets(%arg15 : memref<80xi32, #tpu.memory_space<vmem>>) semaphore(%arg44 : memref<!tpu.dma_semaphore, #tpu.memory_space<semaphore_mem>>) {add = true}
        %dma_wait3A_255 = arith.constant 0 : i32
        %dma_wait3A_256 = tpu.memref_slice %arg30[%dma_wait3A_255] : memref<90112xf32, #tpu.memory_space<vmem_shared>> -> memref<90112xf32, #tpu.memory_space<vmem_shared>>
        tpu.wait_indirect_dma semaphore(%arg41 : memref<!tpu.dma_semaphore, #tpu.memory_space<semaphore_mem>>) src(%arg28 : memref<80xf32, #tpu.memory_space<vmem>>) dst(%dma_wait3A_256 : memref<90112xf32, #tpu.memory_space<vmem_shared>>)
        %dma_wait3A_257 = arith.constant 0 : i32
        %dma_wait3A_258 = tpu.memref_slice %arg30[%dma_wait3A_257] : memref<90112xf32, #tpu.memory_space<vmem_shared>> -> memref<90112xf32, #tpu.memory_space<vmem_shared>>
        tpu.wait_indirect_dma semaphore(%arg42 : memref<!tpu.dma_semaphore, #tpu.memory_space<semaphore_mem>>) src(%arg28 : memref<80xf32, #tpu.memory_space<vmem>>) dst(%dma_wait3A_258 : memref<90112xf32, #tpu.memory_space<vmem_shared>>)
        %dma_wait3A_259 = arith.constant 0 : i32
        %dma_wait3A_260 = tpu.memref_slice %arg30[%dma_wait3A_259] : memref<90112xf32, #tpu.memory_space<vmem_shared>> -> memref<90112xf32, #tpu.memory_space<vmem_shared>>
        tpu.wait_indirect_dma semaphore(%arg43 : memref<!tpu.dma_semaphore, #tpu.memory_space<semaphore_mem>>) src(%arg28 : memref<80xf32, #tpu.memory_space<vmem>>) dst(%dma_wait3A_260 : memref<90112xf32, #tpu.memory_space<vmem_shared>>)
        %dma_wait3A_261 = arith.constant 0 : i32
        %dma_wait3A_262 = tpu.memref_slice %arg30[%dma_wait3A_261] : memref<90112xf32, #tpu.memory_space<vmem_shared>> -> memref<90112xf32, #tpu.memory_space<vmem_shared>>
        tpu.wait_indirect_dma semaphore(%arg44 : memref<!tpu.dma_semaphore, #tpu.memory_space<semaphore_mem>>) src(%arg28 : memref<80xf32, #tpu.memory_space<vmem>>) dst(%dma_wait3A_262 : memref<90112xf32, #tpu.memory_space<vmem_shared>>)
      }
      %scan3A_80 = arith.constant 6 : i32
      %get3A = arith.constant 1920 : index
      %get3A_81 = tpu.vector_load %arg11[%get3A] {strides = array<i32>} : memref<2000xi32, #tpu.memory_space<vmem>>, vector<16xi32>,
      %swap3A_82 = arith.constant 0 : index
      %swap3A_83 = tpu.vector_load %arg12[%swap3A_82] {strides = array<i32>} : memref<80xi32, #tpu.memory_space<vmem>>, vector<16xi32>,
      tpu.vector_store %arg12[%swap3A_82], %get3A_81 {strides = array<i32>} : memref<80xi32, #tpu.memory_space<vmem>>, vector<16xi32>,
      %get3A_84 = arith.constant 1936 : index
      %get3A_85 = tpu.vector_load %arg11[%get3A_84] {strides = array<i32>} : memref<2000xi32, #tpu.memory_space<vmem>>, vector<16xi32>,
      %swap3A_86 = arith.constant 16 : index
      %swap3A_87 = tpu.vector_load %arg12[%swap3A_86] {strides = array<i32>} : memref<80xi32, #tpu.memory_space<vmem>>, vector<16xi32>,
      tpu.vector_store %arg12[%swap3A_86], %get3A_85 {strides = array<i32>} : memref<80xi32, #tpu.memory_space<vmem>>, vector<16xi32>,
      %get3A_88 = arith.constant 1952 : index
      %get3A_89 = tpu.vector_load %arg11[%get3A_88] {strides = array<i32>} : memref<2000xi32, #tpu.memory_space<vmem>>, vector<16xi32>,
      %swap3A_90 = arith.constant 32 : index
      %swap3A_91 = tpu.vector_load %arg12[%swap3A_90] {strides = array<i32>} : memref<80xi32, #tpu.memory_space<vmem>>, vector<16xi32>,
      tpu.vector_store %arg12[%swap3A_90], %get3A_89 {strides = array<i32>} : memref<80xi32, #tpu.memory_space<vmem>>, vector<16xi32>,
      %get3A_92 = arith.constant 1968 : index
      %get3A_93 = tpu.vector_load %arg11[%get3A_92] {strides = array<i32>} : memref<2000xi32, #tpu.memory_space<vmem>>, vector<16xi32>,
      %swap3A_94 = arith.constant 48 : index
      %swap3A_95 = tpu.vector_load %arg12[%swap3A_94] {strides = array<i32>} : memref<80xi32, #tpu.memory_space<vmem>>, vector<16xi32>,
      tpu.vector_store %arg12[%swap3A_94], %get3A_93 {strides = array<i32>} : memref<80xi32, #tpu.memory_space<vmem>>, vector<16xi32>,
      %get3A_96 = arith.constant 1984 : index
      %get3A_97 = tpu.vector_load %arg11[%get3A_96] {strides = array<i32>} : memref<2000xi32, #tpu.memory_space<vmem>>, vector<16xi32>,
      %swap3A_98 = arith.constant 64 : index
      %swap3A_99 = tpu.vector_load %arg12[%swap3A_98] {strides = array<i32>} : memref<80xi32, #tpu.memory_space<vmem>>, vector<16xi32>,
      tpu.vector_store %arg12[%swap3A_98], %get3A_97 {strides = array<i32>} : memref<80xi32, #tpu.memory_space<vmem>>, vector<16xi32>,
      %dma_start3A = arith.constant 0 : i32
      %dma_start3A_100 = tpu.memref_slice %arg30[%dma_start3A] : memref<90112xf32, #tpu.memory_space<vmem_shared>> -> memref<90112xf32, #tpu.memory_space<vmem_shared>>
      tpu.enqueue_indirect_dma source(%arg28 : memref<80xf32, #tpu.memory_space<vmem>>) target(%dma_start3A_100 : memref<90112xf32, #tpu.memory_space<vmem_shared>>) offsets(%arg12 : memref<80xi32, #tpu.memory_space<vmem>>) semaphore(%arg41 : memref<!tpu.dma_semaphore, #tpu.memory_space<semaphore_mem>>) {add = true}
      %dma_wait3A = arith.constant 0 : i32
      %dma_wait3A_101 = tpu.memref_slice %arg30[%dma_wait3A] : memref<90112xf32, #tpu.memory_space<vmem_shared>> -> memref<90112xf32, #tpu.memory_space<vmem_shared>>
      tpu.wait_indirect_dma semaphore(%arg41 : memref<!tpu.dma_semaphore, #tpu.memory_space<semaphore_mem>>) src(%arg28 : memref<80xf32, #tpu.memory_space<vmem>>) dst(%dma_wait3A_101 : memref<90112xf32, #tpu.memory_space<vmem_shared>>)
    }
    %scan3A_25 = arith.constant 10 : i32
    %barrier3A_26 = arith.constant 0 : index
    tpu.barrier barrier_id(%barrier3A_26)
    %mul3A_27 = arith.constant 5632 : i32
    %mul3A_28 = arith.muli %arg1, %mul3A_27 : i32
    %add3A = arith.constant 0 : i32
    %add3A_29 = arith.addi %mul3A_28, %add3A : i32
    "tpu.region"() ({
      %run_scoped3A = tpu.sem_alloc : memref<!tpu.dma_semaphore, #tpu.memory_space<semaphore_mem>>
      %dma_start3A = tpu.memref_slice %arg30[%add3A_29] : memref<90112xf32, #tpu.memory_space<vmem_shared>> -> memref<2816xf32, #tpu.memory_space<vmem_shared>>
      %dma_start3A_63 = tpu.memref_slice %arg30[%add3A_29] : memref<90112xf32, #tpu.memory_space<vmem_shared>> -> memref<2816xf32, #tpu.memory_space<vmem_shared>>
      tpu.enqueue_dma source(%dma_start3A_63 : memref<2816xf32, #tpu.memory_space<vmem_shared>>) target(%arg29 : memref<2816xf32, #tpu.memory_space<vmem>>) target_semaphore(%run_scoped3A : memref<!tpu.dma_semaphore, #tpu.memory_space<semaphore_mem>>)
      %dma_wait3A = tpu.memref_slice %arg30[%add3A_29] : memref<90112xf32, #tpu.memory_space<vmem_shared>> -> memref<2816xf32, #tpu.memory_space<vmem_shared>>
      %dma_wait3A_64 = tpu.memref_slice %arg30[%add3A_29] : memref<90112xf32, #tpu.memory_space<vmem_shared>> -> memref<2816xf32, #tpu.memory_space<vmem_shared>>
      tpu.wait_dma2 semaphore(%run_scoped3A : memref<!tpu.dma_semaphore, #tpu.memory_space<semaphore_mem>>) src(%dma_wait3A_64 : memref<2816xf32, #tpu.memory_space<vmem_shared>>) dst(%arg29 : memref<2816xf32, #tpu.memory_space<vmem>>)
      tpu.yield
    }) : () -> ()
    %scan3A_30 = arith.constant 0 : i32
    %scan3A_31 = arith.constant 0 : i32
    %scan3A_32 = arith.constant 176 : i32
    %scan3A_33 = arith.addi %scan3A_31, %scan3A_32 : i32
    %scan3A_34 = arith.constant 1 : i32
    scf.for %scan3A_63 = %scan3A_31 to %scan3A_33 step %scan3A_34  : i32 {
      %mul3A_64 = arith.constant 16 : i32
      %mul3A_65 = arith.muli %scan3A_63, %mul3A_64 : i32
      %get3A = arith.index_cast %mul3A_65 : i32 to index
      %get3A_66 = tpu.vector_load %arg29[%get3A] {strides = array<i32>} : memref<2816xf32, #tpu.memory_space<vmem>>, vector<16xf32>,
      %max3A = arith.constant 1.000000e+00 : f32
      %max3A_67 = vector.broadcast %max3A : f32 to vector<16xf32>
      %max3A_68 = arith.maximumf %get3A_66, %max3A_67 : vector<16xf32>
      %div3A = arith.constant 1.000000e+00 : f32
      %div3A_69 = vector.broadcast %div3A : f32 to vector<16xf32>
      %div3A_70 = arith.divf %div3A_69, %max3A_68 : vector<16xf32>
      %swap3A_71 = arith.index_cast %mul3A_65 : i32 to index
      %swap3A_72 = tpu.vector_load %arg29[%swap3A_71] {strides = array<i32>} : memref<2816xf32, #tpu.memory_space<vmem>>, vector<16xf32>,
      tpu.vector_store %arg29[%swap3A_71], %div3A_70 {strides = array<i32>} : memref<2816xf32, #tpu.memory_space<vmem>>, vector<16xf32>,
    }
    %scan3A_35 = arith.constant 176 : i32
    "tpu.region"() ({
      %run_scoped3A = tpu.sem_alloc : memref<!tpu.dma_semaphore, #tpu.memory_space<semaphore_mem>>
      %dma_start3A = tpu.memref_slice %arg30[%add3A_29] : memref<90112xf32, #tpu.memory_space<vmem_shared>> -> memref<2816xf32, #tpu.memory_space<vmem_shared>>
      %dma_start3A_63 = tpu.memref_slice %arg30[%add3A_29] : memref<90112xf32, #tpu.memory_space<vmem_shared>> -> memref<2816xf32, #tpu.memory_space<vmem_shared>>
      tpu.enqueue_dma source(%arg29 : memref<2816xf32, #tpu.memory_space<vmem>>) target(%dma_start3A_63 : memref<2816xf32, #tpu.memory_space<vmem_shared>>) target_semaphore(%run_scoped3A : memref<!tpu.dma_semaphore, #tpu.memory_space<semaphore_mem>>)
      %dma_wait3A = tpu.memref_slice %arg30[%add3A_29] : memref<90112xf32, #tpu.memory_space<vmem_shared>> -> memref<2816xf32, #tpu.memory_space<vmem_shared>>
      %dma_wait3A_64 = tpu.memref_slice %arg30[%add3A_29] : memref<90112xf32, #tpu.memory_space<vmem_shared>> -> memref<2816xf32, #tpu.memory_space<vmem_shared>>
      tpu.wait_dma2 semaphore(%run_scoped3A : memref<!tpu.dma_semaphore, #tpu.memory_space<semaphore_mem>>) src(%arg29 : memref<2816xf32, #tpu.memory_space<vmem>>) dst(%dma_wait3A_64 : memref<2816xf32, #tpu.memory_space<vmem_shared>>)
      tpu.yield
    }) : () -> ()
    %mul3A_36 = arith.constant 5632 : i32
    %mul3A_37 = arith.muli %arg1, %mul3A_36 : i32
    %add3A_38 = arith.constant 2816 : i32
    %add3A_39 = arith.addi %mul3A_37, %add3A_38 : i32
    "tpu.region"() ({
      %run_scoped3A = tpu.sem_alloc : memref<!tpu.dma_semaphore, #tpu.memory_space<semaphore_mem>>
      %dma_start3A = tpu.memref_slice %arg30[%add3A_39] : memref<90112xf32, #tpu.memory_space<vmem_shared>> -> memref<2816xf32, #tpu.memory_space<vmem_shared>>
      %dma_start3A_63 = tpu.memref_slice %arg30[%add3A_39] : memref<90112xf32, #tpu.memory_space<vmem_shared>> -> memref<2816xf32, #tpu.memory_space<vmem_shared>>
      tpu.enqueue_dma source(%dma_start3A_63 : memref<2816xf32, #tpu.memory_space<vmem_shared>>) target(%arg29 : memref<2816xf32, #tpu.memory_space<vmem>>) target_semaphore(%run_scoped3A : memref<!tpu.dma_semaphore, #tpu.memory_space<semaphore_mem>>)
      %dma_wait3A = tpu.memref_slice %arg30[%add3A_39] : memref<90112xf32, #tpu.memory_space<vmem_shared>> -> memref<2816xf32, #tpu.memory_space<vmem_shared>>
      %dma_wait3A_64 = tpu.memref_slice %arg30[%add3A_39] : memref<90112xf32, #tpu.memory_space<vmem_shared>> -> memref<2816xf32, #tpu.memory_space<vmem_shared>>
      tpu.wait_dma2 semaphore(%run_scoped3A : memref<!tpu.dma_semaphore, #tpu.memory_space<semaphore_mem>>) src(%dma_wait3A_64 : memref<2816xf32, #tpu.memory_space<vmem_shared>>) dst(%arg29 : memref<2816xf32, #tpu.memory_space<vmem>>)
      tpu.yield
    }) : () -> ()
    %scan3A_40 = arith.constant 0 : i32
    %scan3A_41 = arith.constant 0 : i32
    %scan3A_42 = arith.constant 176 : i32
    %scan3A_43 = arith.addi %scan3A_41, %scan3A_42 : i32
    %scan3A_44 = arith.constant 1 : i32
    scf.for %scan3A_63 = %scan3A_41 to %scan3A_43 step %scan3A_44  : i32 {
      %mul3A_64 = arith.constant 16 : i32
      %mul3A_65 = arith.muli %scan3A_63, %mul3A_64 : i32
      %get3A = arith.index_cast %mul3A_65 : i32 to index
      %get3A_66 = tpu.vector_load %arg29[%get3A] {strides = array<i32>} : memref<2816xf32, #tpu.memory_space<vmem>>, vector<16xf32>,
      %max3A = arith.constant 1.000000e+00 : f32
      %max3A_67 = vector.broadcast %max3A : f32 to vector<16xf32>
      %max3A_68 = arith.maximumf %get3A_66, %max3A_67 : vector<16xf32>
      %div3A = arith.constant 1.000000e+00 : f32
      %div3A_69 = vector.broadcast %div3A : f32 to vector<16xf32>
      %div3A_70 = arith.divf %div3A_69, %max3A_68 : vector<16xf32>
      %swap3A_71 = arith.index_cast %mul3A_65 : i32 to index
      %swap3A_72 = tpu.vector_load %arg29[%swap3A_71] {strides = array<i32>} : memref<2816xf32, #tpu.memory_space<vmem>>, vector<16xf32>,
      tpu.vector_store %arg29[%swap3A_71], %div3A_70 {strides = array<i32>} : memref<2816xf32, #tpu.memory_space<vmem>>, vector<16xf32>,
    }
    %scan3A_45 = arith.constant 176 : i32
    "tpu.region"() ({
      %run_scoped3A = tpu.sem_alloc : memref<!tpu.dma_semaphore, #tpu.memory_space<semaphore_mem>>
      %dma_start3A = tpu.memref_slice %arg30[%add3A_39] : memref<90112xf32, #tpu.memory_space<vmem_shared>> -> memref<2816xf32, #tpu.memory_space<vmem_shared>>
      %dma_start3A_63 = tpu.memref_slice %arg30[%add3A_39] : memref<90112xf32, #tpu.memory_space<vmem_shared>> -> memref<2816xf32, #tpu.memory_space<vmem_shared>>
      tpu.enqueue_dma source(%arg29 : memref<2816xf32, #tpu.memory_space<vmem>>) target(%dma_start3A_63 : memref<2816xf32, #tpu.memory_space<vmem_shared>>) target_semaphore(%run_scoped3A : memref<!tpu.dma_semaphore, #tpu.memory_space<semaphore_mem>>)
      %dma_wait3A = tpu.memref_slice %arg30[%add3A_39] : memref<90112xf32, #tpu.memory_space<vmem_shared>> -> memref<2816xf32, #tpu.memory_space<vmem_shared>>
      %dma_wait3A_64 = tpu.memref_slice %arg30[%add3A_39] : memref<90112xf32, #tpu.memory_space<vmem_shared>> -> memref<2816xf32, #tpu.memory_space<vmem_shared>>
      tpu.wait_dma2 semaphore(%run_scoped3A : memref<!tpu.dma_semaphore, #tpu.memory_space<semaphore_mem>>) src(%arg29 : memref<2816xf32, #tpu.memory_space<vmem>>) dst(%dma_wait3A_64 : memref<2816xf32, #tpu.memory_space<vmem_shared>>)
      tpu.yield
    }) : () -> ()
    %barrier3A_46 = arith.constant 0 : index
    tpu.barrier barrier_id(%barrier3A_46)
    %mul3A_47 = arith.constant 160000 : i32
    %mul3A_48 = arith.muli %arg0, %mul3A_47 : i32
    %mul3A_49 = arith.constant 10000 : i32
    %mul3A_50 = arith.muli %arg1, %mul3A_49 : i32
    %add3A_51 = arith.addi %mul3A_48, %mul3A_50 : i32
    %scan3A_52 = arith.constant 0 : i32
    %scan3A_53 = arith.constant 0 : i32
    %scan3A_54 = arith.constant 5 : i32
    %scan3A_55 = arith.addi %scan3A_53, %scan3A_54 : i32
    %scan3A_56 = arith.constant 1 : i32
    scf.for %scan3A_63 = %scan3A_53 to %scan3A_55 step %scan3A_56  : i32 {
      %mul3A_64 = arith.constant 2000 : i32
      %mul3A_65 = arith.muli %scan3A_63, %mul3A_64 : i32
      %add3A_66 = arith.addi %add3A_51, %mul3A_65 : i32
      "tpu.region"() ({
        %run_scoped3A = tpu.sem_alloc : memref<!tpu.dma_semaphore, #tpu.memory_space<semaphore_mem>>
        %dma_start3A_158 = tpu.memref_slice %arg3[%add3A_66] : memref<320000xi32, #tpu.memory_space<hbm>> -> memref<2000xi32, #tpu.memory_space<hbm>>
        %dma_start3A_159 = tpu.memref_slice %arg3[%add3A_66] : memref<320000xi32, #tpu.memory_space<hbm>> -> memref<2000xi32, #tpu.memory_space<hbm>>
        tpu.enqueue_dma source(%dma_start3A_159 : memref<2000xi32, #tpu.memory_space<hbm>>) target(%arg9 : memref<2000xi32, #tpu.memory_space<vmem>>) target_semaphore(%run_scoped3A : memref<!tpu.dma_semaphore, #tpu.memory_space<semaphore_mem>>)
        %dma_wait3A_160 = tpu.memref_slice %arg3[%add3A_66] : memref<320000xi32, #tpu.memory_space<hbm>> -> memref<2000xi32, #tpu.memory_space<hbm>>
        %dma_wait3A_161 = tpu.memref_slice %arg3[%add3A_66] : memref<320000xi32, #tpu.memory_space<hbm>> -> memref<2000xi32, #tpu.memory_space<hbm>>
        tpu.wait_dma2 semaphore(%run_scoped3A : memref<!tpu.dma_semaphore, #tpu.memory_space<semaphore_mem>>) src(%dma_wait3A_161 : memref<2000xi32, #tpu.memory_space<hbm>>) dst(%arg9 : memref<2000xi32, #tpu.memory_space<vmem>>)
        tpu.yield
      }) : () -> ()
      "tpu.region"() ({
        %run_scoped3A = tpu.sem_alloc : memref<!tpu.dma_semaphore, #tpu.memory_space<semaphore_mem>>
        %dma_start3A_158 = tpu.memref_slice %arg4[%add3A_66] : memref<320000xi32, #tpu.memory_space<hbm>> -> memref<2000xi32, #tpu.memory_space<hbm>>
        %dma_start3A_159 = tpu.memref_slice %arg4[%add3A_66] : memref<320000xi32, #tpu.memory_space<hbm>> -> memref<2000xi32, #tpu.memory_space<hbm>>
        tpu.enqueue_dma source(%dma_start3A_159 : memref<2000xi32, #tpu.memory_space<hbm>>) target(%arg10 : memref<2000xi32, #tpu.memory_space<vmem>>) target_semaphore(%run_scoped3A : memref<!tpu.dma_semaphore, #tpu.memory_space<semaphore_mem>>)
        %dma_wait3A_160 = tpu.memref_slice %arg4[%add3A_66] : memref<320000xi32, #tpu.memory_space<hbm>> -> memref<2000xi32, #tpu.memory_space<hbm>>
        %dma_wait3A_161 = tpu.memref_slice %arg4[%add3A_66] : memref<320000xi32, #tpu.memory_space<hbm>> -> memref<2000xi32, #tpu.memory_space<hbm>>
        tpu.wait_dma2 semaphore(%run_scoped3A : memref<!tpu.dma_semaphore, #tpu.memory_space<semaphore_mem>>) src(%dma_wait3A_161 : memref<2000xi32, #tpu.memory_space<hbm>>) dst(%arg10 : memref<2000xi32, #tpu.memory_space<vmem>>)
        tpu.yield
      }) : () -> ()
      "tpu.region"() ({
        %run_scoped3A = tpu.sem_alloc : memref<!tpu.dma_semaphore, #tpu.memory_space<semaphore_mem>>
        %dma_start3A_158 = tpu.memref_slice %arg5[%add3A_66] : memref<320000xi32, #tpu.memory_space<hbm>> -> memref<2000xi32, #tpu.memory_space<hbm>>
        %dma_start3A_159 = tpu.memref_slice %arg5[%add3A_66] : memref<320000xi32, #tpu.memory_space<hbm>> -> memref<2000xi32, #tpu.memory_space<hbm>>
        tpu.enqueue_dma source(%dma_start3A_159 : memref<2000xi32, #tpu.memory_space<hbm>>) target(%arg11 : memref<2000xi32, #tpu.memory_space<vmem>>) target_semaphore(%run_scoped3A : memref<!tpu.dma_semaphore, #tpu.memory_space<semaphore_mem>>)
        %dma_wait3A_160 = tpu.memref_slice %arg5[%add3A_66] : memref<320000xi32, #tpu.memory_space<hbm>> -> memref<2000xi32, #tpu.memory_space<hbm>>
        %dma_wait3A_161 = tpu.memref_slice %arg5[%add3A_66] : memref<320000xi32, #tpu.memory_space<hbm>> -> memref<2000xi32, #tpu.memory_space<hbm>>
        tpu.wait_dma2 semaphore(%run_scoped3A : memref<!tpu.dma_semaphore, #tpu.memory_space<semaphore_mem>>) src(%dma_wait3A_161 : memref<2000xi32, #tpu.memory_space<hbm>>) dst(%arg11 : memref<2000xi32, #tpu.memory_space<vmem>>)
        tpu.yield
      }) : () -> ()
      %scan3A_67 = arith.constant 0 : i32
      %scan3A_68 = arith.constant 0 : i32
      %scan3A_69 = arith.constant 125 : i32
      %scan3A_70 = arith.addi %scan3A_68, %scan3A_69 : i32
      %scan3A_71 = arith.constant 1 : i32
      scf.for %scan3A_158 = %scan3A_68 to %scan3A_70 step %scan3A_71  : i32 {
        %mul3A_159 = arith.constant 16 : i32
        %mul3A_160 = arith.muli %scan3A_158, %mul3A_159 : i32
        %get3A_161 = arith.index_cast %mul3A_160 : i32 to index
        %get3A_162 = tpu.vector_load %arg11[%get3A_161] {strides = array<i32>} : memref<2000xi32, #tpu.memory_space<vmem>>, vector<16xi32>,
        %mul3A_163 = arith.constant 10000 : i32
        %mul3A_164 = vector.broadcast %mul3A_163 : i32 to vector<16xi32>
        %mul3A_165 = arith.muli %get3A_162, %mul3A_164 : vector<16xi32>
        %get3A_166 = arith.index_cast %mul3A_160 : i32 to index
        %get3A_167 = tpu.vector_load %arg9[%get3A_166] {strides = array<i32>} : memref<2000xi32, #tpu.memory_space<vmem>>, vector<16xi32>,
        %add3A_168 = arith.addi %mul3A_165, %get3A_167 : vector<16xi32>
        %swap3A_169 = arith.index_cast %mul3A_160 : i32 to index
        %swap3A_170 = tpu.vector_load %arg9[%swap3A_169] {strides = array<i32>} : memref<2000xi32, #tpu.memory_space<vmem>>, vector<16xi32>,
        tpu.vector_store %arg9[%swap3A_169], %add3A_168 {strides = array<i32>} : memref<2000xi32, #tpu.memory_space<vmem>>, vector<16xi32>,
        %get3A_171 = arith.index_cast %mul3A_160 : i32 to index
        %get3A_172 = tpu.vector_load %arg10[%get3A_171] {strides = array<i32>} : memref<2000xi32, #tpu.memory_space<vmem>>, vector<16xi32>,
        %mul3A_173 = arith.constant 9 : i32
        %mul3A_174 = vector.broadcast %mul3A_173 : i32 to vector<16xi32>
        %mul3A_175 = arith.muli %get3A_172, %mul3A_174 : vector<16xi32>
        %get3A_176 = arith.index_cast %mul3A_160 : i32 to index
        %get3A_177 = tpu.vector_load %arg11[%get3A_176] {strides = array<i32>} : memref<2000xi32, #tpu.memory_space<vmem>>, vector<16xi32>,
        %add3A_178 = arith.addi %mul3A_175, %get3A_177 : vector<16xi32>
        %swap3A_179 = arith.index_cast %mul3A_160 : i32 to index
        %swap3A_180 = tpu.vector_load %arg11[%swap3A_179] {strides = array<i32>} : memref<2000xi32, #tpu.memory_space<vmem>>, vector<16xi32>,
        tpu.vector_store %arg11[%swap3A_179], %add3A_178 {strides = array<i32>} : memref<2000xi32, #tpu.memory_space<vmem>>, vector<16xi32>,
      }
      %scan3A_72 = arith.constant 125 : i32
      %scan3A_73 = arith.constant 0 : i32
      %scan3A_74 = arith.constant 0 : i32
      %scan3A_75 = arith.constant 8 : i32
      %scan3A_76 = arith.addi %scan3A_74, %scan3A_75 : i32
      %scan3A_77 = arith.constant 1 : i32
      scf.for %scan3A_158 = %scan3A_74 to %scan3A_76 step %scan3A_77  : i32 {
        %mul3A_159 = arith.constant 3 : i32
        %mul3A_160 = arith.muli %mul3A_159, %scan3A_158 : i32
        %add3A_161 = arith.constant 0 : i32
        %add3A_162 = arith.addi %mul3A_160, %add3A_161 : i32
        %mul3A_163 = arith.constant 80 : i32
        %mul3A_164 = arith.muli %add3A_162, %mul3A_163 : i32
        %add3A_165 = arith.constant 0 : i32
        %add3A_166 = arith.addi %mul3A_164, %add3A_165 : i32
        %get3A_167 = arith.index_cast %add3A_166 : i32 to index
        %get3A_168 = tpu.vector_load %arg10[%get3A_167] {strides = array<i32>} : memref<2000xi32, #tpu.memory_space<vmem>>, vector<16xi32>,
        %swap3A_169 = arith.constant 0 : index
        %swap3A_170 = tpu.vector_load %arg12[%swap3A_169] {strides = array<i32>} : memref<80xi32, #tpu.memory_space<vmem>>, vector<16xi32>,
        tpu.vector_store %arg12[%swap3A_169], %get3A_168 {strides = array<i32>} : memref<80xi32, #tpu.memory_space<vmem>>, vector<16xi32>,
        %get3A_171 = arith.index_cast %add3A_166 : i32 to index
        %get3A_172 = tpu.vector_load %arg9[%get3A_171] {strides = array<i32>} : memref<2000xi32, #tpu.memory_space<vmem>>, vector<16xi32>,
        %swap3A_173 = arith.constant 0 : index
        %swap3A_174 = tpu.vector_load %arg16[%swap3A_173] {strides = array<i32>} : memref<80xi32, #tpu.memory_space<vmem>>, vector<16xi32>,
        tpu.vector_store %arg16[%swap3A_173], %get3A_172 {strides = array<i32>} : memref<80xi32, #tpu.memory_space<vmem>>, vector<16xi32>,
        %get3A_175 = arith.index_cast %add3A_166 : i32 to index
        %get3A_176 = tpu.vector_load %arg11[%get3A_175] {strides = array<i32>} : memref<2000xi32, #tpu.memory_space<vmem>>, vector<16xi32>,
        %swap3A_177 = arith.constant 0 : index
        %swap3A_178 = tpu.vector_load %arg19[%swap3A_177] {strides = array<i32>} : memref<80xi32, #tpu.memory_space<vmem>>, vector<16xi32>,
        tpu.vector_store %arg19[%swap3A_177], %get3A_176 {strides = array<i32>} : memref<80xi32, #tpu.memory_space<vmem>>, vector<16xi32>,
        %add3A_179 = arith.constant 16 : i32
        %add3A_180 = arith.addi %mul3A_164, %add3A_179 : i32
        %get3A_181 = arith.index_cast %add3A_180 : i32 to index
        %get3A_182 = tpu.vector_load %arg10[%get3A_181] {strides = array<i32>} : memref<2000xi32, #tpu.memory_space<vmem>>, vector<16xi32>,
        %swap3A_183 = arith.constant 16 : index
        %swap3A_184 = tpu.vector_load %arg12[%swap3A_183] {strides = array<i32>} : memref<80xi32, #tpu.memory_space<vmem>>, vector<16xi32>,
        tpu.vector_store %arg12[%swap3A_183], %get3A_182 {strides = array<i32>} : memref<80xi32, #tpu.memory_space<vmem>>, vector<16xi32>,
        %get3A_185 = arith.index_cast %add3A_180 : i32 to index
        %get3A_186 = tpu.vector_load %arg9[%get3A_185] {strides = array<i32>} : memref<2000xi32, #tpu.memory_space<vmem>>, vector<16xi32>,
        %swap3A_187 = arith.constant 16 : index
        %swap3A_188 = tpu.vector_load %arg16[%swap3A_187] {strides = array<i32>} : memref<80xi32, #tpu.memory_space<vmem>>, vector<16xi32>,
        tpu.vector_store %arg16[%swap3A_187], %get3A_186 {strides = array<i32>} : memref<80xi32, #tpu.memory_space<vmem>>, vector<16xi32>,
        %get3A_189 = arith.index_cast %add3A_180 : i32 to index
        %get3A_190 = tpu.vector_load %arg11[%get3A_189] {strides = array<i32>} : memref<2000xi32, #tpu.memory_space<vmem>>, vector<16xi32>,
        %swap3A_191 = arith.constant 16 : index
        %swap3A_192 = tpu.vector_load %arg19[%swap3A_191] {strides = array<i32>} : memref<80xi32, #tpu.memory_space<vmem>>, vector<16xi32>,
        tpu.vector_store %arg19[%swap3A_191], %get3A_190 {strides = array<i32>} : memref<80xi32, #tpu.memory_space<vmem>>, vector<16xi32>,
        %add3A_193 = arith.constant 32 : i32
        %add3A_194 = arith.addi %mul3A_164, %add3A_193 : i32
        %get3A_195 = arith.index_cast %add3A_194 : i32 to index
        %get3A_196 = tpu.vector_load %arg10[%get3A_195] {strides = array<i32>} : memref<2000xi32, #tpu.memory_space<vmem>>, vector<16xi32>,
        %swap3A_197 = arith.constant 32 : index
        %swap3A_198 = tpu.vector_load %arg12[%swap3A_197] {strides = array<i32>} : memref<80xi32, #tpu.memory_space<vmem>>, vector<16xi32>,
        tpu.vector_store %arg12[%swap3A_197], %get3A_196 {strides = array<i32>} : memref<80xi32, #tpu.memory_space<vmem>>, vector<16xi32>,
        %get3A_199 = arith.index_cast %add3A_194 : i32 to index
        %get3A_200 = tpu.vector_load %arg9[%get3A_199] {strides = array<i32>} : memref<2000xi32, #tpu.memory_space<vmem>>, vector<16xi32>,
        %swap3A_201 = arith.constant 32 : index
        %swap3A_202 = tpu.vector_load %arg16[%swap3A_201] {strides = array<i32>} : memref<80xi32, #tpu.memory_space<vmem>>, vector<16xi32>,
        tpu.vector_store %arg16[%swap3A_201], %get3A_200 {strides = array<i32>} : memref<80xi32, #tpu.memory_space<vmem>>, vector<16xi32>,
        %get3A_203 = arith.index_cast %add3A_194 : i32 to index
        %get3A_204 = tpu.vector_load %arg11[%get3A_203] {strides = array<i32>} : memref<2000xi32, #tpu.memory_space<vmem>>, vector<16xi32>,
        %swap3A_205 = arith.constant 32 : index
        %swap3A_206 = tpu.vector_load %arg19[%swap3A_205] {strides = array<i32>} : memref<80xi32, #tpu.memory_space<vmem>>, vector<16xi32>,
        tpu.vector_store %arg19[%swap3A_205], %get3A_204 {strides = array<i32>} : memref<80xi32, #tpu.memory_space<vmem>>, vector<16xi32>,
        %add3A_207 = arith.constant 48 : i32
        %add3A_208 = arith.addi %mul3A_164, %add3A_207 : i32
        %get3A_209 = arith.index_cast %add3A_208 : i32 to index
        %get3A_210 = tpu.vector_load %arg10[%get3A_209] {strides = array<i32>} : memref<2000xi32, #tpu.memory_space<vmem>>, vector<16xi32>,
        %swap3A_211 = arith.constant 48 : index
        %swap3A_212 = tpu.vector_load %arg12[%swap3A_211] {strides = array<i32>} : memref<80xi32, #tpu.memory_space<vmem>>, vector<16xi32>,
        tpu.vector_store %arg12[%swap3A_211], %get3A_210 {strides = array<i32>} : memref<80xi32, #tpu.memory_space<vmem>>, vector<16xi32>,
        %get3A_213 = arith.index_cast %add3A_208 : i32 to index
        %get3A_214 = tpu.vector_load %arg9[%get3A_213] {strides = array<i32>} : memref<2000xi32, #tpu.memory_space<vmem>>, vector<16xi32>,
        %swap3A_215 = arith.constant 48 : index
        %swap3A_216 = tpu.vector_load %arg16[%swap3A_215] {strides = array<i32>} : memref<80xi32, #tpu.memory_space<vmem>>, vector<16xi32>,
        tpu.vector_store %arg16[%swap3A_215], %get3A_214 {strides = array<i32>} : memref<80xi32, #tpu.memory_space<vmem>>, vector<16xi32>,
        %get3A_217 = arith.index_cast %add3A_208 : i32 to index
        %get3A_218 = tpu.vector_load %arg11[%get3A_217] {strides = array<i32>} : memref<2000xi32, #tpu.memory_space<vmem>>, vector<16xi32>,
        %swap3A_219 = arith.constant 48 : index
        %swap3A_220 = tpu.vector_load %arg19[%swap3A_219] {strides = array<i32>} : memref<80xi32, #tpu.memory_space<vmem>>, vector<16xi32>,
        tpu.vector_store %arg19[%swap3A_219], %get3A_218 {strides = array<i32>} : memref<80xi32, #tpu.memory_space<vmem>>, vector<16xi32>,
        %add3A_221 = arith.constant 64 : i32
        %add3A_222 = arith.addi %mul3A_164, %add3A_221 : i32
        %get3A_223 = arith.index_cast %add3A_222 : i32 to index
        %get3A_224 = tpu.vector_load %arg10[%get3A_223] {strides = array<i32>} : memref<2000xi32, #tpu.memory_space<vmem>>, vector<16xi32>,
        %swap3A_225 = arith.constant 64 : index
        %swap3A_226 = tpu.vector_load %arg12[%swap3A_225] {strides = array<i32>} : memref<80xi32, #tpu.memory_space<vmem>>, vector<16xi32>,
        tpu.vector_store %arg12[%swap3A_225], %get3A_224 {strides = array<i32>} : memref<80xi32, #tpu.memory_space<vmem>>, vector<16xi32>,
        %get3A_227 = arith.index_cast %add3A_222 : i32 to index
        %get3A_228 = tpu.vector_load %arg9[%get3A_227] {strides = array<i32>} : memref<2000xi32, #tpu.memory_space<vmem>>, vector<16xi32>,
        %swap3A_229 = arith.constant 64 : index
        %swap3A_230 = tpu.vector_load %arg16[%swap3A_229] {strides = array<i32>} : memref<80xi32, #tpu.memory_space<vmem>>, vector<16xi32>,
        tpu.vector_store %arg16[%swap3A_229], %get3A_228 {strides = array<i32>} : memref<80xi32, #tpu.memory_space<vmem>>, vector<16xi32>,
        %get3A_231 = arith.index_cast %add3A_222 : i32 to index
        %get3A_232 = tpu.vector_load %arg11[%get3A_231] {strides = array<i32>} : memref<2000xi32, #tpu.memory_space<vmem>>, vector<16xi32>,
        %swap3A_233 = arith.constant 64 : index
        %swap3A_234 = tpu.vector_load %arg19[%swap3A_233] {strides = array<i32>} : memref<80xi32, #tpu.memory_space<vmem>>, vector<16xi32>,
        tpu.vector_store %arg19[%swap3A_233], %get3A_232 {strides = array<i32>} : memref<80xi32, #tpu.memory_space<vmem>>, vector<16xi32>,
        %dma_start3A_235 = arith.constant 0 : i32
        %dma_start3A_236 = tpu.memref_slice %arg30[%dma_start3A_235] : memref<90112xf32, #tpu.memory_space<vmem_shared>> -> memref<90112xf32, #tpu.memory_space<vmem_shared>>
        tpu.enqueue_indirect_dma source(%dma_start3A_236 : memref<90112xf32, #tpu.memory_space<vmem_shared>>) target(%arg22 : memref<80xf32, #tpu.memory_space<vmem>>) offsets(%arg19 : memref<80xi32, #tpu.memory_space<vmem>>) semaphore(%arg35 : memref<!tpu.dma_semaphore, #tpu.memory_space<semaphore_mem>>)
        %dma_start3A_237 = arith.constant 0 : i32
        %dma_start3A_238 = arith.constant 0 : i32
        %dma_start3A_239 = tpu.memref_slice %arg2[%dma_start3A_237, %dma_start3A_238] : memref<100000x128xf32, #tpu.memory_space<hbm>> -> memref<100000x128xf32, #tpu.memory_space<hbm>>
        tpu.enqueue_indirect_dma source(%dma_start3A_239 : memref<100000x128xf32, #tpu.memory_space<hbm>>) target(%arg25 : memref<80x128xf32, #tpu.memory_space<vmem>>) offsets(%arg16 : memref<80xi32, #tpu.memory_space<vmem>>) semaphore(%arg32 : memref<!tpu.dma_semaphore, #tpu.memory_space<semaphore_mem>>)
        %mul3A_240 = arith.constant 3 : i32
        %mul3A_241 = arith.muli %mul3A_240, %scan3A_158 : i32
        %add3A_242 = arith.constant 1 : i32
        %add3A_243 = arith.addi %mul3A_241, %add3A_242 : i32
        %mul3A_244 = arith.constant 80 : i32
        %mul3A_245 = arith.muli %add3A_243, %mul3A_244 : i32
        %add3A_246 = arith.constant 0 : i32
        %add3A_247 = arith.addi %mul3A_245, %add3A_246 : i32
        %get3A_248 = arith.index_cast %add3A_247 : i32 to index
        %get3A_249 = tpu.vector_load %arg10[%get3A_248] {strides = array<i32>} : memref<2000xi32, #tpu.memory_space<vmem>>, vector<16xi32>,
        %swap3A_250 = arith.constant 0 : index
        %swap3A_251 = tpu.vector_load %arg13[%swap3A_250] {strides = array<i32>} : memref<80xi32, #tpu.memory_space<vmem>>, vector<16xi32>,
        tpu.vector_store %arg13[%swap3A_250], %get3A_249 {strides = array<i32>} : memref<80xi32, #tpu.memory_space<vmem>>, vector<16xi32>,
        %get3A_252 = arith.index_cast %add3A_247 : i32 to index
        %get3A_253 = tpu.vector_load %arg9[%get3A_252] {strides = array<i32>} : memref<2000xi32, #tpu.memory_space<vmem>>, vector<16xi32>,
        %swap3A_254 = arith.constant 0 : index
        %swap3A_255 = tpu.vector_load %arg17[%swap3A_254] {strides = array<i32>} : memref<80xi32, #tpu.memory_space<vmem>>, vector<16xi32>,
        tpu.vector_store %arg17[%swap3A_254], %get3A_253 {strides = array<i32>} : memref<80xi32, #tpu.memory_space<vmem>>, vector<16xi32>,
        %get3A_256 = arith.index_cast %add3A_247 : i32 to index
        %get3A_257 = tpu.vector_load %arg11[%get3A_256] {strides = array<i32>} : memref<2000xi32, #tpu.memory_space<vmem>>, vector<16xi32>,
        %swap3A_258 = arith.constant 0 : index
        %swap3A_259 = tpu.vector_load %arg20[%swap3A_258] {strides = array<i32>} : memref<80xi32, #tpu.memory_space<vmem>>, vector<16xi32>,
        tpu.vector_store %arg20[%swap3A_258], %get3A_257 {strides = array<i32>} : memref<80xi32, #tpu.memory_space<vmem>>, vector<16xi32>,
        %add3A_260 = arith.constant 16 : i32
        %add3A_261 = arith.addi %mul3A_245, %add3A_260 : i32
        %get3A_262 = arith.index_cast %add3A_261 : i32 to index
        %get3A_263 = tpu.vector_load %arg10[%get3A_262] {strides = array<i32>} : memref<2000xi32, #tpu.memory_space<vmem>>, vector<16xi32>,
        %swap3A_264 = arith.constant 16 : index
        %swap3A_265 = tpu.vector_load %arg13[%swap3A_264] {strides = array<i32>} : memref<80xi32, #tpu.memory_space<vmem>>, vector<16xi32>,
        tpu.vector_store %arg13[%swap3A_264], %get3A_263 {strides = array<i32>} : memref<80xi32, #tpu.memory_space<vmem>>, vector<16xi32>,
        %get3A_266 = arith.index_cast %add3A_261 : i32 to index
        %get3A_267 = tpu.vector_load %arg9[%get3A_266] {strides = array<i32>} : memref<2000xi32, #tpu.memory_space<vmem>>, vector<16xi32>,
        %swap3A_268 = arith.constant 16 : index
        %swap3A_269 = tpu.vector_load %arg17[%swap3A_268] {strides = array<i32>} : memref<80xi32, #tpu.memory_space<vmem>>, vector<16xi32>,
        tpu.vector_store %arg17[%swap3A_268], %get3A_267 {strides = array<i32>} : memref<80xi32, #tpu.memory_space<vmem>>, vector<16xi32>,
        %get3A_270 = arith.index_cast %add3A_261 : i32 to index
        %get3A_271 = tpu.vector_load %arg11[%get3A_270] {strides = array<i32>} : memref<2000xi32, #tpu.memory_space<vmem>>, vector<16xi32>,
        %swap3A_272 = arith.constant 16 : index
        %swap3A_273 = tpu.vector_load %arg20[%swap3A_272] {strides = array<i32>} : memref<80xi32, #tpu.memory_space<vmem>>, vector<16xi32>,
        tpu.vector_store %arg20[%swap3A_272], %get3A_271 {strides = array<i32>} : memref<80xi32, #tpu.memory_space<vmem>>, vector<16xi32>,
        %add3A_274 = arith.constant 32 : i32
        %add3A_275 = arith.addi %mul3A_245, %add3A_274 : i32
        %get3A_276 = arith.index_cast %add3A_275 : i32 to index
        %get3A_277 = tpu.vector_load %arg10[%get3A_276] {strides = array<i32>} : memref<2000xi32, #tpu.memory_space<vmem>>, vector<16xi32>,
        %swap3A_278 = arith.constant 32 : index
        %swap3A_279 = tpu.vector_load %arg13[%swap3A_278] {strides = array<i32>} : memref<80xi32, #tpu.memory_space<vmem>>, vector<16xi32>,
        tpu.vector_store %arg13[%swap3A_278], %get3A_277 {strides = array<i32>} : memref<80xi32, #tpu.memory_space<vmem>>, vector<16xi32>,
        %get3A_280 = arith.index_cast %add3A_275 : i32 to index
        %get3A_281 = tpu.vector_load %arg9[%get3A_280] {strides = array<i32>} : memref<2000xi32, #tpu.memory_space<vmem>>, vector<16xi32>,
        %swap3A_282 = arith.constant 32 : index
        %swap3A_283 = tpu.vector_load %arg17[%swap3A_282] {strides = array<i32>} : memref<80xi32, #tpu.memory_space<vmem>>, vector<16xi32>,
        tpu.vector_store %arg17[%swap3A_282], %get3A_281 {strides = array<i32>} : memref<80xi32, #tpu.memory_space<vmem>>, vector<16xi32>,
        %get3A_284 = arith.index_cast %add3A_275 : i32 to index
        %get3A_285 = tpu.vector_load %arg11[%get3A_284] {strides = array<i32>} : memref<2000xi32, #tpu.memory_space<vmem>>, vector<16xi32>,
        %swap3A_286 = arith.constant 32 : index
        %swap3A_287 = tpu.vector_load %arg20[%swap3A_286] {strides = array<i32>} : memref<80xi32, #tpu.memory_space<vmem>>, vector<16xi32>,
        tpu.vector_store %arg20[%swap3A_286], %get3A_285 {strides = array<i32>} : memref<80xi32, #tpu.memory_space<vmem>>, vector<16xi32>,
        %add3A_288 = arith.constant 48 : i32
        %add3A_289 = arith.addi %mul3A_245, %add3A_288 : i32
        %get3A_290 = arith.index_cast %add3A_289 : i32 to index
        %get3A_291 = tpu.vector_load %arg10[%get3A_290] {strides = array<i32>} : memref<2000xi32, #tpu.memory_space<vmem>>, vector<16xi32>,
        %swap3A_292 = arith.constant 48 : index
        %swap3A_293 = tpu.vector_load %arg13[%swap3A_292] {strides = array<i32>} : memref<80xi32, #tpu.memory_space<vmem>>, vector<16xi32>,
        tpu.vector_store %arg13[%swap3A_292], %get3A_291 {strides = array<i32>} : memref<80xi32, #tpu.memory_space<vmem>>, vector<16xi32>,
        %get3A_294 = arith.index_cast %add3A_289 : i32 to index
        %get3A_295 = tpu.vector_load %arg9[%get3A_294] {strides = array<i32>} : memref<2000xi32, #tpu.memory_space<vmem>>, vector<16xi32>,
        %swap3A_296 = arith.constant 48 : index
        %swap3A_297 = tpu.vector_load %arg17[%swap3A_296] {strides = array<i32>} : memref<80xi32, #tpu.memory_space<vmem>>, vector<16xi32>,
        tpu.vector_store %arg17[%swap3A_296], %get3A_295 {strides = array<i32>} : memref<80xi32, #tpu.memory_space<vmem>>, vector<16xi32>,
        %get3A_298 = arith.index_cast %add3A_289 : i32 to index
        %get3A_299 = tpu.vector_load %arg11[%get3A_298] {strides = array<i32>} : memref<2000xi32, #tpu.memory_space<vmem>>, vector<16xi32>,
        %swap3A_300 = arith.constant 48 : index
        %swap3A_301 = tpu.vector_load %arg20[%swap3A_300] {strides = array<i32>} : memref<80xi32, #tpu.memory_space<vmem>>, vector<16xi32>,
        tpu.vector_store %arg20[%swap3A_300], %get3A_299 {strides = array<i32>} : memref<80xi32, #tpu.memory_space<vmem>>, vector<16xi32>,
        %add3A_302 = arith.constant 64 : i32
        %add3A_303 = arith.addi %mul3A_245, %add3A_302 : i32
        %get3A_304 = arith.index_cast %add3A_303 : i32 to index
        %get3A_305 = tpu.vector_load %arg10[%get3A_304] {strides = array<i32>} : memref<2000xi32, #tpu.memory_space<vmem>>, vector<16xi32>,
        %swap3A_306 = arith.constant 64 : index
        %swap3A_307 = tpu.vector_load %arg13[%swap3A_306] {strides = array<i32>} : memref<80xi32, #tpu.memory_space<vmem>>, vector<16xi32>,
        tpu.vector_store %arg13[%swap3A_306], %get3A_305 {strides = array<i32>} : memref<80xi32, #tpu.memory_space<vmem>>, vector<16xi32>,
        %get3A_308 = arith.index_cast %add3A_303 : i32 to index
        %get3A_309 = tpu.vector_load %arg9[%get3A_308] {strides = array<i32>} : memref<2000xi32, #tpu.memory_space<vmem>>, vector<16xi32>,
        %swap3A_310 = arith.constant 64 : index
        %swap3A_311 = tpu.vector_load %arg17[%swap3A_310] {strides = array<i32>} : memref<80xi32, #tpu.memory_space<vmem>>, vector<16xi32>,
        tpu.vector_store %arg17[%swap3A_310], %get3A_309 {strides = array<i32>} : memref<80xi32, #tpu.memory_space<vmem>>, vector<16xi32>,
        %get3A_312 = arith.index_cast %add3A_303 : i32 to index
        %get3A_313 = tpu.vector_load %arg11[%get3A_312] {strides = array<i32>} : memref<2000xi32, #tpu.memory_space<vmem>>, vector<16xi32>,
        %swap3A_314 = arith.constant 64 : index
        %swap3A_315 = tpu.vector_load %arg20[%swap3A_314] {strides = array<i32>} : memref<80xi32, #tpu.memory_space<vmem>>, vector<16xi32>,
        tpu.vector_store %arg20[%swap3A_314], %get3A_313 {strides = array<i32>} : memref<80xi32, #tpu.memory_space<vmem>>, vector<16xi32>,
        %dma_start3A_316 = arith.constant 0 : i32
        %dma_start3A_317 = tpu.memref_slice %arg30[%dma_start3A_316] : memref<90112xf32, #tpu.memory_space<vmem_shared>> -> memref<90112xf32, #tpu.memory_space<vmem_shared>>
        tpu.enqueue_indirect_dma source(%dma_start3A_317 : memref<90112xf32, #tpu.memory_space<vmem_shared>>) target(%arg23 : memref<80xf32, #tpu.memory_space<vmem>>) offsets(%arg20 : memref<80xi32, #tpu.memory_space<vmem>>) semaphore(%arg36 : memref<!tpu.dma_semaphore, #tpu.memory_space<semaphore_mem>>)
        %dma_start3A_318 = arith.constant 0 : i32
        %dma_start3A_319 = arith.constant 0 : i32
        %dma_start3A_320 = tpu.memref_slice %arg2[%dma_start3A_318, %dma_start3A_319] : memref<100000x128xf32, #tpu.memory_space<hbm>> -> memref<100000x128xf32, #tpu.memory_space<hbm>>
        tpu.enqueue_indirect_dma source(%dma_start3A_320 : memref<100000x128xf32, #tpu.memory_space<hbm>>) target(%arg26 : memref<80x128xf32, #tpu.memory_space<vmem>>) offsets(%arg17 : memref<80xi32, #tpu.memory_space<vmem>>) semaphore(%arg33 : memref<!tpu.dma_semaphore, #tpu.memory_space<semaphore_mem>>)
        %mul3A_321 = arith.constant 3 : i32
        %mul3A_322 = arith.muli %mul3A_321, %scan3A_158 : i32
        %add3A_323 = arith.constant 2 : i32
        %add3A_324 = arith.addi %mul3A_322, %add3A_323 : i32
        %mul3A_325 = arith.constant 80 : i32
        %mul3A_326 = arith.muli %add3A_324, %mul3A_325 : i32
        %add3A_327 = arith.constant 0 : i32
        %add3A_328 = arith.addi %mul3A_326, %add3A_327 : i32
        %get3A_329 = arith.index_cast %add3A_328 : i32 to index
        %get3A_330 = tpu.vector_load %arg10[%get3A_329] {strides = array<i32>} : memref<2000xi32, #tpu.memory_space<vmem>>, vector<16xi32>,
        %swap3A_331 = arith.constant 0 : index
        %swap3A_332 = tpu.vector_load %arg14[%swap3A_331] {strides = array<i32>} : memref<80xi32, #tpu.memory_space<vmem>>, vector<16xi32>,
        tpu.vector_store %arg14[%swap3A_331], %get3A_330 {strides = array<i32>} : memref<80xi32, #tpu.memory_space<vmem>>, vector<16xi32>,
        %get3A_333 = arith.index_cast %add3A_328 : i32 to index
        %get3A_334 = tpu.vector_load %arg9[%get3A_333] {strides = array<i32>} : memref<2000xi32, #tpu.memory_space<vmem>>, vector<16xi32>,
        %swap3A_335 = arith.constant 0 : index
        %swap3A_336 = tpu.vector_load %arg18[%swap3A_335] {strides = array<i32>} : memref<80xi32, #tpu.memory_space<vmem>>, vector<16xi32>,
        tpu.vector_store %arg18[%swap3A_335], %get3A_334 {strides = array<i32>} : memref<80xi32, #tpu.memory_space<vmem>>, vector<16xi32>,
        %get3A_337 = arith.index_cast %add3A_328 : i32 to index
        %get3A_338 = tpu.vector_load %arg11[%get3A_337] {strides = array<i32>} : memref<2000xi32, #tpu.memory_space<vmem>>, vector<16xi32>,
        %swap3A_339 = arith.constant 0 : index
        %swap3A_340 = tpu.vector_load %arg21[%swap3A_339] {strides = array<i32>} : memref<80xi32, #tpu.memory_space<vmem>>, vector<16xi32>,
        tpu.vector_store %arg21[%swap3A_339], %get3A_338 {strides = array<i32>} : memref<80xi32, #tpu.memory_space<vmem>>, vector<16xi32>,
        %add3A_341 = arith.constant 16 : i32
        %add3A_342 = arith.addi %mul3A_326, %add3A_341 : i32
        %get3A_343 = arith.index_cast %add3A_342 : i32 to index
        %get3A_344 = tpu.vector_load %arg10[%get3A_343] {strides = array<i32>} : memref<2000xi32, #tpu.memory_space<vmem>>, vector<16xi32>,
        %swap3A_345 = arith.constant 16 : index
        %swap3A_346 = tpu.vector_load %arg14[%swap3A_345] {strides = array<i32>} : memref<80xi32, #tpu.memory_space<vmem>>, vector<16xi32>,
        tpu.vector_store %arg14[%swap3A_345], %get3A_344 {strides = array<i32>} : memref<80xi32, #tpu.memory_space<vmem>>, vector<16xi32>,
        %get3A_347 = arith.index_cast %add3A_342 : i32 to index
        %get3A_348 = tpu.vector_load %arg9[%get3A_347] {strides = array<i32>} : memref<2000xi32, #tpu.memory_space<vmem>>, vector<16xi32>,
        %swap3A_349 = arith.constant 16 : index
        %swap3A_350 = tpu.vector_load %arg18[%swap3A_349] {strides = array<i32>} : memref<80xi32, #tpu.memory_space<vmem>>, vector<16xi32>,
        tpu.vector_store %arg18[%swap3A_349], %get3A_348 {strides = array<i32>} : memref<80xi32, #tpu.memory_space<vmem>>, vector<16xi32>,
        %get3A_351 = arith.index_cast %add3A_342 : i32 to index
        %get3A_352 = tpu.vector_load %arg11[%get3A_351] {strides = array<i32>} : memref<2000xi32, #tpu.memory_space<vmem>>, vector<16xi32>,
        %swap3A_353 = arith.constant 16 : index
        %swap3A_354 = tpu.vector_load %arg21[%swap3A_353] {strides = array<i32>} : memref<80xi32, #tpu.memory_space<vmem>>, vector<16xi32>,
        tpu.vector_store %arg21[%swap3A_353], %get3A_352 {strides = array<i32>} : memref<80xi32, #tpu.memory_space<vmem>>, vector<16xi32>,
        %add3A_355 = arith.constant 32 : i32
        %add3A_356 = arith.addi %mul3A_326, %add3A_355 : i32
        %get3A_357 = arith.index_cast %add3A_356 : i32 to index
        %get3A_358 = tpu.vector_load %arg10[%get3A_357] {strides = array<i32>} : memref<2000xi32, #tpu.memory_space<vmem>>, vector<16xi32>,
        %swap3A_359 = arith.constant 32 : index
        %swap3A_360 = tpu.vector_load %arg14[%swap3A_359] {strides = array<i32>} : memref<80xi32, #tpu.memory_space<vmem>>, vector<16xi32>,
        tpu.vector_store %arg14[%swap3A_359], %get3A_358 {strides = array<i32>} : memref<80xi32, #tpu.memory_space<vmem>>, vector<16xi32>,
        %get3A_361 = arith.index_cast %add3A_356 : i32 to index
        %get3A_362 = tpu.vector_load %arg9[%get3A_361] {strides = array<i32>} : memref<2000xi32, #tpu.memory_space<vmem>>, vector<16xi32>,
        %swap3A_363 = arith.constant 32 : index
        %swap3A_364 = tpu.vector_load %arg18[%swap3A_363] {strides = array<i32>} : memref<80xi32, #tpu.memory_space<vmem>>, vector<16xi32>,
        tpu.vector_store %arg18[%swap3A_363], %get3A_362 {strides = array<i32>} : memref<80xi32, #tpu.memory_space<vmem>>, vector<16xi32>,
        %get3A_365 = arith.index_cast %add3A_356 : i32 to index
        %get3A_366 = tpu.vector_load %arg11[%get3A_365] {strides = array<i32>} : memref<2000xi32, #tpu.memory_space<vmem>>, vector<16xi32>,
        %swap3A_367 = arith.constant 32 : index
        %swap3A_368 = tpu.vector_load %arg21[%swap3A_367] {strides = array<i32>} : memref<80xi32, #tpu.memory_space<vmem>>, vector<16xi32>,
        tpu.vector_store %arg21[%swap3A_367], %get3A_366 {strides = array<i32>} : memref<80xi32, #tpu.memory_space<vmem>>, vector<16xi32>,
        %add3A_369 = arith.constant 48 : i32
        %add3A_370 = arith.addi %mul3A_326, %add3A_369 : i32
        %get3A_371 = arith.index_cast %add3A_370 : i32 to index
        %get3A_372 = tpu.vector_load %arg10[%get3A_371] {strides = array<i32>} : memref<2000xi32, #tpu.memory_space<vmem>>, vector<16xi32>,
        %swap3A_373 = arith.constant 48 : index
        %swap3A_374 = tpu.vector_load %arg14[%swap3A_373] {strides = array<i32>} : memref<80xi32, #tpu.memory_space<vmem>>, vector<16xi32>,
        tpu.vector_store %arg14[%swap3A_373], %get3A_372 {strides = array<i32>} : memref<80xi32, #tpu.memory_space<vmem>>, vector<16xi32>,
        %get3A_375 = arith.index_cast %add3A_370 : i32 to index
        %get3A_376 = tpu.vector_load %arg9[%get3A_375] {strides = array<i32>} : memref<2000xi32, #tpu.memory_space<vmem>>, vector<16xi32>,
        %swap3A_377 = arith.constant 48 : index
        %swap3A_378 = tpu.vector_load %arg18[%swap3A_377] {strides = array<i32>} : memref<80xi32, #tpu.memory_space<vmem>>, vector<16xi32>,
        tpu.vector_store %arg18[%swap3A_377], %get3A_376 {strides = array<i32>} : memref<80xi32, #tpu.memory_space<vmem>>, vector<16xi32>,
        %get3A_379 = arith.index_cast %add3A_370 : i32 to index
        %get3A_380 = tpu.vector_load %arg11[%get3A_379] {strides = array<i32>} : memref<2000xi32, #tpu.memory_space<vmem>>, vector<16xi32>,
        %swap3A_381 = arith.constant 48 : index
        %swap3A_382 = tpu.vector_load %arg21[%swap3A_381] {strides = array<i32>} : memref<80xi32, #tpu.memory_space<vmem>>, vector<16xi32>,
        tpu.vector_store %arg21[%swap3A_381], %get3A_380 {strides = array<i32>} : memref<80xi32, #tpu.memory_space<vmem>>, vector<16xi32>,
        %add3A_383 = arith.constant 64 : i32
        %add3A_384 = arith.addi %mul3A_326, %add3A_383 : i32
        %get3A_385 = arith.index_cast %add3A_384 : i32 to index
        %get3A_386 = tpu.vector_load %arg10[%get3A_385] {strides = array<i32>} : memref<2000xi32, #tpu.memory_space<vmem>>, vector<16xi32>,
        %swap3A_387 = arith.constant 64 : index
        %swap3A_388 = tpu.vector_load %arg14[%swap3A_387] {strides = array<i32>} : memref<80xi32, #tpu.memory_space<vmem>>, vector<16xi32>,
        tpu.vector_store %arg14[%swap3A_387], %get3A_386 {strides = array<i32>} : memref<80xi32, #tpu.memory_space<vmem>>, vector<16xi32>,
        %get3A_389 = arith.index_cast %add3A_384 : i32 to index
        %get3A_390 = tpu.vector_load %arg9[%get3A_389] {strides = array<i32>} : memref<2000xi32, #tpu.memory_space<vmem>>, vector<16xi32>,
        %swap3A_391 = arith.constant 64 : index
        %swap3A_392 = tpu.vector_load %arg18[%swap3A_391] {strides = array<i32>} : memref<80xi32, #tpu.memory_space<vmem>>, vector<16xi32>,
        tpu.vector_store %arg18[%swap3A_391], %get3A_390 {strides = array<i32>} : memref<80xi32, #tpu.memory_space<vmem>>, vector<16xi32>,
        %get3A_393 = arith.index_cast %add3A_384 : i32 to index
        %get3A_394 = tpu.vector_load %arg11[%get3A_393] {strides = array<i32>} : memref<2000xi32, #tpu.memory_space<vmem>>, vector<16xi32>,
        %swap3A_395 = arith.constant 64 : index
        %swap3A_396 = tpu.vector_load %arg21[%swap3A_395] {strides = array<i32>} : memref<80xi32, #tpu.memory_space<vmem>>, vector<16xi32>,
        tpu.vector_store %arg21[%swap3A_395], %get3A_394 {strides = array<i32>} : memref<80xi32, #tpu.memory_space<vmem>>, vector<16xi32>,
        %dma_start3A_397 = arith.constant 0 : i32
        %dma_start3A_398 = tpu.memref_slice %arg30[%dma_start3A_397] : memref<90112xf32, #tpu.memory_space<vmem_shared>> -> memref<90112xf32, #tpu.memory_space<vmem_shared>>
        tpu.enqueue_indirect_dma source(%dma_start3A_398 : memref<90112xf32, #tpu.memory_space<vmem_shared>>) target(%arg24 : memref<80xf32, #tpu.memory_space<vmem>>) offsets(%arg21 : memref<80xi32, #tpu.memory_space<vmem>>) semaphore(%arg37 : memref<!tpu.dma_semaphore, #tpu.memory_space<semaphore_mem>>)
        %dma_start3A_399 = arith.constant 0 : i32
        %dma_start3A_400 = arith.constant 0 : i32
        %dma_start3A_401 = tpu.memref_slice %arg2[%dma_start3A_399, %dma_start3A_400] : memref<100000x128xf32, #tpu.memory_space<hbm>> -> memref<100000x128xf32, #tpu.memory_space<hbm>>
        tpu.enqueue_indirect_dma source(%dma_start3A_401 : memref<100000x128xf32, #tpu.memory_space<hbm>>) target(%arg27 : memref<80x128xf32, #tpu.memory_space<vmem>>) offsets(%arg18 : memref<80xi32, #tpu.memory_space<vmem>>) semaphore(%arg34 : memref<!tpu.dma_semaphore, #tpu.memory_space<semaphore_mem>>)
        %dma_wait3A_402 = arith.constant 0 : i32
        %dma_wait3A_403 = tpu.memref_slice %arg30[%dma_wait3A_402] : memref<90112xf32, #tpu.memory_space<vmem_shared>> -> memref<90112xf32, #tpu.memory_space<vmem_shared>>
        tpu.wait_indirect_dma semaphore(%arg35 : memref<!tpu.dma_semaphore, #tpu.memory_space<semaphore_mem>>) src(%dma_wait3A_403 : memref<90112xf32, #tpu.memory_space<vmem_shared>>) dst(%arg22 : memref<80xf32, #tpu.memory_space<vmem>>)
        %dma_wait3A_404 = arith.constant 0 : i32
        %dma_wait3A_405 = arith.constant 0 : i32
        %dma_wait3A_406 = tpu.memref_slice %arg2[%dma_wait3A_404, %dma_wait3A_405] : memref<100000x128xf32, #tpu.memory_space<hbm>> -> memref<100000x128xf32, #tpu.memory_space<hbm>>
        tpu.wait_indirect_dma semaphore(%arg32 : memref<!tpu.dma_semaphore, #tpu.memory_space<semaphore_mem>>) src(%dma_wait3A_406 : memref<100000x128xf32, #tpu.memory_space<hbm>>) dst(%arg25 : memref<80x128xf32, #tpu.memory_space<vmem>>)
        %scan3A_407 = arith.constant 0 : i32
        %scan3A_408 = arith.constant 0 : i32
        %scan3A_409 = arith.constant 20 : i32
        %scan3A_410 = arith.addi %scan3A_408, %scan3A_409 : i32
        %scan3A_411 = arith.constant 1 : i32
        scf.for %scan3A_453 = %scan3A_408 to %scan3A_410 step %scan3A_411  : i32 {
          %mul3A_454 = arith.constant 4 : i32
          %mul3A_455 = arith.muli %scan3A_453, %mul3A_454 : i32
          %add3A_456 = arith.constant 0 : i32
          %add3A_457 = arith.addi %mul3A_455, %add3A_456 : i32
          %broadcast_in_dim3A_458 = vector.broadcast %add3A_457 : i32 to vector<16xi32>
          %gather3A = tpu.vector_load_idx %arg22[%broadcast_in_dim3A_458] : memref<80xf32, #tpu.memory_space<vmem>>[vector<16xi32>], vector<16xf32>,
          %get3A_459 = arith.index_cast %add3A_457 : i32 to index
          %get3A_460 = arith.constant 0 : index
          %get3A_461 = tpu.vector_load %arg25[%get3A_459, %get3A_460] {strides = array<i32>} : memref<80x128xf32, #tpu.memory_space<vmem>>, vector<16xf32>,
          %mul3A_462 = arith.mulf %get3A_461, %gather3A : vector<16xf32>
          %swap3A_463 = arith.index_cast %add3A_457 : i32 to index
          %swap3A_464 = arith.constant 0 : index
          %swap3A_465 = tpu.vector_load %arg25[%swap3A_463, %swap3A_464] {strides = array<i32>} : memref<80x128xf32, #tpu.memory_space<vmem>>, vector<16xf32>,
          tpu.vector_store %arg25[%swap3A_463, %swap3A_464], %mul3A_462 {strides = array<i32>} : memref<80x128xf32, #tpu.memory_space<vmem>>, vector<16xf32>,
          %get3A_466 = arith.index_cast %add3A_457 : i32 to index
          %get3A_467 = arith.constant 16 : index
          %get3A_468 = tpu.vector_load %arg25[%get3A_466, %get3A_467] {strides = array<i32>} : memref<80x128xf32, #tpu.memory_space<vmem>>, vector<16xf32>,
          %mul3A_469 = arith.mulf %get3A_468, %gather3A : vector<16xf32>
          %swap3A_470 = arith.index_cast %add3A_457 : i32 to index
          %swap3A_471 = arith.constant 16 : index
          %swap3A_472 = tpu.vector_load %arg25[%swap3A_470, %swap3A_471] {strides = array<i32>} : memref<80x128xf32, #tpu.memory_space<vmem>>, vector<16xf32>,
          tpu.vector_store %arg25[%swap3A_470, %swap3A_471], %mul3A_469 {strides = array<i32>} : memref<80x128xf32, #tpu.memory_space<vmem>>, vector<16xf32>,
          %get3A_473 = arith.index_cast %add3A_457 : i32 to index
          %get3A_474 = arith.constant 32 : index
          %get3A_475 = tpu.vector_load %arg25[%get3A_473, %get3A_474] {strides = array<i32>} : memref<80x128xf32, #tpu.memory_space<vmem>>, vector<16xf32>,
          %mul3A_476 = arith.mulf %get3A_475, %gather3A : vector<16xf32>
          %swap3A_477 = arith.index_cast %add3A_457 : i32 to index
          %swap3A_478 = arith.constant 32 : index
          %swap3A_479 = tpu.vector_load %arg25[%swap3A_477, %swap3A_478] {strides = array<i32>} : memref<80x128xf32, #tpu.memory_space<vmem>>, vector<16xf32>,
          tpu.vector_store %arg25[%swap3A_477, %swap3A_478], %mul3A_476 {strides = array<i32>} : memref<80x128xf32, #tpu.memory_space<vmem>>, vector<16xf32>,
          %get3A_480 = arith.index_cast %add3A_457 : i32 to index
          %get3A_481 = arith.constant 48 : index
          %get3A_482 = tpu.vector_load %arg25[%get3A_480, %get3A_481] {strides = array<i32>} : memref<80x128xf32, #tpu.memory_space<vmem>>, vector<16xf32>,
          %mul3A_483 = arith.mulf %get3A_482, %gather3A : vector<16xf32>
          %swap3A_484 = arith.index_cast %add3A_457 : i32 to index
          %swap3A_485 = arith.constant 48 : index
          %swap3A_486 = tpu.vector_load %arg25[%swap3A_484, %swap3A_485] {strides = array<i32>} : memref<80x128xf32, #tpu.memory_space<vmem>>, vector<16xf32>,
          tpu.vector_store %arg25[%swap3A_484, %swap3A_485], %mul3A_483 {strides = array<i32>} : memref<80x128xf32, #tpu.memory_space<vmem>>, vector<16xf32>,
          %get3A_487 = arith.index_cast %add3A_457 : i32 to index
          %get3A_488 = arith.constant 64 : index
          %get3A_489 = tpu.vector_load %arg25[%get3A_487, %get3A_488] {strides = array<i32>} : memref<80x128xf32, #tpu.memory_space<vmem>>, vector<16xf32>,
          %mul3A_490 = arith.mulf %get3A_489, %gather3A : vector<16xf32>
          %swap3A_491 = arith.index_cast %add3A_457 : i32 to index
          %swap3A_492 = arith.constant 64 : index
          %swap3A_493 = tpu.vector_load %arg25[%swap3A_491, %swap3A_492] {strides = array<i32>} : memref<80x128xf32, #tpu.memory_space<vmem>>, vector<16xf32>,
          tpu.vector_store %arg25[%swap3A_491, %swap3A_492], %mul3A_490 {strides = array<i32>} : memref<80x128xf32, #tpu.memory_space<vmem>>, vector<16xf32>,
          %get3A_494 = arith.index_cast %add3A_457 : i32 to index
          %get3A_495 = arith.constant 80 : index
          %get3A_496 = tpu.vector_load %arg25[%get3A_494, %get3A_495] {strides = array<i32>} : memref<80x128xf32, #tpu.memory_space<vmem>>, vector<16xf32>,
          %mul3A_497 = arith.mulf %get3A_496, %gather3A : vector<16xf32>
          %swap3A_498 = arith.index_cast %add3A_457 : i32 to index
          %swap3A_499 = arith.constant 80 : index
          %swap3A_500 = tpu.vector_load %arg25[%swap3A_498, %swap3A_499] {strides = array<i32>} : memref<80x128xf32, #tpu.memory_space<vmem>>, vector<16xf32>,
          tpu.vector_store %arg25[%swap3A_498, %swap3A_499], %mul3A_497 {strides = array<i32>} : memref<80x128xf32, #tpu.memory_space<vmem>>, vector<16xf32>,
          %get3A_501 = arith.index_cast %add3A_457 : i32 to index
          %get3A_502 = arith.constant 96 : index
          %get3A_503 = tpu.vector_load %arg25[%get3A_501, %get3A_502] {strides = array<i32>} : memref<80x128xf32, #tpu.memory_space<vmem>>, vector<16xf32>,
          %mul3A_504 = arith.mulf %get3A_503, %gather3A : vector<16xf32>
          %swap3A_505 = arith.index_cast %add3A_457 : i32 to index
          %swap3A_506 = arith.constant 96 : index
          %swap3A_507 = tpu.vector_load %arg25[%swap3A_505, %swap3A_506] {strides = array<i32>} : memref<80x128xf32, #tpu.memory_space<vmem>>, vector<16xf32>,
          tpu.vector_store %arg25[%swap3A_505, %swap3A_506], %mul3A_504 {strides = array<i32>} : memref<80x128xf32, #tpu.memory_space<vmem>>, vector<16xf32>,
          %get3A_508 = arith.index_cast %add3A_457 : i32 to index
          %get3A_509 = arith.constant 112 : index
          %get3A_510 = tpu.vector_load %arg25[%get3A_508, %get3A_509] {strides = array<i32>} : memref<80x128xf32, #tpu.memory_space<vmem>>, vector<16xf32>,
          %mul3A_511 = arith.mulf %get3A_510, %gather3A : vector<16xf32>
          %swap3A_512 = arith.index_cast %add3A_457 : i32 to index
          %swap3A_513 = arith.constant 112 : index
          %swap3A_514 = tpu.vector_load %arg25[%swap3A_512, %swap3A_513] {strides = array<i32>} : memref<80x128xf32, #tpu.memory_space<vmem>>, vector<16xf32>,
          tpu.vector_store %arg25[%swap3A_512, %swap3A_513], %mul3A_511 {strides = array<i32>} : memref<80x128xf32, #tpu.memory_space<vmem>>, vector<16xf32>,
          %mul3A_515 = arith.constant 4 : i32
          %mul3A_516 = arith.muli %scan3A_453, %mul3A_515 : i32
          %add3A_517 = arith.constant 1 : i32
          %add3A_518 = arith.addi %mul3A_516, %add3A_517 : i32
          %broadcast_in_dim3A_519 = vector.broadcast %add3A_518 : i32 to vector<16xi32>
          %gather3A_520 = tpu.vector_load_idx %arg22[%broadcast_in_dim3A_519] : memref<80xf32, #tpu.memory_space<vmem>>[vector<16xi32>], vector<16xf32>,
          %get3A_521 = arith.index_cast %add3A_518 : i32 to index
          %get3A_522 = arith.constant 0 : index
          %get3A_523 = tpu.vector_load %arg25[%get3A_521, %get3A_522] {strides = array<i32>} : memref<80x128xf32, #tpu.memory_space<vmem>>, vector<16xf32>,
          %mul3A_524 = arith.mulf %get3A_523, %gather3A_520 : vector<16xf32>
          %swap3A_525 = arith.index_cast %add3A_518 : i32 to index
          %swap3A_526 = arith.constant 0 : index
          %swap3A_527 = tpu.vector_load %arg25[%swap3A_525, %swap3A_526] {strides = array<i32>} : memref<80x128xf32, #tpu.memory_space<vmem>>, vector<16xf32>,
          tpu.vector_store %arg25[%swap3A_525, %swap3A_526], %mul3A_524 {strides = array<i32>} : memref<80x128xf32, #tpu.memory_space<vmem>>, vector<16xf32>,
          %get3A_528 = arith.index_cast %add3A_518 : i32 to index
          %get3A_529 = arith.constant 16 : index
          %get3A_530 = tpu.vector_load %arg25[%get3A_528, %get3A_529] {strides = array<i32>} : memref<80x128xf32, #tpu.memory_space<vmem>>, vector<16xf32>,
          %mul3A_531 = arith.mulf %get3A_530, %gather3A_520 : vector<16xf32>
          %swap3A_532 = arith.index_cast %add3A_518 : i32 to index
          %swap3A_533 = arith.constant 16 : index
          %swap3A_534 = tpu.vector_load %arg25[%swap3A_532, %swap3A_533] {strides = array<i32>} : memref<80x128xf32, #tpu.memory_space<vmem>>, vector<16xf32>,
          tpu.vector_store %arg25[%swap3A_532, %swap3A_533], %mul3A_531 {strides = array<i32>} : memref<80x128xf32, #tpu.memory_space<vmem>>, vector<16xf32>,
          %get3A_535 = arith.index_cast %add3A_518 : i32 to index
          %get3A_536 = arith.constant 32 : index
          %get3A_537 = tpu.vector_load %arg25[%get3A_535, %get3A_536] {strides = array<i32>} : memref<80x128xf32, #tpu.memory_space<vmem>>, vector<16xf32>,
          %mul3A_538 = arith.mulf %get3A_537, %gather3A_520 : vector<16xf32>
          %swap3A_539 = arith.index_cast %add3A_518 : i32 to index
          %swap3A_540 = arith.constant 32 : index
          %swap3A_541 = tpu.vector_load %arg25[%swap3A_539, %swap3A_540] {strides = array<i32>} : memref<80x128xf32, #tpu.memory_space<vmem>>, vector<16xf32>,
          tpu.vector_store %arg25[%swap3A_539, %swap3A_540], %mul3A_538 {strides = array<i32>} : memref<80x128xf32, #tpu.memory_space<vmem>>, vector<16xf32>,
          %get3A_542 = arith.index_cast %add3A_518 : i32 to index
          %get3A_543 = arith.constant 48 : index
          %get3A_544 = tpu.vector_load %arg25[%get3A_542, %get3A_543] {strides = array<i32>} : memref<80x128xf32, #tpu.memory_space<vmem>>, vector<16xf32>,
          %mul3A_545 = arith.mulf %get3A_544, %gather3A_520 : vector<16xf32>
          %swap3A_546 = arith.index_cast %add3A_518 : i32 to index
          %swap3A_547 = arith.constant 48 : index
          %swap3A_548 = tpu.vector_load %arg25[%swap3A_546, %swap3A_547] {strides = array<i32>} : memref<80x128xf32, #tpu.memory_space<vmem>>, vector<16xf32>,
          tpu.vector_store %arg25[%swap3A_546, %swap3A_547], %mul3A_545 {strides = array<i32>} : memref<80x128xf32, #tpu.memory_space<vmem>>, vector<16xf32>,
          %get3A_549 = arith.index_cast %add3A_518 : i32 to index
          %get3A_550 = arith.constant 64 : index
          %get3A_551 = tpu.vector_load %arg25[%get3A_549, %get3A_550] {strides = array<i32>} : memref<80x128xf32, #tpu.memory_space<vmem>>, vector<16xf32>,
          %mul3A_552 = arith.mulf %get3A_551, %gather3A_520 : vector<16xf32>
          %swap3A_553 = arith.index_cast %add3A_518 : i32 to index
          %swap3A_554 = arith.constant 64 : index
          %swap3A_555 = tpu.vector_load %arg25[%swap3A_553, %swap3A_554] {strides = array<i32>} : memref<80x128xf32, #tpu.memory_space<vmem>>, vector<16xf32>,
          tpu.vector_store %arg25[%swap3A_553, %swap3A_554], %mul3A_552 {strides = array<i32>} : memref<80x128xf32, #tpu.memory_space<vmem>>, vector<16xf32>,
          %get3A_556 = arith.index_cast %add3A_518 : i32 to index
          %get3A_557 = arith.constant 80 : index
          %get3A_558 = tpu.vector_load %arg25[%get3A_556, %get3A_557] {strides = array<i32>} : memref<80x128xf32, #tpu.memory_space<vmem>>, vector<16xf32>,
          %mul3A_559 = arith.mulf %get3A_558, %gather3A_520 : vector<16xf32>
          %swap3A_560 = arith.index_cast %add3A_518 : i32 to index
          %swap3A_561 = arith.constant 80 : index
          %swap3A_562 = tpu.vector_load %arg25[%swap3A_560, %swap3A_561] {strides = array<i32>} : memref<80x128xf32, #tpu.memory_space<vmem>>, vector<16xf32>,
          tpu.vector_store %arg25[%swap3A_560, %swap3A_561], %mul3A_559 {strides = array<i32>} : memref<80x128xf32, #tpu.memory_space<vmem>>, vector<16xf32>,
          %get3A_563 = arith.index_cast %add3A_518 : i32 to index
          %get3A_564 = arith.constant 96 : index
          %get3A_565 = tpu.vector_load %arg25[%get3A_563, %get3A_564] {strides = array<i32>} : memref<80x128xf32, #tpu.memory_space<vmem>>, vector<16xf32>,
          %mul3A_566 = arith.mulf %get3A_565, %gather3A_520 : vector<16xf32>
          %swap3A_567 = arith.index_cast %add3A_518 : i32 to index
          %swap3A_568 = arith.constant 96 : index
          %swap3A_569 = tpu.vector_load %arg25[%swap3A_567, %swap3A_568] {strides = array<i32>} : memref<80x128xf32, #tpu.memory_space<vmem>>, vector<16xf32>,
          tpu.vector_store %arg25[%swap3A_567, %swap3A_568], %mul3A_566 {strides = array<i32>} : memref<80x128xf32, #tpu.memory_space<vmem>>, vector<16xf32>,
          %get3A_570 = arith.index_cast %add3A_518 : i32 to index
          %get3A_571 = arith.constant 112 : index
          %get3A_572 = tpu.vector_load %arg25[%get3A_570, %get3A_571] {strides = array<i32>} : memref<80x128xf32, #tpu.memory_space<vmem>>, vector<16xf32>,
          %mul3A_573 = arith.mulf %get3A_572, %gather3A_520 : vector<16xf32>
          %swap3A_574 = arith.index_cast %add3A_518 : i32 to index
          %swap3A_575 = arith.constant 112 : index
          %swap3A_576 = tpu.vector_load %arg25[%swap3A_574, %swap3A_575] {strides = array<i32>} : memref<80x128xf32, #tpu.memory_space<vmem>>, vector<16xf32>,
          tpu.vector_store %arg25[%swap3A_574, %swap3A_575], %mul3A_573 {strides = array<i32>} : memref<80x128xf32, #tpu.memory_space<vmem>>, vector<16xf32>,
          %mul3A_577 = arith.constant 4 : i32
          %mul3A_578 = arith.muli %scan3A_453, %mul3A_577 : i32
          %add3A_579 = arith.constant 2 : i32
          %add3A_580 = arith.addi %mul3A_578, %add3A_579 : i32
          %broadcast_in_dim3A_581 = vector.broadcast %add3A_580 : i32 to vector<16xi32>
          %gather3A_582 = tpu.vector_load_idx %arg22[%broadcast_in_dim3A_581] : memref<80xf32, #tpu.memory_space<vmem>>[vector<16xi32>], vector<16xf32>,
          %get3A_583 = arith.index_cast %add3A_580 : i32 to index
          %get3A_584 = arith.constant 0 : index
          %get3A_585 = tpu.vector_load %arg25[%get3A_583, %get3A_584] {strides = array<i32>} : memref<80x128xf32, #tpu.memory_space<vmem>>, vector<16xf32>,
          %mul3A_586 = arith.mulf %get3A_585, %gather3A_582 : vector<16xf32>
          %swap3A_587 = arith.index_cast %add3A_580 : i32 to index
          %swap3A_588 = arith.constant 0 : index
          %swap3A_589 = tpu.vector_load %arg25[%swap3A_587, %swap3A_588] {strides = array<i32>} : memref<80x128xf32, #tpu.memory_space<vmem>>, vector<16xf32>,
          tpu.vector_store %arg25[%swap3A_587, %swap3A_588], %mul3A_586 {strides = array<i32>} : memref<80x128xf32, #tpu.memory_space<vmem>>, vector<16xf32>,
          %get3A_590 = arith.index_cast %add3A_580 : i32 to index
          %get3A_591 = arith.constant 16 : index
          %get3A_592 = tpu.vector_load %arg25[%get3A_590, %get3A_591] {strides = array<i32>} : memref<80x128xf32, #tpu.memory_space<vmem>>, vector<16xf32>,
          %mul3A_593 = arith.mulf %get3A_592, %gather3A_582 : vector<16xf32>
          %swap3A_594 = arith.index_cast %add3A_580 : i32 to index
          %swap3A_595 = arith.constant 16 : index
          %swap3A_596 = tpu.vector_load %arg25[%swap3A_594, %swap3A_595] {strides = array<i32>} : memref<80x128xf32, #tpu.memory_space<vmem>>, vector<16xf32>,
          tpu.vector_store %arg25[%swap3A_594, %swap3A_595], %mul3A_593 {strides = array<i32>} : memref<80x128xf32, #tpu.memory_space<vmem>>, vector<16xf32>,
          %get3A_597 = arith.index_cast %add3A_580 : i32 to index
          %get3A_598 = arith.constant 32 : index
          %get3A_599 = tpu.vector_load %arg25[%get3A_597, %get3A_598] {strides = array<i32>} : memref<80x128xf32, #tpu.memory_space<vmem>>, vector<16xf32>,
          %mul3A_600 = arith.mulf %get3A_599, %gather3A_582 : vector<16xf32>
          %swap3A_601 = arith.index_cast %add3A_580 : i32 to index
          %swap3A_602 = arith.constant 32 : index
          %swap3A_603 = tpu.vector_load %arg25[%swap3A_601, %swap3A_602] {strides = array<i32>} : memref<80x128xf32, #tpu.memory_space<vmem>>, vector<16xf32>,
          tpu.vector_store %arg25[%swap3A_601, %swap3A_602], %mul3A_600 {strides = array<i32>} : memref<80x128xf32, #tpu.memory_space<vmem>>, vector<16xf32>,
          %get3A_604 = arith.index_cast %add3A_580 : i32 to index
          %get3A_605 = arith.constant 48 : index
          %get3A_606 = tpu.vector_load %arg25[%get3A_604, %get3A_605] {strides = array<i32>} : memref<80x128xf32, #tpu.memory_space<vmem>>, vector<16xf32>,
          %mul3A_607 = arith.mulf %get3A_606, %gather3A_582 : vector<16xf32>
          %swap3A_608 = arith.index_cast %add3A_580 : i32 to index
          %swap3A_609 = arith.constant 48 : index
          %swap3A_610 = tpu.vector_load %arg25[%swap3A_608, %swap3A_609] {strides = array<i32>} : memref<80x128xf32, #tpu.memory_space<vmem>>, vector<16xf32>,
          tpu.vector_store %arg25[%swap3A_608, %swap3A_609], %mul3A_607 {strides = array<i32>} : memref<80x128xf32, #tpu.memory_space<vmem>>, vector<16xf32>,
          %get3A_611 = arith.index_cast %add3A_580 : i32 to index
          %get3A_612 = arith.constant 64 : index
          %get3A_613 = tpu.vector_load %arg25[%get3A_611, %get3A_612] {strides = array<i32>} : memref<80x128xf32, #tpu.memory_space<vmem>>, vector<16xf32>,
          %mul3A_614 = arith.mulf %get3A_613, %gather3A_582 : vector<16xf32>
          %swap3A_615 = arith.index_cast %add3A_580 : i32 to index
          %swap3A_616 = arith.constant 64 : index
          %swap3A_617 = tpu.vector_load %arg25[%swap3A_615, %swap3A_616] {strides = array<i32>} : memref<80x128xf32, #tpu.memory_space<vmem>>, vector<16xf32>,
          tpu.vector_store %arg25[%swap3A_615, %swap3A_616], %mul3A_614 {strides = array<i32>} : memref<80x128xf32, #tpu.memory_space<vmem>>, vector<16xf32>,
          %get3A_618 = arith.index_cast %add3A_580 : i32 to index
          %get3A_619 = arith.constant 80 : index
          %get3A_620 = tpu.vector_load %arg25[%get3A_618, %get3A_619] {strides = array<i32>} : memref<80x128xf32, #tpu.memory_space<vmem>>, vector<16xf32>,
          %mul3A_621 = arith.mulf %get3A_620, %gather3A_582 : vector<16xf32>
          %swap3A_622 = arith.index_cast %add3A_580 : i32 to index
          %swap3A_623 = arith.constant 80 : index
          %swap3A_624 = tpu.vector_load %arg25[%swap3A_622, %swap3A_623] {strides = array<i32>} : memref<80x128xf32, #tpu.memory_space<vmem>>, vector<16xf32>,
          tpu.vector_store %arg25[%swap3A_622, %swap3A_623], %mul3A_621 {strides = array<i32>} : memref<80x128xf32, #tpu.memory_space<vmem>>, vector<16xf32>,
          %get3A_625 = arith.index_cast %add3A_580 : i32 to index
          %get3A_626 = arith.constant 96 : index
          %get3A_627 = tpu.vector_load %arg25[%get3A_625, %get3A_626] {strides = array<i32>} : memref<80x128xf32, #tpu.memory_space<vmem>>, vector<16xf32>,
          %mul3A_628 = arith.mulf %get3A_627, %gather3A_582 : vector<16xf32>
          %swap3A_629 = arith.index_cast %add3A_580 : i32 to index
          %swap3A_630 = arith.constant 96 : index
          %swap3A_631 = tpu.vector_load %arg25[%swap3A_629, %swap3A_630] {strides = array<i32>} : memref<80x128xf32, #tpu.memory_space<vmem>>, vector<16xf32>,
          tpu.vector_store %arg25[%swap3A_629, %swap3A_630], %mul3A_628 {strides = array<i32>} : memref<80x128xf32, #tpu.memory_space<vmem>>, vector<16xf32>,
          %get3A_632 = arith.index_cast %add3A_580 : i32 to index
          %get3A_633 = arith.constant 112 : index
          %get3A_634 = tpu.vector_load %arg25[%get3A_632, %get3A_633] {strides = array<i32>} : memref<80x128xf32, #tpu.memory_space<vmem>>, vector<16xf32>,
          %mul3A_635 = arith.mulf %get3A_634, %gather3A_582 : vector<16xf32>
          %swap3A_636 = arith.index_cast %add3A_580 : i32 to index
          %swap3A_637 = arith.constant 112 : index
          %swap3A_638 = tpu.vector_load %arg25[%swap3A_636, %swap3A_637] {strides = array<i32>} : memref<80x128xf32, #tpu.memory_space<vmem>>, vector<16xf32>,
          tpu.vector_store %arg25[%swap3A_636, %swap3A_637], %mul3A_635 {strides = array<i32>} : memref<80x128xf32, #tpu.memory_space<vmem>>, vector<16xf32>,
          %mul3A_639 = arith.constant 4 : i32
          %mul3A_640 = arith.muli %scan3A_453, %mul3A_639 : i32
          %add3A_641 = arith.constant 3 : i32
          %add3A_642 = arith.addi %mul3A_640, %add3A_641 : i32
          %broadcast_in_dim3A_643 = vector.broadcast %add3A_642 : i32 to vector<16xi32>
          %gather3A_644 = tpu.vector_load_idx %arg22[%broadcast_in_dim3A_643] : memref<80xf32, #tpu.memory_space<vmem>>[vector<16xi32>], vector<16xf32>,
          %get3A_645 = arith.index_cast %add3A_642 : i32 to index
          %get3A_646 = arith.constant 0 : index
          %get3A_647 = tpu.vector_load %arg25[%get3A_645, %get3A_646] {strides = array<i32>} : memref<80x128xf32, #tpu.memory_space<vmem>>, vector<16xf32>,
          %mul3A_648 = arith.mulf %get3A_647, %gather3A_644 : vector<16xf32>
          %swap3A_649 = arith.index_cast %add3A_642 : i32 to index
          %swap3A_650 = arith.constant 0 : index
          %swap3A_651 = tpu.vector_load %arg25[%swap3A_649, %swap3A_650] {strides = array<i32>} : memref<80x128xf32, #tpu.memory_space<vmem>>, vector<16xf32>,
          tpu.vector_store %arg25[%swap3A_649, %swap3A_650], %mul3A_648 {strides = array<i32>} : memref<80x128xf32, #tpu.memory_space<vmem>>, vector<16xf32>,
          %get3A_652 = arith.index_cast %add3A_642 : i32 to index
          %get3A_653 = arith.constant 16 : index
          %get3A_654 = tpu.vector_load %arg25[%get3A_652, %get3A_653] {strides = array<i32>} : memref<80x128xf32, #tpu.memory_space<vmem>>, vector<16xf32>,
          %mul3A_655 = arith.mulf %get3A_654, %gather3A_644 : vector<16xf32>
          %swap3A_656 = arith.index_cast %add3A_642 : i32 to index
          %swap3A_657 = arith.constant 16 : index
          %swap3A_658 = tpu.vector_load %arg25[%swap3A_656, %swap3A_657] {strides = array<i32>} : memref<80x128xf32, #tpu.memory_space<vmem>>, vector<16xf32>,
          tpu.vector_store %arg25[%swap3A_656, %swap3A_657], %mul3A_655 {strides = array<i32>} : memref<80x128xf32, #tpu.memory_space<vmem>>, vector<16xf32>,
          %get3A_659 = arith.index_cast %add3A_642 : i32 to index
          %get3A_660 = arith.constant 32 : index
          %get3A_661 = tpu.vector_load %arg25[%get3A_659, %get3A_660] {strides = array<i32>} : memref<80x128xf32, #tpu.memory_space<vmem>>, vector<16xf32>,
          %mul3A_662 = arith.mulf %get3A_661, %gather3A_644 : vector<16xf32>
          %swap3A_663 = arith.index_cast %add3A_642 : i32 to index
          %swap3A_664 = arith.constant 32 : index
          %swap3A_665 = tpu.vector_load %arg25[%swap3A_663, %swap3A_664] {strides = array<i32>} : memref<80x128xf32, #tpu.memory_space<vmem>>, vector<16xf32>,
          tpu.vector_store %arg25[%swap3A_663, %swap3A_664], %mul3A_662 {strides = array<i32>} : memref<80x128xf32, #tpu.memory_space<vmem>>, vector<16xf32>,
          %get3A_666 = arith.index_cast %add3A_642 : i32 to index
          %get3A_667 = arith.constant 48 : index
          %get3A_668 = tpu.vector_load %arg25[%get3A_666, %get3A_667] {strides = array<i32>} : memref<80x128xf32, #tpu.memory_space<vmem>>, vector<16xf32>,
          %mul3A_669 = arith.mulf %get3A_668, %gather3A_644 : vector<16xf32>
          %swap3A_670 = arith.index_cast %add3A_642 : i32 to index
          %swap3A_671 = arith.constant 48 : index
          %swap3A_672 = tpu.vector_load %arg25[%swap3A_670, %swap3A_671] {strides = array<i32>} : memref<80x128xf32, #tpu.memory_space<vmem>>, vector<16xf32>,
          tpu.vector_store %arg25[%swap3A_670, %swap3A_671], %mul3A_669 {strides = array<i32>} : memref<80x128xf32, #tpu.memory_space<vmem>>, vector<16xf32>,
          %get3A_673 = arith.index_cast %add3A_642 : i32 to index
          %get3A_674 = arith.constant 64 : index
          %get3A_675 = tpu.vector_load %arg25[%get3A_673, %get3A_674] {strides = array<i32>} : memref<80x128xf32, #tpu.memory_space<vmem>>, vector<16xf32>,
          %mul3A_676 = arith.mulf %get3A_675, %gather3A_644 : vector<16xf32>
          %swap3A_677 = arith.index_cast %add3A_642 : i32 to index
          %swap3A_678 = arith.constant 64 : index
          %swap3A_679 = tpu.vector_load %arg25[%swap3A_677, %swap3A_678] {strides = array<i32>} : memref<80x128xf32, #tpu.memory_space<vmem>>, vector<16xf32>,
          tpu.vector_store %arg25[%swap3A_677, %swap3A_678], %mul3A_676 {strides = array<i32>} : memref<80x128xf32, #tpu.memory_space<vmem>>, vector<16xf32>,
          %get3A_680 = arith.index_cast %add3A_642 : i32 to index
          %get3A_681 = arith.constant 80 : index
          %get3A_682 = tpu.vector_load %arg25[%get3A_680, %get3A_681] {strides = array<i32>} : memref<80x128xf32, #tpu.memory_space<vmem>>, vector<16xf32>,
          %mul3A_683 = arith.mulf %get3A_682, %gather3A_644 : vector<16xf32>
          %swap3A_684 = arith.index_cast %add3A_642 : i32 to index
          %swap3A_685 = arith.constant 80 : index
          %swap3A_686 = tpu.vector_load %arg25[%swap3A_684, %swap3A_685] {strides = array<i32>} : memref<80x128xf32, #tpu.memory_space<vmem>>, vector<16xf32>,
          tpu.vector_store %arg25[%swap3A_684, %swap3A_685], %mul3A_683 {strides = array<i32>} : memref<80x128xf32, #tpu.memory_space<vmem>>, vector<16xf32>,
          %get3A_687 = arith.index_cast %add3A_642 : i32 to index
          %get3A_688 = arith.constant 96 : index
          %get3A_689 = tpu.vector_load %arg25[%get3A_687, %get3A_688] {strides = array<i32>} : memref<80x128xf32, #tpu.memory_space<vmem>>, vector<16xf32>,
          %mul3A_690 = arith.mulf %get3A_689, %gather3A_644 : vector<16xf32>
          %swap3A_691 = arith.index_cast %add3A_642 : i32 to index
          %swap3A_692 = arith.constant 96 : index
          %swap3A_693 = tpu.vector_load %arg25[%swap3A_691, %swap3A_692] {strides = array<i32>} : memref<80x128xf32, #tpu.memory_space<vmem>>, vector<16xf32>,
          tpu.vector_store %arg25[%swap3A_691, %swap3A_692], %mul3A_690 {strides = array<i32>} : memref<80x128xf32, #tpu.memory_space<vmem>>, vector<16xf32>,
          %get3A_694 = arith.index_cast %add3A_642 : i32 to index
          %get3A_695 = arith.constant 112 : index
          %get3A_696 = tpu.vector_load %arg25[%get3A_694, %get3A_695] {strides = array<i32>} : memref<80x128xf32, #tpu.memory_space<vmem>>, vector<16xf32>,
          %mul3A_697 = arith.mulf %get3A_696, %gather3A_644 : vector<16xf32>
          %swap3A_698 = arith.index_cast %add3A_642 : i32 to index
          %swap3A_699 = arith.constant 112 : index
          %swap3A_700 = tpu.vector_load %arg25[%swap3A_698, %swap3A_699] {strides = array<i32>} : memref<80x128xf32, #tpu.memory_space<vmem>>, vector<16xf32>,
          tpu.vector_store %arg25[%swap3A_698, %swap3A_699], %mul3A_697 {strides = array<i32>} : memref<80x128xf32, #tpu.memory_space<vmem>>, vector<16xf32>,
        }
        %scan3A_412 = arith.constant 20 : i32
        %dma_start3A_413 = arith.constant 0 : i32
        %dma_start3A_414 = arith.constant 0 : i32
        %dma_start3A_415 = tpu.memref_slice %arg31[%dma_start3A_413, %dma_start3A_414] : memref<10112x128xf32, #tpu.memory_space<vmem_shared>> -> memref<10112x128xf32, #tpu.memory_space<vmem_shared>>
        tpu.enqueue_indirect_dma source(%arg25 : memref<80x128xf32, #tpu.memory_space<vmem>>) target(%dma_start3A_415 : memref<10112x128xf32, #tpu.memory_space<vmem_shared>>) offsets(%arg12 : memref<80xi32, #tpu.memory_space<vmem>>) semaphore(%arg38 : memref<!tpu.dma_semaphore, #tpu.memory_space<semaphore_mem>>) {add = true}
        %dma_wait3A_416 = arith.constant 0 : i32
        %dma_wait3A_417 = tpu.memref_slice %arg30[%dma_wait3A_416] : memref<90112xf32, #tpu.memory_space<vmem_shared>> -> memref<90112xf32, #tpu.memory_space<vmem_shared>>
        tpu.wait_indirect_dma semaphore(%arg36 : memref<!tpu.dma_semaphore, #tpu.memory_space<semaphore_mem>>) src(%dma_wait3A_417 : memref<90112xf32, #tpu.memory_space<vmem_shared>>) dst(%arg23 : memref<80xf32, #tpu.memory_space<vmem>>)
        %dma_wait3A_418 = arith.constant 0 : i32
        %dma_wait3A_419 = arith.constant 0 : i32
        %dma_wait3A_420 = tpu.memref_slice %arg2[%dma_wait3A_418, %dma_wait3A_419] : memref<100000x128xf32, #tpu.memory_space<hbm>> -> memref<100000x128xf32, #tpu.memory_space<hbm>>
        tpu.wait_indirect_dma semaphore(%arg33 : memref<!tpu.dma_semaphore, #tpu.memory_space<semaphore_mem>>) src(%dma_wait3A_420 : memref<100000x128xf32, #tpu.memory_space<hbm>>) dst(%arg26 : memref<80x128xf32, #tpu.memory_space<vmem>>)
        %scan3A_421 = arith.constant 0 : i32
        %scan3A_422 = arith.constant 0 : i32
        %scan3A_423 = arith.constant 20 : i32
        %scan3A_424 = arith.addi %scan3A_422, %scan3A_423 : i32
        %scan3A_425 = arith.constant 1 : i32
        scf.for %scan3A_453 = %scan3A_422 to %scan3A_424 step %scan3A_425  : i32 {
          %mul3A_454 = arith.constant 4 : i32
          %mul3A_455 = arith.muli %scan3A_453, %mul3A_454 : i32
          %add3A_456 = arith.constant 0 : i32
          %add3A_457 = arith.addi %mul3A_455, %add3A_456 : i32
          %broadcast_in_dim3A_458 = vector.broadcast %add3A_457 : i32 to vector<16xi32>
          %gather3A = tpu.vector_load_idx %arg23[%broadcast_in_dim3A_458] : memref<80xf32, #tpu.memory_space<vmem>>[vector<16xi32>], vector<16xf32>,
          %get3A_459 = arith.index_cast %add3A_457 : i32 to index
          %get3A_460 = arith.constant 0 : index
          %get3A_461 = tpu.vector_load %arg26[%get3A_459, %get3A_460] {strides = array<i32>} : memref<80x128xf32, #tpu.memory_space<vmem>>, vector<16xf32>,
          %mul3A_462 = arith.mulf %get3A_461, %gather3A : vector<16xf32>
          %swap3A_463 = arith.index_cast %add3A_457 : i32 to index
          %swap3A_464 = arith.constant 0 : index
          %swap3A_465 = tpu.vector_load %arg26[%swap3A_463, %swap3A_464] {strides = array<i32>} : memref<80x128xf32, #tpu.memory_space<vmem>>, vector<16xf32>,
          tpu.vector_store %arg26[%swap3A_463, %swap3A_464], %mul3A_462 {strides = array<i32>} : memref<80x128xf32, #tpu.memory_space<vmem>>, vector<16xf32>,
          %get3A_466 = arith.index_cast %add3A_457 : i32 to index
          %get3A_467 = arith.constant 16 : index
          %get3A_468 = tpu.vector_load %arg26[%get3A_466, %get3A_467] {strides = array<i32>} : memref<80x128xf32, #tpu.memory_space<vmem>>, vector<16xf32>,
          %mul3A_469 = arith.mulf %get3A_468, %gather3A : vector<16xf32>
          %swap3A_470 = arith.index_cast %add3A_457 : i32 to index
          %swap3A_471 = arith.constant 16 : index
          %swap3A_472 = tpu.vector_load %arg26[%swap3A_470, %swap3A_471] {strides = array<i32>} : memref<80x128xf32, #tpu.memory_space<vmem>>, vector<16xf32>,
          tpu.vector_store %arg26[%swap3A_470, %swap3A_471], %mul3A_469 {strides = array<i32>} : memref<80x128xf32, #tpu.memory_space<vmem>>, vector<16xf32>,
          %get3A_473 = arith.index_cast %add3A_457 : i32 to index
          %get3A_474 = arith.constant 32 : index
          %get3A_475 = tpu.vector_load %arg26[%get3A_473, %get3A_474] {strides = array<i32>} : memref<80x128xf32, #tpu.memory_space<vmem>>, vector<16xf32>,
          %mul3A_476 = arith.mulf %get3A_475, %gather3A : vector<16xf32>
          %swap3A_477 = arith.index_cast %add3A_457 : i32 to index
          %swap3A_478 = arith.constant 32 : index
          %swap3A_479 = tpu.vector_load %arg26[%swap3A_477, %swap3A_478] {strides = array<i32>} : memref<80x128xf32, #tpu.memory_space<vmem>>, vector<16xf32>,
          tpu.vector_store %arg26[%swap3A_477, %swap3A_478], %mul3A_476 {strides = array<i32>} : memref<80x128xf32, #tpu.memory_space<vmem>>, vector<16xf32>,
          %get3A_480 = arith.index_cast %add3A_457 : i32 to index
          %get3A_481 = arith.constant 48 : index
          %get3A_482 = tpu.vector_load %arg26[%get3A_480, %get3A_481] {strides = array<i32>} : memref<80x128xf32, #tpu.memory_space<vmem>>, vector<16xf32>,
          %mul3A_483 = arith.mulf %get3A_482, %gather3A : vector<16xf32>
          %swap3A_484 = arith.index_cast %add3A_457 : i32 to index
          %swap3A_485 = arith.constant 48 : index
          %swap3A_486 = tpu.vector_load %arg26[%swap3A_484, %swap3A_485] {strides = array<i32>} : memref<80x128xf32, #tpu.memory_space<vmem>>, vector<16xf32>,
          tpu.vector_store %arg26[%swap3A_484, %swap3A_485], %mul3A_483 {strides = array<i32>} : memref<80x128xf32, #tpu.memory_space<vmem>>, vector<16xf32>,
          %get3A_487 = arith.index_cast %add3A_457 : i32 to index
          %get3A_488 = arith.constant 64 : index
          %get3A_489 = tpu.vector_load %arg26[%get3A_487, %get3A_488] {strides = array<i32>} : memref<80x128xf32, #tpu.memory_space<vmem>>, vector<16xf32>,
          %mul3A_490 = arith.mulf %get3A_489, %gather3A : vector<16xf32>
          %swap3A_491 = arith.index_cast %add3A_457 : i32 to index
          %swap3A_492 = arith.constant 64 : index
          %swap3A_493 = tpu.vector_load %arg26[%swap3A_491, %swap3A_492] {strides = array<i32>} : memref<80x128xf32, #tpu.memory_space<vmem>>, vector<16xf32>,
          tpu.vector_store %arg26[%swap3A_491, %swap3A_492], %mul3A_490 {strides = array<i32>} : memref<80x128xf32, #tpu.memory_space<vmem>>, vector<16xf32>,
          %get3A_494 = arith.index_cast %add3A_457 : i32 to index
          %get3A_495 = arith.constant 80 : index
          %get3A_496 = tpu.vector_load %arg26[%get3A_494, %get3A_495] {strides = array<i32>} : memref<80x128xf32, #tpu.memory_space<vmem>>, vector<16xf32>,
          %mul3A_497 = arith.mulf %get3A_496, %gather3A : vector<16xf32>
          %swap3A_498 = arith.index_cast %add3A_457 : i32 to index
          %swap3A_499 = arith.constant 80 : index
          %swap3A_500 = tpu.vector_load %arg26[%swap3A_498, %swap3A_499] {strides = array<i32>} : memref<80x128xf32, #tpu.memory_space<vmem>>, vector<16xf32>,
          tpu.vector_store %arg26[%swap3A_498, %swap3A_499], %mul3A_497 {strides = array<i32>} : memref<80x128xf32, #tpu.memory_space<vmem>>, vector<16xf32>,
          %get3A_501 = arith.index_cast %add3A_457 : i32 to index
          %get3A_502 = arith.constant 96 : index
          %get3A_503 = tpu.vector_load %arg26[%get3A_501, %get3A_502] {strides = array<i32>} : memref<80x128xf32, #tpu.memory_space<vmem>>, vector<16xf32>,
          %mul3A_504 = arith.mulf %get3A_503, %gather3A : vector<16xf32>
          %swap3A_505 = arith.index_cast %add3A_457 : i32 to index
          %swap3A_506 = arith.constant 96 : index
          %swap3A_507 = tpu.vector_load %arg26[%swap3A_505, %swap3A_506] {strides = array<i32>} : memref<80x128xf32, #tpu.memory_space<vmem>>, vector<16xf32>,
          tpu.vector_store %arg26[%swap3A_505, %swap3A_506], %mul3A_504 {strides = array<i32>} : memref<80x128xf32, #tpu.memory_space<vmem>>, vector<16xf32>,
          %get3A_508 = arith.index_cast %add3A_457 : i32 to index
          %get3A_509 = arith.constant 112 : index
          %get3A_510 = tpu.vector_load %arg26[%get3A_508, %get3A_509] {strides = array<i32>} : memref<80x128xf32, #tpu.memory_space<vmem>>, vector<16xf32>,
          %mul3A_511 = arith.mulf %get3A_510, %gather3A : vector<16xf32>
          %swap3A_512 = arith.index_cast %add3A_457 : i32 to index
          %swap3A_513 = arith.constant 112 : index
          %swap3A_514 = tpu.vector_load %arg26[%swap3A_512, %swap3A_513] {strides = array<i32>} : memref<80x128xf32, #tpu.memory_space<vmem>>, vector<16xf32>,
          tpu.vector_store %arg26[%swap3A_512, %swap3A_513], %mul3A_511 {strides = array<i32>} : memref<80x128xf32, #tpu.memory_space<vmem>>, vector<16xf32>,
          %mul3A_515 = arith.constant 4 : i32
          %mul3A_516 = arith.muli %scan3A_453, %mul3A_515 : i32
          %add3A_517 = arith.constant 1 : i32
          %add3A_518 = arith.addi %mul3A_516, %add3A_517 : i32
          %broadcast_in_dim3A_519 = vector.broadcast %add3A_518 : i32 to vector<16xi32>
          %gather3A_520 = tpu.vector_load_idx %arg23[%broadcast_in_dim3A_519] : memref<80xf32, #tpu.memory_space<vmem>>[vector<16xi32>], vector<16xf32>,
          %get3A_521 = arith.index_cast %add3A_518 : i32 to index
          %get3A_522 = arith.constant 0 : index
          %get3A_523 = tpu.vector_load %arg26[%get3A_521, %get3A_522] {strides = array<i32>} : memref<80x128xf32, #tpu.memory_space<vmem>>, vector<16xf32>,
          %mul3A_524 = arith.mulf %get3A_523, %gather3A_520 : vector<16xf32>
          %swap3A_525 = arith.index_cast %add3A_518 : i32 to index
          %swap3A_526 = arith.constant 0 : index
          %swap3A_527 = tpu.vector_load %arg26[%swap3A_525, %swap3A_526] {strides = array<i32>} : memref<80x128xf32, #tpu.memory_space<vmem>>, vector<16xf32>,
          tpu.vector_store %arg26[%swap3A_525, %swap3A_526], %mul3A_524 {strides = array<i32>} : memref<80x128xf32, #tpu.memory_space<vmem>>, vector<16xf32>,
          %get3A_528 = arith.index_cast %add3A_518 : i32 to index
          %get3A_529 = arith.constant 16 : index
          %get3A_530 = tpu.vector_load %arg26[%get3A_528, %get3A_529] {strides = array<i32>} : memref<80x128xf32, #tpu.memory_space<vmem>>, vector<16xf32>,
          %mul3A_531 = arith.mulf %get3A_530, %gather3A_520 : vector<16xf32>
          %swap3A_532 = arith.index_cast %add3A_518 : i32 to index
          %swap3A_533 = arith.constant 16 : index
          %swap3A_534 = tpu.vector_load %arg26[%swap3A_532, %swap3A_533] {strides = array<i32>} : memref<80x128xf32, #tpu.memory_space<vmem>>, vector<16xf32>,
          tpu.vector_store %arg26[%swap3A_532, %swap3A_533], %mul3A_531 {strides = array<i32>} : memref<80x128xf32, #tpu.memory_space<vmem>>, vector<16xf32>,
          %get3A_535 = arith.index_cast %add3A_518 : i32 to index
          %get3A_536 = arith.constant 32 : index
          %get3A_537 = tpu.vector_load %arg26[%get3A_535, %get3A_536] {strides = array<i32>} : memref<80x128xf32, #tpu.memory_space<vmem>>, vector<16xf32>,
          %mul3A_538 = arith.mulf %get3A_537, %gather3A_520 : vector<16xf32>
          %swap3A_539 = arith.index_cast %add3A_518 : i32 to index
          %swap3A_540 = arith.constant 32 : index
          %swap3A_541 = tpu.vector_load %arg26[%swap3A_539, %swap3A_540] {strides = array<i32>} : memref<80x128xf32, #tpu.memory_space<vmem>>, vector<16xf32>,
          tpu.vector_store %arg26[%swap3A_539, %swap3A_540], %mul3A_538 {strides = array<i32>} : memref<80x128xf32, #tpu.memory_space<vmem>>, vector<16xf32>,
          %get3A_542 = arith.index_cast %add3A_518 : i32 to index
          %get3A_543 = arith.constant 48 : index
          %get3A_544 = tpu.vector_load %arg26[%get3A_542, %get3A_543] {strides = array<i32>} : memref<80x128xf32, #tpu.memory_space<vmem>>, vector<16xf32>,
          %mul3A_545 = arith.mulf %get3A_544, %gather3A_520 : vector<16xf32>
          %swap3A_546 = arith.index_cast %add3A_518 : i32 to index
          %swap3A_547 = arith.constant 48 : index
          %swap3A_548 = tpu.vector_load %arg26[%swap3A_546, %swap3A_547] {strides = array<i32>} : memref<80x128xf32, #tpu.memory_space<vmem>>, vector<16xf32>,
          tpu.vector_store %arg26[%swap3A_546, %swap3A_547], %mul3A_545 {strides = array<i32>} : memref<80x128xf32, #tpu.memory_space<vmem>>, vector<16xf32>,
          %get3A_549 = arith.index_cast %add3A_518 : i32 to index
          %get3A_550 = arith.constant 64 : index
          %get3A_551 = tpu.vector_load %arg26[%get3A_549, %get3A_550] {strides = array<i32>} : memref<80x128xf32, #tpu.memory_space<vmem>>, vector<16xf32>,
          %mul3A_552 = arith.mulf %get3A_551, %gather3A_520 : vector<16xf32>
          %swap3A_553 = arith.index_cast %add3A_518 : i32 to index
          %swap3A_554 = arith.constant 64 : index
          %swap3A_555 = tpu.vector_load %arg26[%swap3A_553, %swap3A_554] {strides = array<i32>} : memref<80x128xf32, #tpu.memory_space<vmem>>, vector<16xf32>,
          tpu.vector_store %arg26[%swap3A_553, %swap3A_554], %mul3A_552 {strides = array<i32>} : memref<80x128xf32, #tpu.memory_space<vmem>>, vector<16xf32>,
          %get3A_556 = arith.index_cast %add3A_518 : i32 to index
          %get3A_557 = arith.constant 80 : index
          %get3A_558 = tpu.vector_load %arg26[%get3A_556, %get3A_557] {strides = array<i32>} : memref<80x128xf32, #tpu.memory_space<vmem>>, vector<16xf32>,
          %mul3A_559 = arith.mulf %get3A_558, %gather3A_520 : vector<16xf32>
          %swap3A_560 = arith.index_cast %add3A_518 : i32 to index
          %swap3A_561 = arith.constant 80 : index
          %swap3A_562 = tpu.vector_load %arg26[%swap3A_560, %swap3A_561] {strides = array<i32>} : memref<80x128xf32, #tpu.memory_space<vmem>>, vector<16xf32>,
          tpu.vector_store %arg26[%swap3A_560, %swap3A_561], %mul3A_559 {strides = array<i32>} : memref<80x128xf32, #tpu.memory_space<vmem>>, vector<16xf32>,
          %get3A_563 = arith.index_cast %add3A_518 : i32 to index
          %get3A_564 = arith.constant 96 : index
          %get3A_565 = tpu.vector_load %arg26[%get3A_563, %get3A_564] {strides = array<i32>} : memref<80x128xf32, #tpu.memory_space<vmem>>, vector<16xf32>,
          %mul3A_566 = arith.mulf %get3A_565, %gather3A_520 : vector<16xf32>
          %swap3A_567 = arith.index_cast %add3A_518 : i32 to index
          %swap3A_568 = arith.constant 96 : index
          %swap3A_569 = tpu.vector_load %arg26[%swap3A_567, %swap3A_568] {strides = array<i32>} : memref<80x128xf32, #tpu.memory_space<vmem>>, vector<16xf32>,
          tpu.vector_store %arg26[%swap3A_567, %swap3A_568], %mul3A_566 {strides = array<i32>} : memref<80x128xf32, #tpu.memory_space<vmem>>, vector<16xf32>,
          %get3A_570 = arith.index_cast %add3A_518 : i32 to index
          %get3A_571 = arith.constant 112 : index
          %get3A_572 = tpu.vector_load %arg26[%get3A_570, %get3A_571] {strides = array<i32>} : memref<80x128xf32, #tpu.memory_space<vmem>>, vector<16xf32>,
          %mul3A_573 = arith.mulf %get3A_572, %gather3A_520 : vector<16xf32>
          %swap3A_574 = arith.index_cast %add3A_518 : i32 to index
          %swap3A_575 = arith.constant 112 : index
          %swap3A_576 = tpu.vector_load %arg26[%swap3A_574, %swap3A_575] {strides = array<i32>} : memref<80x128xf32, #tpu.memory_space<vmem>>, vector<16xf32>,
          tpu.vector_store %arg26[%swap3A_574, %swap3A_575], %mul3A_573 {strides = array<i32>} : memref<80x128xf32, #tpu.memory_space<vmem>>, vector<16xf32>,
          %mul3A_577 = arith.constant 4 : i32
          %mul3A_578 = arith.muli %scan3A_453, %mul3A_577 : i32
          %add3A_579 = arith.constant 2 : i32
          %add3A_580 = arith.addi %mul3A_578, %add3A_579 : i32
          %broadcast_in_dim3A_581 = vector.broadcast %add3A_580 : i32 to vector<16xi32>
          %gather3A_582 = tpu.vector_load_idx %arg23[%broadcast_in_dim3A_581] : memref<80xf32, #tpu.memory_space<vmem>>[vector<16xi32>], vector<16xf32>,
          %get3A_583 = arith.index_cast %add3A_580 : i32 to index
          %get3A_584 = arith.constant 0 : index
          %get3A_585 = tpu.vector_load %arg26[%get3A_583, %get3A_584] {strides = array<i32>} : memref<80x128xf32, #tpu.memory_space<vmem>>, vector<16xf32>,
          %mul3A_586 = arith.mulf %get3A_585, %gather3A_582 : vector<16xf32>
          %swap3A_587 = arith.index_cast %add3A_580 : i32 to index
          %swap3A_588 = arith.constant 0 : index
          %swap3A_589 = tpu.vector_load %arg26[%swap3A_587, %swap3A_588] {strides = array<i32>} : memref<80x128xf32, #tpu.memory_space<vmem>>, vector<16xf32>,
          tpu.vector_store %arg26[%swap3A_587, %swap3A_588], %mul3A_586 {strides = array<i32>} : memref<80x128xf32, #tpu.memory_space<vmem>>, vector<16xf32>,
          %get3A_590 = arith.index_cast %add3A_580 : i32 to index
          %get3A_591 = arith.constant 16 : index
          %get3A_592 = tpu.vector_load %arg26[%get3A_590, %get3A_591] {strides = array<i32>} : memref<80x128xf32, #tpu.memory_space<vmem>>, vector<16xf32>,
          %mul3A_593 = arith.mulf %get3A_592, %gather3A_582 : vector<16xf32>
          %swap3A_594 = arith.index_cast %add3A_580 : i32 to index
          %swap3A_595 = arith.constant 16 : index
          %swap3A_596 = tpu.vector_load %arg26[%swap3A_594, %swap3A_595] {strides = array<i32>} : memref<80x128xf32, #tpu.memory_space<vmem>>, vector<16xf32>,
          tpu.vector_store %arg26[%swap3A_594, %swap3A_595], %mul3A_593 {strides = array<i32>} : memref<80x128xf32, #tpu.memory_space<vmem>>, vector<16xf32>,
          %get3A_597 = arith.index_cast %add3A_580 : i32 to index
          %get3A_598 = arith.constant 32 : index
          %get3A_599 = tpu.vector_load %arg26[%get3A_597, %get3A_598] {strides = array<i32>} : memref<80x128xf32, #tpu.memory_space<vmem>>, vector<16xf32>,
          %mul3A_600 = arith.mulf %get3A_599, %gather3A_582 : vector<16xf32>
          %swap3A_601 = arith.index_cast %add3A_580 : i32 to index
          %swap3A_602 = arith.constant 32 : index
          %swap3A_603 = tpu.vector_load %arg26[%swap3A_601, %swap3A_602] {strides = array<i32>} : memref<80x128xf32, #tpu.memory_space<vmem>>, vector<16xf32>,
          tpu.vector_store %arg26[%swap3A_601, %swap3A_602], %mul3A_600 {strides = array<i32>} : memref<80x128xf32, #tpu.memory_space<vmem>>, vector<16xf32>,
          %get3A_604 = arith.index_cast %add3A_580 : i32 to index
          %get3A_605 = arith.constant 48 : index
          %get3A_606 = tpu.vector_load %arg26[%get3A_604, %get3A_605] {strides = array<i32>} : memref<80x128xf32, #tpu.memory_space<vmem>>, vector<16xf32>,
          %mul3A_607 = arith.mulf %get3A_606, %gather3A_582 : vector<16xf32>
          %swap3A_608 = arith.index_cast %add3A_580 : i32 to index
          %swap3A_609 = arith.constant 48 : index
          %swap3A_610 = tpu.vector_load %arg26[%swap3A_608, %swap3A_609] {strides = array<i32>} : memref<80x128xf32, #tpu.memory_space<vmem>>, vector<16xf32>,
          tpu.vector_store %arg26[%swap3A_608, %swap3A_609], %mul3A_607 {strides = array<i32>} : memref<80x128xf32, #tpu.memory_space<vmem>>, vector<16xf32>,
          %get3A_611 = arith.index_cast %add3A_580 : i32 to index
          %get3A_612 = arith.constant 64 : index
          %get3A_613 = tpu.vector_load %arg26[%get3A_611, %get3A_612] {strides = array<i32>} : memref<80x128xf32, #tpu.memory_space<vmem>>, vector<16xf32>,
          %mul3A_614 = arith.mulf %get3A_613, %gather3A_582 : vector<16xf32>
          %swap3A_615 = arith.index_cast %add3A_580 : i32 to index
          %swap3A_616 = arith.constant 64 : index
          %swap3A_617 = tpu.vector_load %arg26[%swap3A_615, %swap3A_616] {strides = array<i32>} : memref<80x128xf32, #tpu.memory_space<vmem>>, vector<16xf32>,
          tpu.vector_store %arg26[%swap3A_615, %swap3A_616], %mul3A_614 {strides = array<i32>} : memref<80x128xf32, #tpu.memory_space<vmem>>, vector<16xf32>,
          %get3A_618 = arith.index_cast %add3A_580 : i32 to index
          %get3A_619 = arith.constant 80 : index
          %get3A_620 = tpu.vector_load %arg26[%get3A_618, %get3A_619] {strides = array<i32>} : memref<80x128xf32, #tpu.memory_space<vmem>>, vector<16xf32>,
          %mul3A_621 = arith.mulf %get3A_620, %gather3A_582 : vector<16xf32>
          %swap3A_622 = arith.index_cast %add3A_580 : i32 to index
          %swap3A_623 = arith.constant 80 : index
          %swap3A_624 = tpu.vector_load %arg26[%swap3A_622, %swap3A_623] {strides = array<i32>} : memref<80x128xf32, #tpu.memory_space<vmem>>, vector<16xf32>,
          tpu.vector_store %arg26[%swap3A_622, %swap3A_623], %mul3A_621 {strides = array<i32>} : memref<80x128xf32, #tpu.memory_space<vmem>>, vector<16xf32>,
          %get3A_625 = arith.index_cast %add3A_580 : i32 to index
          %get3A_626 = arith.constant 96 : index
          %get3A_627 = tpu.vector_load %arg26[%get3A_625, %get3A_626] {strides = array<i32>} : memref<80x128xf32, #tpu.memory_space<vmem>>, vector<16xf32>,
          %mul3A_628 = arith.mulf %get3A_627, %gather3A_582 : vector<16xf32>
          %swap3A_629 = arith.index_cast %add3A_580 : i32 to index
          %swap3A_630 = arith.constant 96 : index
          %swap3A_631 = tpu.vector_load %arg26[%swap3A_629, %swap3A_630] {strides = array<i32>} : memref<80x128xf32, #tpu.memory_space<vmem>>, vector<16xf32>,
          tpu.vector_store %arg26[%swap3A_629, %swap3A_630], %mul3A_628 {strides = array<i32>} : memref<80x128xf32, #tpu.memory_space<vmem>>, vector<16xf32>,
          %get3A_632 = arith.index_cast %add3A_580 : i32 to index
          %get3A_633 = arith.constant 112 : index
          %get3A_634 = tpu.vector_load %arg26[%get3A_632, %get3A_633] {strides = array<i32>} : memref<80x128xf32, #tpu.memory_space<vmem>>, vector<16xf32>,
          %mul3A_635 = arith.mulf %get3A_634, %gather3A_582 : vector<16xf32>
          %swap3A_636 = arith.index_cast %add3A_580 : i32 to index
          %swap3A_637 = arith.constant 112 : index
          %swap3A_638 = tpu.vector_load %arg26[%swap3A_636, %swap3A_637] {strides = array<i32>} : memref<80x128xf32, #tpu.memory_space<vmem>>, vector<16xf32>,
          tpu.vector_store %arg26[%swap3A_636, %swap3A_637], %mul3A_635 {strides = array<i32>} : memref<80x128xf32, #tpu.memory_space<vmem>>, vector<16xf32>,
          %mul3A_639 = arith.constant 4 : i32
          %mul3A_640 = arith.muli %scan3A_453, %mul3A_639 : i32
          %add3A_641 = arith.constant 3 : i32
          %add3A_642 = arith.addi %mul3A_640, %add3A_641 : i32
          %broadcast_in_dim3A_643 = vector.broadcast %add3A_642 : i32 to vector<16xi32>
          %gather3A_644 = tpu.vector_load_idx %arg23[%broadcast_in_dim3A_643] : memref<80xf32, #tpu.memory_space<vmem>>[vector<16xi32>], vector<16xf32>,
          %get3A_645 = arith.index_cast %add3A_642 : i32 to index
          %get3A_646 = arith.constant 0 : index
          %get3A_647 = tpu.vector_load %arg26[%get3A_645, %get3A_646] {strides = array<i32>} : memref<80x128xf32, #tpu.memory_space<vmem>>, vector<16xf32>,
          %mul3A_648 = arith.mulf %get3A_647, %gather3A_644 : vector<16xf32>
          %swap3A_649 = arith.index_cast %add3A_642 : i32 to index
          %swap3A_650 = arith.constant 0 : index
          %swap3A_651 = tpu.vector_load %arg26[%swap3A_649, %swap3A_650] {strides = array<i32>} : memref<80x128xf32, #tpu.memory_space<vmem>>, vector<16xf32>,
          tpu.vector_store %arg26[%swap3A_649, %swap3A_650], %mul3A_648 {strides = array<i32>} : memref<80x128xf32, #tpu.memory_space<vmem>>, vector<16xf32>,
          %get3A_652 = arith.index_cast %add3A_642 : i32 to index
          %get3A_653 = arith.constant 16 : index
          %get3A_654 = tpu.vector_load %arg26[%get3A_652, %get3A_653] {strides = array<i32>} : memref<80x128xf32, #tpu.memory_space<vmem>>, vector<16xf32>,
          %mul3A_655 = arith.mulf %get3A_654, %gather3A_644 : vector<16xf32>
          %swap3A_656 = arith.index_cast %add3A_642 : i32 to index
          %swap3A_657 = arith.constant 16 : index
          %swap3A_658 = tpu.vector_load %arg26[%swap3A_656, %swap3A_657] {strides = array<i32>} : memref<80x128xf32, #tpu.memory_space<vmem>>, vector<16xf32>,
          tpu.vector_store %arg26[%swap3A_656, %swap3A_657], %mul3A_655 {strides = array<i32>} : memref<80x128xf32, #tpu.memory_space<vmem>>, vector<16xf32>,
          %get3A_659 = arith.index_cast %add3A_642 : i32 to index
          %get3A_660 = arith.constant 32 : index
          %get3A_661 = tpu.vector_load %arg26[%get3A_659, %get3A_660] {strides = array<i32>} : memref<80x128xf32, #tpu.memory_space<vmem>>, vector<16xf32>,
          %mul3A_662 = arith.mulf %get3A_661, %gather3A_644 : vector<16xf32>
          %swap3A_663 = arith.index_cast %add3A_642 : i32 to index
          %swap3A_664 = arith.constant 32 : index
          %swap3A_665 = tpu.vector_load %arg26[%swap3A_663, %swap3A_664] {strides = array<i32>} : memref<80x128xf32, #tpu.memory_space<vmem>>, vector<16xf32>,
          tpu.vector_store %arg26[%swap3A_663, %swap3A_664], %mul3A_662 {strides = array<i32>} : memref<80x128xf32, #tpu.memory_space<vmem>>, vector<16xf32>,
          %get3A_666 = arith.index_cast %add3A_642 : i32 to index
          %get3A_667 = arith.constant 48 : index
          %get3A_668 = tpu.vector_load %arg26[%get3A_666, %get3A_667] {strides = array<i32>} : memref<80x128xf32, #tpu.memory_space<vmem>>, vector<16xf32>,
          %mul3A_669 = arith.mulf %get3A_668, %gather3A_644 : vector<16xf32>
          %swap3A_670 = arith.index_cast %add3A_642 : i32 to index
          %swap3A_671 = arith.constant 48 : index
          %swap3A_672 = tpu.vector_load %arg26[%swap3A_670, %swap3A_671] {strides = array<i32>} : memref<80x128xf32, #tpu.memory_space<vmem>>, vector<16xf32>,
          tpu.vector_store %arg26[%swap3A_670, %swap3A_671], %mul3A_669 {strides = array<i32>} : memref<80x128xf32, #tpu.memory_space<vmem>>, vector<16xf32>,
          %get3A_673 = arith.index_cast %add3A_642 : i32 to index
          %get3A_674 = arith.constant 64 : index
          %get3A_675 = tpu.vector_load %arg26[%get3A_673, %get3A_674] {strides = array<i32>} : memref<80x128xf32, #tpu.memory_space<vmem>>, vector<16xf32>,
          %mul3A_676 = arith.mulf %get3A_675, %gather3A_644 : vector<16xf32>
          %swap3A_677 = arith.index_cast %add3A_642 : i32 to index
          %swap3A_678 = arith.constant 64 : index
          %swap3A_679 = tpu.vector_load %arg26[%swap3A_677, %swap3A_678] {strides = array<i32>} : memref<80x128xf32, #tpu.memory_space<vmem>>, vector<16xf32>,
          tpu.vector_store %arg26[%swap3A_677, %swap3A_678], %mul3A_676 {strides = array<i32>} : memref<80x128xf32, #tpu.memory_space<vmem>>, vector<16xf32>,
          %get3A_680 = arith.index_cast %add3A_642 : i32 to index
          %get3A_681 = arith.constant 80 : index
          %get3A_682 = tpu.vector_load %arg26[%get3A_680, %get3A_681] {strides = array<i32>} : memref<80x128xf32, #tpu.memory_space<vmem>>, vector<16xf32>,
          %mul3A_683 = arith.mulf %get3A_682, %gather3A_644 : vector<16xf32>
          %swap3A_684 = arith.index_cast %add3A_642 : i32 to index
          %swap3A_685 = arith.constant 80 : index
          %swap3A_686 = tpu.vector_load %arg26[%swap3A_684, %swap3A_685] {strides = array<i32>} : memref<80x128xf32, #tpu.memory_space<vmem>>, vector<16xf32>,
          tpu.vector_store %arg26[%swap3A_684, %swap3A_685], %mul3A_683 {strides = array<i32>} : memref<80x128xf32, #tpu.memory_space<vmem>>, vector<16xf32>,
          %get3A_687 = arith.index_cast %add3A_642 : i32 to index
          %get3A_688 = arith.constant 96 : index
          %get3A_689 = tpu.vector_load %arg26[%get3A_687, %get3A_688] {strides = array<i32>} : memref<80x128xf32, #tpu.memory_space<vmem>>, vector<16xf32>,
          %mul3A_690 = arith.mulf %get3A_689, %gather3A_644 : vector<16xf32>
          %swap3A_691 = arith.index_cast %add3A_642 : i32 to index
          %swap3A_692 = arith.constant 96 : index
          %swap3A_693 = tpu.vector_load %arg26[%swap3A_691, %swap3A_692] {strides = array<i32>} : memref<80x128xf32, #tpu.memory_space<vmem>>, vector<16xf32>,
          tpu.vector_store %arg26[%swap3A_691, %swap3A_692], %mul3A_690 {strides = array<i32>} : memref<80x128xf32, #tpu.memory_space<vmem>>, vector<16xf32>,
          %get3A_694 = arith.index_cast %add3A_642 : i32 to index
          %get3A_695 = arith.constant 112 : index
          %get3A_696 = tpu.vector_load %arg26[%get3A_694, %get3A_695] {strides = array<i32>} : memref<80x128xf32, #tpu.memory_space<vmem>>, vector<16xf32>,
          %mul3A_697 = arith.mulf %get3A_696, %gather3A_644 : vector<16xf32>
          %swap3A_698 = arith.index_cast %add3A_642 : i32 to index
          %swap3A_699 = arith.constant 112 : index
          %swap3A_700 = tpu.vector_load %arg26[%swap3A_698, %swap3A_699] {strides = array<i32>} : memref<80x128xf32, #tpu.memory_space<vmem>>, vector<16xf32>,
          tpu.vector_store %arg26[%swap3A_698, %swap3A_699], %mul3A_697 {strides = array<i32>} : memref<80x128xf32, #tpu.memory_space<vmem>>, vector<16xf32>,
        }
        %scan3A_426 = arith.constant 20 : i32
        %dma_start3A_427 = arith.constant 0 : i32
        %dma_start3A_428 = arith.constant 0 : i32
        %dma_start3A_429 = tpu.memref_slice %arg31[%dma_start3A_427, %dma_start3A_428] : memref<10112x128xf32, #tpu.memory_space<vmem_shared>> -> memref<10112x128xf32, #tpu.memory_space<vmem_shared>>
        tpu.enqueue_indirect_dma source(%arg26 : memref<80x128xf32, #tpu.memory_space<vmem>>) target(%dma_start3A_429 : memref<10112x128xf32, #tpu.memory_space<vmem_shared>>) offsets(%arg13 : memref<80xi32, #tpu.memory_space<vmem>>) semaphore(%arg39 : memref<!tpu.dma_semaphore, #tpu.memory_space<semaphore_mem>>) {add = true}
        %dma_wait3A_430 = arith.constant 0 : i32
        %dma_wait3A_431 = tpu.memref_slice %arg30[%dma_wait3A_430] : memref<90112xf32, #tpu.memory_space<vmem_shared>> -> memref<90112xf32, #tpu.memory_space<vmem_shared>>
        tpu.wait_indirect_dma semaphore(%arg37 : memref<!tpu.dma_semaphore, #tpu.memory_space<semaphore_mem>>) src(%dma_wait3A_431 : memref<90112xf32, #tpu.memory_space<vmem_shared>>) dst(%arg24 : memref<80xf32, #tpu.memory_space<vmem>>)
        %dma_wait3A_432 = arith.constant 0 : i32
        %dma_wait3A_433 = arith.constant 0 : i32
        %dma_wait3A_434 = tpu.memref_slice %arg2[%dma_wait3A_432, %dma_wait3A_433] : memref<100000x128xf32, #tpu.memory_space<hbm>> -> memref<100000x128xf32, #tpu.memory_space<hbm>>
        tpu.wait_indirect_dma semaphore(%arg34 : memref<!tpu.dma_semaphore, #tpu.memory_space<semaphore_mem>>) src(%dma_wait3A_434 : memref<100000x128xf32, #tpu.memory_space<hbm>>) dst(%arg27 : memref<80x128xf32, #tpu.memory_space<vmem>>)
        %scan3A_435 = arith.constant 0 : i32
        %scan3A_436 = arith.constant 0 : i32
        %scan3A_437 = arith.constant 20 : i32
        %scan3A_438 = arith.addi %scan3A_436, %scan3A_437 : i32
        %scan3A_439 = arith.constant 1 : i32
        scf.for %scan3A_453 = %scan3A_436 to %scan3A_438 step %scan3A_439  : i32 {
          %mul3A_454 = arith.constant 4 : i32
          %mul3A_455 = arith.muli %scan3A_453, %mul3A_454 : i32
          %add3A_456 = arith.constant 0 : i32
          %add3A_457 = arith.addi %mul3A_455, %add3A_456 : i32
          %broadcast_in_dim3A_458 = vector.broadcast %add3A_457 : i32 to vector<16xi32>
          %gather3A = tpu.vector_load_idx %arg24[%broadcast_in_dim3A_458] : memref<80xf32, #tpu.memory_space<vmem>>[vector<16xi32>], vector<16xf32>,
          %get3A_459 = arith.index_cast %add3A_457 : i32 to index
          %get3A_460 = arith.constant 0 : index
          %get3A_461 = tpu.vector_load %arg27[%get3A_459, %get3A_460] {strides = array<i32>} : memref<80x128xf32, #tpu.memory_space<vmem>>, vector<16xf32>,
          %mul3A_462 = arith.mulf %get3A_461, %gather3A : vector<16xf32>
          %swap3A_463 = arith.index_cast %add3A_457 : i32 to index
          %swap3A_464 = arith.constant 0 : index
          %swap3A_465 = tpu.vector_load %arg27[%swap3A_463, %swap3A_464] {strides = array<i32>} : memref<80x128xf32, #tpu.memory_space<vmem>>, vector<16xf32>,
          tpu.vector_store %arg27[%swap3A_463, %swap3A_464], %mul3A_462 {strides = array<i32>} : memref<80x128xf32, #tpu.memory_space<vmem>>, vector<16xf32>,
          %get3A_466 = arith.index_cast %add3A_457 : i32 to index
          %get3A_467 = arith.constant 16 : index
          %get3A_468 = tpu.vector_load %arg27[%get3A_466, %get3A_467] {strides = array<i32>} : memref<80x128xf32, #tpu.memory_space<vmem>>, vector<16xf32>,
          %mul3A_469 = arith.mulf %get3A_468, %gather3A : vector<16xf32>
          %swap3A_470 = arith.index_cast %add3A_457 : i32 to index
          %swap3A_471 = arith.constant 16 : index
          %swap3A_472 = tpu.vector_load %arg27[%swap3A_470, %swap3A_471] {strides = array<i32>} : memref<80x128xf32, #tpu.memory_space<vmem>>, vector<16xf32>,
          tpu.vector_store %arg27[%swap3A_470, %swap3A_471], %mul3A_469 {strides = array<i32>} : memref<80x128xf32, #tpu.memory_space<vmem>>, vector<16xf32>,
          %get3A_473 = arith.index_cast %add3A_457 : i32 to index
          %get3A_474 = arith.constant 32 : index
          %get3A_475 = tpu.vector_load %arg27[%get3A_473, %get3A_474] {strides = array<i32>} : memref<80x128xf32, #tpu.memory_space<vmem>>, vector<16xf32>,
          %mul3A_476 = arith.mulf %get3A_475, %gather3A : vector<16xf32>
          %swap3A_477 = arith.index_cast %add3A_457 : i32 to index
          %swap3A_478 = arith.constant 32 : index
          %swap3A_479 = tpu.vector_load %arg27[%swap3A_477, %swap3A_478] {strides = array<i32>} : memref<80x128xf32, #tpu.memory_space<vmem>>, vector<16xf32>,
          tpu.vector_store %arg27[%swap3A_477, %swap3A_478], %mul3A_476 {strides = array<i32>} : memref<80x128xf32, #tpu.memory_space<vmem>>, vector<16xf32>,
          %get3A_480 = arith.index_cast %add3A_457 : i32 to index
          %get3A_481 = arith.constant 48 : index
          %get3A_482 = tpu.vector_load %arg27[%get3A_480, %get3A_481] {strides = array<i32>} : memref<80x128xf32, #tpu.memory_space<vmem>>, vector<16xf32>,
          %mul3A_483 = arith.mulf %get3A_482, %gather3A : vector<16xf32>
          %swap3A_484 = arith.index_cast %add3A_457 : i32 to index
          %swap3A_485 = arith.constant 48 : index
          %swap3A_486 = tpu.vector_load %arg27[%swap3A_484, %swap3A_485] {strides = array<i32>} : memref<80x128xf32, #tpu.memory_space<vmem>>, vector<16xf32>,
          tpu.vector_store %arg27[%swap3A_484, %swap3A_485], %mul3A_483 {strides = array<i32>} : memref<80x128xf32, #tpu.memory_space<vmem>>, vector<16xf32>,
          %get3A_487 = arith.index_cast %add3A_457 : i32 to index
          %get3A_488 = arith.constant 64 : index
          %get3A_489 = tpu.vector_load %arg27[%get3A_487, %get3A_488] {strides = array<i32>} : memref<80x128xf32, #tpu.memory_space<vmem>>, vector<16xf32>,
          %mul3A_490 = arith.mulf %get3A_489, %gather3A : vector<16xf32>
          %swap3A_491 = arith.index_cast %add3A_457 : i32 to index
          %swap3A_492 = arith.constant 64 : index
          %swap3A_493 = tpu.vector_load %arg27[%swap3A_491, %swap3A_492] {strides = array<i32>} : memref<80x128xf32, #tpu.memory_space<vmem>>, vector<16xf32>,
          tpu.vector_store %arg27[%swap3A_491, %swap3A_492], %mul3A_490 {strides = array<i32>} : memref<80x128xf32, #tpu.memory_space<vmem>>, vector<16xf32>,
          %get3A_494 = arith.index_cast %add3A_457 : i32 to index
          %get3A_495 = arith.constant 80 : index
          %get3A_496 = tpu.vector_load %arg27[%get3A_494, %get3A_495] {strides = array<i32>} : memref<80x128xf32, #tpu.memory_space<vmem>>, vector<16xf32>,
          %mul3A_497 = arith.mulf %get3A_496, %gather3A : vector<16xf32>
          %swap3A_498 = arith.index_cast %add3A_457 : i32 to index
          %swap3A_499 = arith.constant 80 : index
          %swap3A_500 = tpu.vector_load %arg27[%swap3A_498, %swap3A_499] {strides = array<i32>} : memref<80x128xf32, #tpu.memory_space<vmem>>, vector<16xf32>,
          tpu.vector_store %arg27[%swap3A_498, %swap3A_499], %mul3A_497 {strides = array<i32>} : memref<80x128xf32, #tpu.memory_space<vmem>>, vector<16xf32>,
          %get3A_501 = arith.index_cast %add3A_457 : i32 to index
          %get3A_502 = arith.constant 96 : index
          %get3A_503 = tpu.vector_load %arg27[%get3A_501, %get3A_502] {strides = array<i32>} : memref<80x128xf32, #tpu.memory_space<vmem>>, vector<16xf32>,
          %mul3A_504 = arith.mulf %get3A_503, %gather3A : vector<16xf32>
          %swap3A_505 = arith.index_cast %add3A_457 : i32 to index
          %swap3A_506 = arith.constant 96 : index
          %swap3A_507 = tpu.vector_load %arg27[%swap3A_505, %swap3A_506] {strides = array<i32>} : memref<80x128xf32, #tpu.memory_space<vmem>>, vector<16xf32>,
          tpu.vector_store %arg27[%swap3A_505, %swap3A_506], %mul3A_504 {strides = array<i32>} : memref<80x128xf32, #tpu.memory_space<vmem>>, vector<16xf32>,
          %get3A_508 = arith.index_cast %add3A_457 : i32 to index
          %get3A_509 = arith.constant 112 : index
          %get3A_510 = tpu.vector_load %arg27[%get3A_508, %get3A_509] {strides = array<i32>} : memref<80x128xf32, #tpu.memory_space<vmem>>, vector<16xf32>,
          %mul3A_511 = arith.mulf %get3A_510, %gather3A : vector<16xf32>
          %swap3A_512 = arith.index_cast %add3A_457 : i32 to index
          %swap3A_513 = arith.constant 112 : index
          %swap3A_514 = tpu.vector_load %arg27[%swap3A_512, %swap3A_513] {strides = array<i32>} : memref<80x128xf32, #tpu.memory_space<vmem>>, vector<16xf32>,
          tpu.vector_store %arg27[%swap3A_512, %swap3A_513], %mul3A_511 {strides = array<i32>} : memref<80x128xf32, #tpu.memory_space<vmem>>, vector<16xf32>,
          %mul3A_515 = arith.constant 4 : i32
          %mul3A_516 = arith.muli %scan3A_453, %mul3A_515 : i32
          %add3A_517 = arith.constant 1 : i32
          %add3A_518 = arith.addi %mul3A_516, %add3A_517 : i32
          %broadcast_in_dim3A_519 = vector.broadcast %add3A_518 : i32 to vector<16xi32>
          %gather3A_520 = tpu.vector_load_idx %arg24[%broadcast_in_dim3A_519] : memref<80xf32, #tpu.memory_space<vmem>>[vector<16xi32>], vector<16xf32>,
          %get3A_521 = arith.index_cast %add3A_518 : i32 to index
          %get3A_522 = arith.constant 0 : index
          %get3A_523 = tpu.vector_load %arg27[%get3A_521, %get3A_522] {strides = array<i32>} : memref<80x128xf32, #tpu.memory_space<vmem>>, vector<16xf32>,
          %mul3A_524 = arith.mulf %get3A_523, %gather3A_520 : vector<16xf32>
          %swap3A_525 = arith.index_cast %add3A_518 : i32 to index
          %swap3A_526 = arith.constant 0 : index
          %swap3A_527 = tpu.vector_load %arg27[%swap3A_525, %swap3A_526] {strides = array<i32>} : memref<80x128xf32, #tpu.memory_space<vmem>>, vector<16xf32>,
          tpu.vector_store %arg27[%swap3A_525, %swap3A_526], %mul3A_524 {strides = array<i32>} : memref<80x128xf32, #tpu.memory_space<vmem>>, vector<16xf32>,
          %get3A_528 = arith.index_cast %add3A_518 : i32 to index
          %get3A_529 = arith.constant 16 : index
          %get3A_530 = tpu.vector_load %arg27[%get3A_528, %get3A_529] {strides = array<i32>} : memref<80x128xf32, #tpu.memory_space<vmem>>, vector<16xf32>,
          %mul3A_531 = arith.mulf %get3A_530, %gather3A_520 : vector<16xf32>
          %swap3A_532 = arith.index_cast %add3A_518 : i32 to index
          %swap3A_533 = arith.constant 16 : index
          %swap3A_534 = tpu.vector_load %arg27[%swap3A_532, %swap3A_533] {strides = array<i32>} : memref<80x128xf32, #tpu.memory_space<vmem>>, vector<16xf32>,
          tpu.vector_store %arg27[%swap3A_532, %swap3A_533], %mul3A_531 {strides = array<i32>} : memref<80x128xf32, #tpu.memory_space<vmem>>, vector<16xf32>,
          %get3A_535 = arith.index_cast %add3A_518 : i32 to index
          %get3A_536 = arith.constant 32 : index
          %get3A_537 = tpu.vector_load %arg27[%get3A_535, %get3A_536] {strides = array<i32>} : memref<80x128xf32, #tpu.memory_space<vmem>>, vector<16xf32>,
          %mul3A_538 = arith.mulf %get3A_537, %gather3A_520 : vector<16xf32>
          %swap3A_539 = arith.index_cast %add3A_518 : i32 to index
          %swap3A_540 = arith.constant 32 : index
          %swap3A_541 = tpu.vector_load %arg27[%swap3A_539, %swap3A_540] {strides = array<i32>} : memref<80x128xf32, #tpu.memory_space<vmem>>, vector<16xf32>,
          tpu.vector_store %arg27[%swap3A_539, %swap3A_540], %mul3A_538 {strides = array<i32>} : memref<80x128xf32, #tpu.memory_space<vmem>>, vector<16xf32>,
          %get3A_542 = arith.index_cast %add3A_518 : i32 to index
          %get3A_543 = arith.constant 48 : index
          %get3A_544 = tpu.vector_load %arg27[%get3A_542, %get3A_543] {strides = array<i32>} : memref<80x128xf32, #tpu.memory_space<vmem>>, vector<16xf32>,
          %mul3A_545 = arith.mulf %get3A_544, %gather3A_520 : vector<16xf32>
          %swap3A_546 = arith.index_cast %add3A_518 : i32 to index
          %swap3A_547 = arith.constant 48 : index
          %swap3A_548 = tpu.vector_load %arg27[%swap3A_546, %swap3A_547] {strides = array<i32>} : memref<80x128xf32, #tpu.memory_space<vmem>>, vector<16xf32>,
          tpu.vector_store %arg27[%swap3A_546, %swap3A_547], %mul3A_545 {strides = array<i32>} : memref<80x128xf32, #tpu.memory_space<vmem>>, vector<16xf32>,
          %get3A_549 = arith.index_cast %add3A_518 : i32 to index
          %get3A_550 = arith.constant 64 : index
          %get3A_551 = tpu.vector_load %arg27[%get3A_549, %get3A_550] {strides = array<i32>} : memref<80x128xf32, #tpu.memory_space<vmem>>, vector<16xf32>,
          %mul3A_552 = arith.mulf %get3A_551, %gather3A_520 : vector<16xf32>
          %swap3A_553 = arith.index_cast %add3A_518 : i32 to index
          %swap3A_554 = arith.constant 64 : index
          %swap3A_555 = tpu.vector_load %arg27[%swap3A_553, %swap3A_554] {strides = array<i32>} : memref<80x128xf32, #tpu.memory_space<vmem>>, vector<16xf32>,
          tpu.vector_store %arg27[%swap3A_553, %swap3A_554], %mul3A_552 {strides = array<i32>} : memref<80x128xf32, #tpu.memory_space<vmem>>, vector<16xf32>,
          %get3A_556 = arith.index_cast %add3A_518 : i32 to index
          %get3A_557 = arith.constant 80 : index
          %get3A_558 = tpu.vector_load %arg27[%get3A_556, %get3A_557] {strides = array<i32>} : memref<80x128xf32, #tpu.memory_space<vmem>>, vector<16xf32>,
          %mul3A_559 = arith.mulf %get3A_558, %gather3A_520 : vector<16xf32>
          %swap3A_560 = arith.index_cast %add3A_518 : i32 to index
          %swap3A_561 = arith.constant 80 : index
          %swap3A_562 = tpu.vector_load %arg27[%swap3A_560, %swap3A_561] {strides = array<i32>} : memref<80x128xf32, #tpu.memory_space<vmem>>, vector<16xf32>,
          tpu.vector_store %arg27[%swap3A_560, %swap3A_561], %mul3A_559 {strides = array<i32>} : memref<80x128xf32, #tpu.memory_space<vmem>>, vector<16xf32>,
          %get3A_563 = arith.index_cast %add3A_518 : i32 to index
          %get3A_564 = arith.constant 96 : index
          %get3A_565 = tpu.vector_load %arg27[%get3A_563, %get3A_564] {strides = array<i32>} : memref<80x128xf32, #tpu.memory_space<vmem>>, vector<16xf32>,
          %mul3A_566 = arith.mulf %get3A_565, %gather3A_520 : vector<16xf32>
          %swap3A_567 = arith.index_cast %add3A_518 : i32 to index
          %swap3A_568 = arith.constant 96 : index
          %swap3A_569 = tpu.vector_load %arg27[%swap3A_567, %swap3A_568] {strides = array<i32>} : memref<80x128xf32, #tpu.memory_space<vmem>>, vector<16xf32>,
          tpu.vector_store %arg27[%swap3A_567, %swap3A_568], %mul3A_566 {strides = array<i32>} : memref<80x128xf32, #tpu.memory_space<vmem>>, vector<16xf32>,
          %get3A_570 = arith.index_cast %add3A_518 : i32 to index
          %get3A_571 = arith.constant 112 : index
          %get3A_572 = tpu.vector_load %arg27[%get3A_570, %get3A_571] {strides = array<i32>} : memref<80x128xf32, #tpu.memory_space<vmem>>, vector<16xf32>,
          %mul3A_573 = arith.mulf %get3A_572, %gather3A_520 : vector<16xf32>
          %swap3A_574 = arith.index_cast %add3A_518 : i32 to index
          %swap3A_575 = arith.constant 112 : index
          %swap3A_576 = tpu.vector_load %arg27[%swap3A_574, %swap3A_575] {strides = array<i32>} : memref<80x128xf32, #tpu.memory_space<vmem>>, vector<16xf32>,
          tpu.vector_store %arg27[%swap3A_574, %swap3A_575], %mul3A_573 {strides = array<i32>} : memref<80x128xf32, #tpu.memory_space<vmem>>, vector<16xf32>,
          %mul3A_577 = arith.constant 4 : i32
          %mul3A_578 = arith.muli %scan3A_453, %mul3A_577 : i32
          %add3A_579 = arith.constant 2 : i32
          %add3A_580 = arith.addi %mul3A_578, %add3A_579 : i32
          %broadcast_in_dim3A_581 = vector.broadcast %add3A_580 : i32 to vector<16xi32>
          %gather3A_582 = tpu.vector_load_idx %arg24[%broadcast_in_dim3A_581] : memref<80xf32, #tpu.memory_space<vmem>>[vector<16xi32>], vector<16xf32>,
          %get3A_583 = arith.index_cast %add3A_580 : i32 to index
          %get3A_584 = arith.constant 0 : index
          %get3A_585 = tpu.vector_load %arg27[%get3A_583, %get3A_584] {strides = array<i32>} : memref<80x128xf32, #tpu.memory_space<vmem>>, vector<16xf32>,
          %mul3A_586 = arith.mulf %get3A_585, %gather3A_582 : vector<16xf32>
          %swap3A_587 = arith.index_cast %add3A_580 : i32 to index
          %swap3A_588 = arith.constant 0 : index
          %swap3A_589 = tpu.vector_load %arg27[%swap3A_587, %swap3A_588] {strides = array<i32>} : memref<80x128xf32, #tpu.memory_space<vmem>>, vector<16xf32>,
          tpu.vector_store %arg27[%swap3A_587, %swap3A_588], %mul3A_586 {strides = array<i32>} : memref<80x128xf32, #tpu.memory_space<vmem>>, vector<16xf32>,
          %get3A_590 = arith.index_cast %add3A_580 : i32 to index
          %get3A_591 = arith.constant 16 : index
          %get3A_592 = tpu.vector_load %arg27[%get3A_590, %get3A_591] {strides = array<i32>} : memref<80x128xf32, #tpu.memory_space<vmem>>, vector<16xf32>,
          %mul3A_593 = arith.mulf %get3A_592, %gather3A_582 : vector<16xf32>
          %swap3A_594 = arith.index_cast %add3A_580 : i32 to index
          %swap3A_595 = arith.constant 16 : index
          %swap3A_596 = tpu.vector_load %arg27[%swap3A_594, %swap3A_595] {strides = array<i32>} : memref<80x128xf32, #tpu.memory_space<vmem>>, vector<16xf32>,
          tpu.vector_store %arg27[%swap3A_594, %swap3A_595], %mul3A_593 {strides = array<i32>} : memref<80x128xf32, #tpu.memory_space<vmem>>, vector<16xf32>,
          %get3A_597 = arith.index_cast %add3A_580 : i32 to index
          %get3A_598 = arith.constant 32 : index
          %get3A_599 = tpu.vector_load %arg27[%get3A_597, %get3A_598] {strides = array<i32>} : memref<80x128xf32, #tpu.memory_space<vmem>>, vector<16xf32>,
          %mul3A_600 = arith.mulf %get3A_599, %gather3A_582 : vector<16xf32>
          %swap3A_601 = arith.index_cast %add3A_580 : i32 to index
          %swap3A_602 = arith.constant 32 : index
          %swap3A_603 = tpu.vector_load %arg27[%swap3A_601, %swap3A_602] {strides = array<i32>} : memref<80x128xf32, #tpu.memory_space<vmem>>, vector<16xf32>,
          tpu.vector_store %arg27[%swap3A_601, %swap3A_602], %mul3A_600 {strides = array<i32>} : memref<80x128xf32, #tpu.memory_space<vmem>>, vector<16xf32>,
          %get3A_604 = arith.index_cast %add3A_580 : i32 to index
          %get3A_605 = arith.constant 48 : index
          %get3A_606 = tpu.vector_load %arg27[%get3A_604, %get3A_605] {strides = array<i32>} : memref<80x128xf32, #tpu.memory_space<vmem>>, vector<16xf32>,
          %mul3A_607 = arith.mulf %get3A_606, %gather3A_582 : vector<16xf32>
          %swap3A_608 = arith.index_cast %add3A_580 : i32 to index
          %swap3A_609 = arith.constant 48 : index
          %swap3A_610 = tpu.vector_load %arg27[%swap3A_608, %swap3A_609] {strides = array<i32>} : memref<80x128xf32, #tpu.memory_space<vmem>>, vector<16xf32>,
          tpu.vector_store %arg27[%swap3A_608, %swap3A_609], %mul3A_607 {strides = array<i32>} : memref<80x128xf32, #tpu.memory_space<vmem>>, vector<16xf32>,
          %get3A_611 = arith.index_cast %add3A_580 : i32 to index
          %get3A_612 = arith.constant 64 : index
          %get3A_613 = tpu.vector_load %arg27[%get3A_611, %get3A_612] {strides = array<i32>} : memref<80x128xf32, #tpu.memory_space<vmem>>, vector<16xf32>,
          %mul3A_614 = arith.mulf %get3A_613, %gather3A_582 : vector<16xf32>
          %swap3A_615 = arith.index_cast %add3A_580 : i32 to index
          %swap3A_616 = arith.constant 64 : index
          %swap3A_617 = tpu.vector_load %arg27[%swap3A_615, %swap3A_616] {strides = array<i32>} : memref<80x128xf32, #tpu.memory_space<vmem>>, vector<16xf32>,
          tpu.vector_store %arg27[%swap3A_615, %swap3A_616], %mul3A_614 {strides = array<i32>} : memref<80x128xf32, #tpu.memory_space<vmem>>, vector<16xf32>,
          %get3A_618 = arith.index_cast %add3A_580 : i32 to index
          %get3A_619 = arith.constant 80 : index
          %get3A_620 = tpu.vector_load %arg27[%get3A_618, %get3A_619] {strides = array<i32>} : memref<80x128xf32, #tpu.memory_space<vmem>>, vector<16xf32>,
          %mul3A_621 = arith.mulf %get3A_620, %gather3A_582 : vector<16xf32>
          %swap3A_622 = arith.index_cast %add3A_580 : i32 to index
          %swap3A_623 = arith.constant 80 : index
          %swap3A_624 = tpu.vector_load %arg27[%swap3A_622, %swap3A_623] {strides = array<i32>} : memref<80x128xf32, #tpu.memory_space<vmem>>, vector<16xf32>,
          tpu.vector_store %arg27[%swap3A_622, %swap3A_623], %mul3A_621 {strides = array<i32>} : memref<80x128xf32, #tpu.memory_space<vmem>>, vector<16xf32>,
          %get3A_625 = arith.index_cast %add3A_580 : i32 to index
          %get3A_626 = arith.constant 96 : index
          %get3A_627 = tpu.vector_load %arg27[%get3A_625, %get3A_626] {strides = array<i32>} : memref<80x128xf32, #tpu.memory_space<vmem>>, vector<16xf32>,
          %mul3A_628 = arith.mulf %get3A_627, %gather3A_582 : vector<16xf32>
          %swap3A_629 = arith.index_cast %add3A_580 : i32 to index
          %swap3A_630 = arith.constant 96 : index
          %swap3A_631 = tpu.vector_load %arg27[%swap3A_629, %swap3A_630] {strides = array<i32>} : memref<80x128xf32, #tpu.memory_space<vmem>>, vector<16xf32>,
          tpu.vector_store %arg27[%swap3A_629, %swap3A_630], %mul3A_628 {strides = array<i32>} : memref<80x128xf32, #tpu.memory_space<vmem>>, vector<16xf32>,
          %get3A_632 = arith.index_cast %add3A_580 : i32 to index
          %get3A_633 = arith.constant 112 : index
          %get3A_634 = tpu.vector_load %arg27[%get3A_632, %get3A_633] {strides = array<i32>} : memref<80x128xf32, #tpu.memory_space<vmem>>, vector<16xf32>,
          %mul3A_635 = arith.mulf %get3A_634, %gather3A_582 : vector<16xf32>
          %swap3A_636 = arith.index_cast %add3A_580 : i32 to index
          %swap3A_637 = arith.constant 112 : index
          %swap3A_638 = tpu.vector_load %arg27[%swap3A_636, %swap3A_637] {strides = array<i32>} : memref<80x128xf32, #tpu.memory_space<vmem>>, vector<16xf32>,
          tpu.vector_store %arg27[%swap3A_636, %swap3A_637], %mul3A_635 {strides = array<i32>} : memref<80x128xf32, #tpu.memory_space<vmem>>, vector<16xf32>,
          %mul3A_639 = arith.constant 4 : i32
          %mul3A_640 = arith.muli %scan3A_453, %mul3A_639 : i32
          %add3A_641 = arith.constant 3 : i32
          %add3A_642 = arith.addi %mul3A_640, %add3A_641 : i32
          %broadcast_in_dim3A_643 = vector.broadcast %add3A_642 : i32 to vector<16xi32>
          %gather3A_644 = tpu.vector_load_idx %arg24[%broadcast_in_dim3A_643] : memref<80xf32, #tpu.memory_space<vmem>>[vector<16xi32>], vector<16xf32>,
          %get3A_645 = arith.index_cast %add3A_642 : i32 to index
          %get3A_646 = arith.constant 0 : index
          %get3A_647 = tpu.vector_load %arg27[%get3A_645, %get3A_646] {strides = array<i32>} : memref<80x128xf32, #tpu.memory_space<vmem>>, vector<16xf32>,
          %mul3A_648 = arith.mulf %get3A_647, %gather3A_644 : vector<16xf32>
          %swap3A_649 = arith.index_cast %add3A_642 : i32 to index
          %swap3A_650 = arith.constant 0 : index
          %swap3A_651 = tpu.vector_load %arg27[%swap3A_649, %swap3A_650] {strides = array<i32>} : memref<80x128xf32, #tpu.memory_space<vmem>>, vector<16xf32>,
          tpu.vector_store %arg27[%swap3A_649, %swap3A_650], %mul3A_648 {strides = array<i32>} : memref<80x128xf32, #tpu.memory_space<vmem>>, vector<16xf32>,
          %get3A_652 = arith.index_cast %add3A_642 : i32 to index
          %get3A_653 = arith.constant 16 : index
          %get3A_654 = tpu.vector_load %arg27[%get3A_652, %get3A_653] {strides = array<i32>} : memref<80x128xf32, #tpu.memory_space<vmem>>, vector<16xf32>,
          %mul3A_655 = arith.mulf %get3A_654, %gather3A_644 : vector<16xf32>
          %swap3A_656 = arith.index_cast %add3A_642 : i32 to index
          %swap3A_657 = arith.constant 16 : index
          %swap3A_658 = tpu.vector_load %arg27[%swap3A_656, %swap3A_657] {strides = array<i32>} : memref<80x128xf32, #tpu.memory_space<vmem>>, vector<16xf32>,
          tpu.vector_store %arg27[%swap3A_656, %swap3A_657], %mul3A_655 {strides = array<i32>} : memref<80x128xf32, #tpu.memory_space<vmem>>, vector<16xf32>,
          %get3A_659 = arith.index_cast %add3A_642 : i32 to index
          %get3A_660 = arith.constant 32 : index
          %get3A_661 = tpu.vector_load %arg27[%get3A_659, %get3A_660] {strides = array<i32>} : memref<80x128xf32, #tpu.memory_space<vmem>>, vector<16xf32>,
          %mul3A_662 = arith.mulf %get3A_661, %gather3A_644 : vector<16xf32>
          %swap3A_663 = arith.index_cast %add3A_642 : i32 to index
          %swap3A_664 = arith.constant 32 : index
          %swap3A_665 = tpu.vector_load %arg27[%swap3A_663, %swap3A_664] {strides = array<i32>} : memref<80x128xf32, #tpu.memory_space<vmem>>, vector<16xf32>,
          tpu.vector_store %arg27[%swap3A_663, %swap3A_664], %mul3A_662 {strides = array<i32>} : memref<80x128xf32, #tpu.memory_space<vmem>>, vector<16xf32>,
          %get3A_666 = arith.index_cast %add3A_642 : i32 to index
          %get3A_667 = arith.constant 48 : index
          %get3A_668 = tpu.vector_load %arg27[%get3A_666, %get3A_667] {strides = array<i32>} : memref<80x128xf32, #tpu.memory_space<vmem>>, vector<16xf32>,
          %mul3A_669 = arith.mulf %get3A_668, %gather3A_644 : vector<16xf32>
          %swap3A_670 = arith.index_cast %add3A_642 : i32 to index
          %swap3A_671 = arith.constant 48 : index
          %swap3A_672 = tpu.vector_load %arg27[%swap3A_670, %swap3A_671] {strides = array<i32>} : memref<80x128xf32, #tpu.memory_space<vmem>>, vector<16xf32>,
          tpu.vector_store %arg27[%swap3A_670, %swap3A_671], %mul3A_669 {strides = array<i32>} : memref<80x128xf32, #tpu.memory_space<vmem>>, vector<16xf32>,
          %get3A_673 = arith.index_cast %add3A_642 : i32 to index
          %get3A_674 = arith.constant 64 : index
          %get3A_675 = tpu.vector_load %arg27[%get3A_673, %get3A_674] {strides = array<i32>} : memref<80x128xf32, #tpu.memory_space<vmem>>, vector<16xf32>,
          %mul3A_676 = arith.mulf %get3A_675, %gather3A_644 : vector<16xf32>
          %swap3A_677 = arith.index_cast %add3A_642 : i32 to index
          %swap3A_678 = arith.constant 64 : index
          %swap3A_679 = tpu.vector_load %arg27[%swap3A_677, %swap3A_678] {strides = array<i32>} : memref<80x128xf32, #tpu.memory_space<vmem>>, vector<16xf32>,
          tpu.vector_store %arg27[%swap3A_677, %swap3A_678], %mul3A_676 {strides = array<i32>} : memref<80x128xf32, #tpu.memory_space<vmem>>, vector<16xf32>,
          %get3A_680 = arith.index_cast %add3A_642 : i32 to index
          %get3A_681 = arith.constant 80 : index
          %get3A_682 = tpu.vector_load %arg27[%get3A_680, %get3A_681] {strides = array<i32>} : memref<80x128xf32, #tpu.memory_space<vmem>>, vector<16xf32>,
          %mul3A_683 = arith.mulf %get3A_682, %gather3A_644 : vector<16xf32>
          %swap3A_684 = arith.index_cast %add3A_642 : i32 to index
          %swap3A_685 = arith.constant 80 : index
          %swap3A_686 = tpu.vector_load %arg27[%swap3A_684, %swap3A_685] {strides = array<i32>} : memref<80x128xf32, #tpu.memory_space<vmem>>, vector<16xf32>,
          tpu.vector_store %arg27[%swap3A_684, %swap3A_685], %mul3A_683 {strides = array<i32>} : memref<80x128xf32, #tpu.memory_space<vmem>>, vector<16xf32>,
          %get3A_687 = arith.index_cast %add3A_642 : i32 to index
          %get3A_688 = arith.constant 96 : index
          %get3A_689 = tpu.vector_load %arg27[%get3A_687, %get3A_688] {strides = array<i32>} : memref<80x128xf32, #tpu.memory_space<vmem>>, vector<16xf32>,
          %mul3A_690 = arith.mulf %get3A_689, %gather3A_644 : vector<16xf32>
          %swap3A_691 = arith.index_cast %add3A_642 : i32 to index
          %swap3A_692 = arith.constant 96 : index
          %swap3A_693 = tpu.vector_load %arg27[%swap3A_691, %swap3A_692] {strides = array<i32>} : memref<80x128xf32, #tpu.memory_space<vmem>>, vector<16xf32>,
          tpu.vector_store %arg27[%swap3A_691, %swap3A_692], %mul3A_690 {strides = array<i32>} : memref<80x128xf32, #tpu.memory_space<vmem>>, vector<16xf32>,
          %get3A_694 = arith.index_cast %add3A_642 : i32 to index
          %get3A_695 = arith.constant 112 : index
          %get3A_696 = tpu.vector_load %arg27[%get3A_694, %get3A_695] {strides = array<i32>} : memref<80x128xf32, #tpu.memory_space<vmem>>, vector<16xf32>,
          %mul3A_697 = arith.mulf %get3A_696, %gather3A_644 : vector<16xf32>
          %swap3A_698 = arith.index_cast %add3A_642 : i32 to index
          %swap3A_699 = arith.constant 112 : index
          %swap3A_700 = tpu.vector_load %arg27[%swap3A_698, %swap3A_699] {strides = array<i32>} : memref<80x128xf32, #tpu.memory_space<vmem>>, vector<16xf32>,
          tpu.vector_store %arg27[%swap3A_698, %swap3A_699], %mul3A_697 {strides = array<i32>} : memref<80x128xf32, #tpu.memory_space<vmem>>, vector<16xf32>,
        }
        %scan3A_440 = arith.constant 20 : i32
        %dma_start3A_441 = arith.constant 0 : i32
        %dma_start3A_442 = arith.constant 0 : i32
        %dma_start3A_443 = tpu.memref_slice %arg31[%dma_start3A_441, %dma_start3A_442] : memref<10112x128xf32, #tpu.memory_space<vmem_shared>> -> memref<10112x128xf32, #tpu.memory_space<vmem_shared>>
        tpu.enqueue_indirect_dma source(%arg27 : memref<80x128xf32, #tpu.memory_space<vmem>>) target(%dma_start3A_443 : memref<10112x128xf32, #tpu.memory_space<vmem_shared>>) offsets(%arg14 : memref<80xi32, #tpu.memory_space<vmem>>) semaphore(%arg40 : memref<!tpu.dma_semaphore, #tpu.memory_space<semaphore_mem>>) {add = true}
        %dma_wait3A_444 = arith.constant 0 : i32
        %dma_wait3A_445 = arith.constant 0 : i32
        %dma_wait3A_446 = tpu.memref_slice %arg31[%dma_wait3A_444, %dma_wait3A_445] : memref<10112x128xf32, #tpu.memory_space<vmem_shared>> -> memref<10112x128xf32, #tpu.memory_space<vmem_shared>>
        tpu.wait_indirect_dma semaphore(%arg38 : memref<!tpu.dma_semaphore, #tpu.memory_space<semaphore_mem>>) src(%arg25 : memref<80x128xf32, #tpu.memory_space<vmem>>) dst(%dma_wait3A_446 : memref<10112x128xf32, #tpu.memory_space<vmem_shared>>)
        %dma_wait3A_447 = arith.constant 0 : i32
        %dma_wait3A_448 = arith.constant 0 : i32
        %dma_wait3A_449 = tpu.memref_slice %arg31[%dma_wait3A_447, %dma_wait3A_448] : memref<10112x128xf32, #tpu.memory_space<vmem_shared>> -> memref<10112x128xf32, #tpu.memory_space<vmem_shared>>
        tpu.wait_indirect_dma semaphore(%arg39 : memref<!tpu.dma_semaphore, #tpu.memory_space<semaphore_mem>>) src(%arg26 : memref<80x128xf32, #tpu.memory_space<vmem>>) dst(%dma_wait3A_449 : memref<10112x128xf32, #tpu.memory_space<vmem_shared>>)
        %dma_wait3A_450 = arith.constant 0 : i32
        %dma_wait3A_451 = arith.constant 0 : i32
        %dma_wait3A_452 = tpu.memref_slice %arg31[%dma_wait3A_450, %dma_wait3A_451] : memref<10112x128xf32, #tpu.memory_space<vmem_shared>> -> memref<10112x128xf32, #tpu.memory_space<vmem_shared>>
        tpu.wait_indirect_dma semaphore(%arg40 : memref<!tpu.dma_semaphore, #tpu.memory_space<semaphore_mem>>) src(%arg27 : memref<80x128xf32, #tpu.memory_space<vmem>>) dst(%dma_wait3A_452 : memref<10112x128xf32, #tpu.memory_space<vmem_shared>>)
      }
      %scan3A_78 = arith.constant 8 : i32
      %get3A = arith.constant 1920 : index
      %get3A_79 = tpu.vector_load %arg10[%get3A] {strides = array<i32>} : memref<2000xi32, #tpu.memory_space<vmem>>, vector<16xi32>,
      %swap3A_80 = arith.constant 0 : index
      %swap3A_81 = tpu.vector_load %arg12[%swap3A_80] {strides = array<i32>} : memref<80xi32, #tpu.memory_space<vmem>>, vector<16xi32>,
      tpu.vector_store %arg12[%swap3A_80], %get3A_79 {strides = array<i32>} : memref<80xi32, #tpu.memory_space<vmem>>, vector<16xi32>,
      %get3A_82 = arith.constant 1920 : index
      %get3A_83 = tpu.vector_load %arg9[%get3A_82] {strides = array<i32>} : memref<2000xi32, #tpu.memory_space<vmem>>, vector<16xi32>,
      %swap3A_84 = arith.constant 0 : index
      %swap3A_85 = tpu.vector_load %arg16[%swap3A_84] {strides = array<i32>} : memref<80xi32, #tpu.memory_space<vmem>>, vector<16xi32>,
      tpu.vector_store %arg16[%swap3A_84], %get3A_83 {strides = array<i32>} : memref<80xi32, #tpu.memory_space<vmem>>, vector<16xi32>,
      %get3A_86 = arith.constant 1920 : index
      %get3A_87 = tpu.vector_load %arg11[%get3A_86] {strides = array<i32>} : memref<2000xi32, #tpu.memory_space<vmem>>, vector<16xi32>,
      %swap3A_88 = arith.constant 0 : index
      %swap3A_89 = tpu.vector_load %arg19[%swap3A_88] {strides = array<i32>} : memref<80xi32, #tpu.memory_space<vmem>>, vector<16xi32>,
      tpu.vector_store %arg19[%swap3A_88], %get3A_87 {strides = array<i32>} : memref<80xi32, #tpu.memory_space<vmem>>, vector<16xi32>,
      %get3A_90 = arith.constant 1936 : index
      %get3A_91 = tpu.vector_load %arg10[%get3A_90] {strides = array<i32>} : memref<2000xi32, #tpu.memory_space<vmem>>, vector<16xi32>,
      %swap3A_92 = arith.constant 16 : index
      %swap3A_93 = tpu.vector_load %arg12[%swap3A_92] {strides = array<i32>} : memref<80xi32, #tpu.memory_space<vmem>>, vector<16xi32>,
      tpu.vector_store %arg12[%swap3A_92], %get3A_91 {strides = array<i32>} : memref<80xi32, #tpu.memory_space<vmem>>, vector<16xi32>,
      %get3A_94 = arith.constant 1936 : index
      %get3A_95 = tpu.vector_load %arg9[%get3A_94] {strides = array<i32>} : memref<2000xi32, #tpu.memory_space<vmem>>, vector<16xi32>,
      %swap3A_96 = arith.constant 16 : index
      %swap3A_97 = tpu.vector_load %arg16[%swap3A_96] {strides = array<i32>} : memref<80xi32, #tpu.memory_space<vmem>>, vector<16xi32>,
      tpu.vector_store %arg16[%swap3A_96], %get3A_95 {strides = array<i32>} : memref<80xi32, #tpu.memory_space<vmem>>, vector<16xi32>,
      %get3A_98 = arith.constant 1936 : index
      %get3A_99 = tpu.vector_load %arg11[%get3A_98] {strides = array<i32>} : memref<2000xi32, #tpu.memory_space<vmem>>, vector<16xi32>,
      %swap3A_100 = arith.constant 16 : index
      %swap3A_101 = tpu.vector_load %arg19[%swap3A_100] {strides = array<i32>} : memref<80xi32, #tpu.memory_space<vmem>>, vector<16xi32>,
      tpu.vector_store %arg19[%swap3A_100], %get3A_99 {strides = array<i32>} : memref<80xi32, #tpu.memory_space<vmem>>, vector<16xi32>,
      %get3A_102 = arith.constant 1952 : index
      %get3A_103 = tpu.vector_load %arg10[%get3A_102] {strides = array<i32>} : memref<2000xi32, #tpu.memory_space<vmem>>, vector<16xi32>,
      %swap3A_104 = arith.constant 32 : index
      %swap3A_105 = tpu.vector_load %arg12[%swap3A_104] {strides = array<i32>} : memref<80xi32, #tpu.memory_space<vmem>>, vector<16xi32>,
      tpu.vector_store %arg12[%swap3A_104], %get3A_103 {strides = array<i32>} : memref<80xi32, #tpu.memory_space<vmem>>, vector<16xi32>,
      %get3A_106 = arith.constant 1952 : index
      %get3A_107 = tpu.vector_load %arg9[%get3A_106] {strides = array<i32>} : memref<2000xi32, #tpu.memory_space<vmem>>, vector<16xi32>,
      %swap3A_108 = arith.constant 32 : index
      %swap3A_109 = tpu.vector_load %arg16[%swap3A_108] {strides = array<i32>} : memref<80xi32, #tpu.memory_space<vmem>>, vector<16xi32>,
      tpu.vector_store %arg16[%swap3A_108], %get3A_107 {strides = array<i32>} : memref<80xi32, #tpu.memory_space<vmem>>, vector<16xi32>,
      %get3A_110 = arith.constant 1952 : index
      %get3A_111 = tpu.vector_load %arg11[%get3A_110] {strides = array<i32>} : memref<2000xi32, #tpu.memory_space<vmem>>, vector<16xi32>,
      %swap3A_112 = arith.constant 32 : index
      %swap3A_113 = tpu.vector_load %arg19[%swap3A_112] {strides = array<i32>} : memref<80xi32, #tpu.memory_space<vmem>>, vector<16xi32>,
      tpu.vector_store %arg19[%swap3A_112], %get3A_111 {strides = array<i32>} : memref<80xi32, #tpu.memory_space<vmem>>, vector<16xi32>,
      %get3A_114 = arith.constant 1968 : index
      %get3A_115 = tpu.vector_load %arg10[%get3A_114] {strides = array<i32>} : memref<2000xi32, #tpu.memory_space<vmem>>, vector<16xi32>,
      %swap3A_116 = arith.constant 48 : index
      %swap3A_117 = tpu.vector_load %arg12[%swap3A_116] {strides = array<i32>} : memref<80xi32, #tpu.memory_space<vmem>>, vector<16xi32>,
      tpu.vector_store %arg12[%swap3A_116], %get3A_115 {strides = array<i32>} : memref<80xi32, #tpu.memory_space<vmem>>, vector<16xi32>,
      %get3A_118 = arith.constant 1968 : index
      %get3A_119 = tpu.vector_load %arg9[%get3A_118] {strides = array<i32>} : memref<2000xi32, #tpu.memory_space<vmem>>, vector<16xi32>,
      %swap3A_120 = arith.constant 48 : index
      %swap3A_121 = tpu.vector_load %arg16[%swap3A_120] {strides = array<i32>} : memref<80xi32, #tpu.memory_space<vmem>>, vector<16xi32>,
      tpu.vector_store %arg16[%swap3A_120], %get3A_119 {strides = array<i32>} : memref<80xi32, #tpu.memory_space<vmem>>, vector<16xi32>,
      %get3A_122 = arith.constant 1968 : index
      %get3A_123 = tpu.vector_load %arg11[%get3A_122] {strides = array<i32>} : memref<2000xi32, #tpu.memory_space<vmem>>, vector<16xi32>,
      %swap3A_124 = arith.constant 48 : index
      %swap3A_125 = tpu.vector_load %arg19[%swap3A_124] {strides = array<i32>} : memref<80xi32, #tpu.memory_space<vmem>>, vector<16xi32>,
      tpu.vector_store %arg19[%swap3A_124], %get3A_123 {strides = array<i32>} : memref<80xi32, #tpu.memory_space<vmem>>, vector<16xi32>,
      %get3A_126 = arith.constant 1984 : index
      %get3A_127 = tpu.vector_load %arg10[%get3A_126] {strides = array<i32>} : memref<2000xi32, #tpu.memory_space<vmem>>, vector<16xi32>,
      %swap3A_128 = arith.constant 64 : index
      %swap3A_129 = tpu.vector_load %arg12[%swap3A_128] {strides = array<i32>} : memref<80xi32, #tpu.memory_space<vmem>>, vector<16xi32>,
      tpu.vector_store %arg12[%swap3A_128], %get3A_127 {strides = array<i32>} : memref<80xi32, #tpu.memory_space<vmem>>, vector<16xi32>,
      %get3A_130 = arith.constant 1984 : index
      %get3A_131 = tpu.vector_load %arg9[%get3A_130] {strides = array<i32>} : memref<2000xi32, #tpu.memory_space<vmem>>, vector<16xi32>,
      %swap3A_132 = arith.constant 64 : index
      %swap3A_133 = tpu.vector_load %arg16[%swap3A_132] {strides = array<i32>} : memref<80xi32, #tpu.memory_space<vmem>>, vector<16xi32>,
      tpu.vector_store %arg16[%swap3A_132], %get3A_131 {strides = array<i32>} : memref<80xi32, #tpu.memory_space<vmem>>, vector<16xi32>,
      %get3A_134 = arith.constant 1984 : index
      %get3A_135 = tpu.vector_load %arg11[%get3A_134] {strides = array<i32>} : memref<2000xi32, #tpu.memory_space<vmem>>, vector<16xi32>,
      %swap3A_136 = arith.constant 64 : index
      %swap3A_137 = tpu.vector_load %arg19[%swap3A_136] {strides = array<i32>} : memref<80xi32, #tpu.memory_space<vmem>>, vector<16xi32>,
      tpu.vector_store %arg19[%swap3A_136], %get3A_135 {strides = array<i32>} : memref<80xi32, #tpu.memory_space<vmem>>, vector<16xi32>,
      %dma_start3A = arith.constant 0 : i32
      %dma_start3A_138 = tpu.memref_slice %arg30[%dma_start3A] : memref<90112xf32, #tpu.memory_space<vmem_shared>> -> memref<90112xf32, #tpu.memory_space<vmem_shared>>
      tpu.enqueue_indirect_dma source(%dma_start3A_138 : memref<90112xf32, #tpu.memory_space<vmem_shared>>) target(%arg22 : memref<80xf32, #tpu.memory_space<vmem>>) offsets(%arg19 : memref<80xi32, #tpu.memory_space<vmem>>) semaphore(%arg35 : memref<!tpu.dma_semaphore, #tpu.memory_space<semaphore_mem>>)
      %dma_start3A_139 = arith.constant 0 : i32
      %dma_start3A_140 = arith.constant 0 : i32
      %dma_start3A_141 = tpu.memref_slice %arg2[%dma_start3A_139, %dma_start3A_140] : memref<100000x128xf32, #tpu.memory_space<hbm>> -> memref<100000x128xf32, #tpu.memory_space<hbm>>
      tpu.enqueue_indirect_dma source(%dma_start3A_141 : memref<100000x128xf32, #tpu.memory_space<hbm>>) target(%arg25 : memref<80x128xf32, #tpu.memory_space<vmem>>) offsets(%arg16 : memref<80xi32, #tpu.memory_space<vmem>>) semaphore(%arg32 : memref<!tpu.dma_semaphore, #tpu.memory_space<semaphore_mem>>)
      %dma_wait3A = arith.constant 0 : i32
      %dma_wait3A_142 = tpu.memref_slice %arg30[%dma_wait3A] : memref<90112xf32, #tpu.memory_space<vmem_shared>> -> memref<90112xf32, #tpu.memory_space<vmem_shared>>
      tpu.wait_indirect_dma semaphore(%arg35 : memref<!tpu.dma_semaphore, #tpu.memory_space<semaphore_mem>>) src(%dma_wait3A_142 : memref<90112xf32, #tpu.memory_space<vmem_shared>>) dst(%arg22 : memref<80xf32, #tpu.memory_space<vmem>>)
      %dma_wait3A_143 = arith.constant 0 : i32
      %dma_wait3A_144 = arith.constant 0 : i32
      %dma_wait3A_145 = tpu.memref_slice %arg2[%dma_wait3A_143, %dma_wait3A_144] : memref<100000x128xf32, #tpu.memory_space<hbm>> -> memref<100000x128xf32, #tpu.memory_space<hbm>>
      tpu.wait_indirect_dma semaphore(%arg32 : memref<!tpu.dma_semaphore, #tpu.memory_space<semaphore_mem>>) src(%dma_wait3A_145 : memref<100000x128xf32, #tpu.memory_space<hbm>>) dst(%arg25 : memref<80x128xf32, #tpu.memory_space<vmem>>)
      %scan3A_146 = arith.constant 0 : i32
      %scan3A_147 = arith.constant 0 : i32
      %scan3A_148 = arith.constant 20 : i32
      %scan3A_149 = arith.addi %scan3A_147, %scan3A_148 : i32
      %scan3A_150 = arith.constant 1 : i32
      scf.for %scan3A_158 = %scan3A_147 to %scan3A_149 step %scan3A_150  : i32 {
        %mul3A_159 = arith.constant 4 : i32
        %mul3A_160 = arith.muli %scan3A_158, %mul3A_159 : i32
        %add3A_161 = arith.constant 0 : i32
        %add3A_162 = arith.addi %mul3A_160, %add3A_161 : i32
        %broadcast_in_dim3A_163 = vector.broadcast %add3A_162 : i32 to vector<16xi32>
        %gather3A = tpu.vector_load_idx %arg22[%broadcast_in_dim3A_163] : memref<80xf32, #tpu.memory_space<vmem>>[vector<16xi32>], vector<16xf32>,
        %get3A_164 = arith.index_cast %add3A_162 : i32 to index
        %get3A_165 = arith.constant 0 : index
        %get3A_166 = tpu.vector_load %arg25[%get3A_164, %get3A_165] {strides = array<i32>} : memref<80x128xf32, #tpu.memory_space<vmem>>, vector<16xf32>,
        %mul3A_167 = arith.mulf %get3A_166, %gather3A : vector<16xf32>
        %swap3A_168 = arith.index_cast %add3A_162 : i32 to index
        %swap3A_169 = arith.constant 0 : index
        %swap3A_170 = tpu.vector_load %arg25[%swap3A_168, %swap3A_169] {strides = array<i32>} : memref<80x128xf32, #tpu.memory_space<vmem>>, vector<16xf32>,
        tpu.vector_store %arg25[%swap3A_168, %swap3A_169], %mul3A_167 {strides = array<i32>} : memref<80x128xf32, #tpu.memory_space<vmem>>, vector<16xf32>,
        %get3A_171 = arith.index_cast %add3A_162 : i32 to index
        %get3A_172 = arith.constant 16 : index
        %get3A_173 = tpu.vector_load %arg25[%get3A_171, %get3A_172] {strides = array<i32>} : memref<80x128xf32, #tpu.memory_space<vmem>>, vector<16xf32>,
        %mul3A_174 = arith.mulf %get3A_173, %gather3A : vector<16xf32>
        %swap3A_175 = arith.index_cast %add3A_162 : i32 to index
        %swap3A_176 = arith.constant 16 : index
        %swap3A_177 = tpu.vector_load %arg25[%swap3A_175, %swap3A_176] {strides = array<i32>} : memref<80x128xf32, #tpu.memory_space<vmem>>, vector<16xf32>,
        tpu.vector_store %arg25[%swap3A_175, %swap3A_176], %mul3A_174 {strides = array<i32>} : memref<80x128xf32, #tpu.memory_space<vmem>>, vector<16xf32>,
        %get3A_178 = arith.index_cast %add3A_162 : i32 to index
        %get3A_179 = arith.constant 32 : index
        %get3A_180 = tpu.vector_load %arg25[%get3A_178, %get3A_179] {strides = array<i32>} : memref<80x128xf32, #tpu.memory_space<vmem>>, vector<16xf32>,
        %mul3A_181 = arith.mulf %get3A_180, %gather3A : vector<16xf32>
        %swap3A_182 = arith.index_cast %add3A_162 : i32 to index
        %swap3A_183 = arith.constant 32 : index
        %swap3A_184 = tpu.vector_load %arg25[%swap3A_182, %swap3A_183] {strides = array<i32>} : memref<80x128xf32, #tpu.memory_space<vmem>>, vector<16xf32>,
        tpu.vector_store %arg25[%swap3A_182, %swap3A_183], %mul3A_181 {strides = array<i32>} : memref<80x128xf32, #tpu.memory_space<vmem>>, vector<16xf32>,
        %get3A_185 = arith.index_cast %add3A_162 : i32 to index
        %get3A_186 = arith.constant 48 : index
        %get3A_187 = tpu.vector_load %arg25[%get3A_185, %get3A_186] {strides = array<i32>} : memref<80x128xf32, #tpu.memory_space<vmem>>, vector<16xf32>,
        %mul3A_188 = arith.mulf %get3A_187, %gather3A : vector<16xf32>
        %swap3A_189 = arith.index_cast %add3A_162 : i32 to index
        %swap3A_190 = arith.constant 48 : index
        %swap3A_191 = tpu.vector_load %arg25[%swap3A_189, %swap3A_190] {strides = array<i32>} : memref<80x128xf32, #tpu.memory_space<vmem>>, vector<16xf32>,
        tpu.vector_store %arg25[%swap3A_189, %swap3A_190], %mul3A_188 {strides = array<i32>} : memref<80x128xf32, #tpu.memory_space<vmem>>, vector<16xf32>,
        %get3A_192 = arith.index_cast %add3A_162 : i32 to index
        %get3A_193 = arith.constant 64 : index
        %get3A_194 = tpu.vector_load %arg25[%get3A_192, %get3A_193] {strides = array<i32>} : memref<80x128xf32, #tpu.memory_space<vmem>>, vector<16xf32>,
        %mul3A_195 = arith.mulf %get3A_194, %gather3A : vector<16xf32>
        %swap3A_196 = arith.index_cast %add3A_162 : i32 to index
        %swap3A_197 = arith.constant 64 : index
        %swap3A_198 = tpu.vector_load %arg25[%swap3A_196, %swap3A_197] {strides = array<i32>} : memref<80x128xf32, #tpu.memory_space<vmem>>, vector<16xf32>,
        tpu.vector_store %arg25[%swap3A_196, %swap3A_197], %mul3A_195 {strides = array<i32>} : memref<80x128xf32, #tpu.memory_space<vmem>>, vector<16xf32>,
        %get3A_199 = arith.index_cast %add3A_162 : i32 to index
        %get3A_200 = arith.constant 80 : index
        %get3A_201 = tpu.vector_load %arg25[%get3A_199, %get3A_200] {strides = array<i32>} : memref<80x128xf32, #tpu.memory_space<vmem>>, vector<16xf32>,
        %mul3A_202 = arith.mulf %get3A_201, %gather3A : vector<16xf32>
        %swap3A_203 = arith.index_cast %add3A_162 : i32 to index
        %swap3A_204 = arith.constant 80 : index
        %swap3A_205 = tpu.vector_load %arg25[%swap3A_203, %swap3A_204] {strides = array<i32>} : memref<80x128xf32, #tpu.memory_space<vmem>>, vector<16xf32>,
        tpu.vector_store %arg25[%swap3A_203, %swap3A_204], %mul3A_202 {strides = array<i32>} : memref<80x128xf32, #tpu.memory_space<vmem>>, vector<16xf32>,
        %get3A_206 = arith.index_cast %add3A_162 : i32 to index
        %get3A_207 = arith.constant 96 : index
        %get3A_208 = tpu.vector_load %arg25[%get3A_206, %get3A_207] {strides = array<i32>} : memref<80x128xf32, #tpu.memory_space<vmem>>, vector<16xf32>,
        %mul3A_209 = arith.mulf %get3A_208, %gather3A : vector<16xf32>
        %swap3A_210 = arith.index_cast %add3A_162 : i32 to index
        %swap3A_211 = arith.constant 96 : index
        %swap3A_212 = tpu.vector_load %arg25[%swap3A_210, %swap3A_211] {strides = array<i32>} : memref<80x128xf32, #tpu.memory_space<vmem>>, vector<16xf32>,
        tpu.vector_store %arg25[%swap3A_210, %swap3A_211], %mul3A_209 {strides = array<i32>} : memref<80x128xf32, #tpu.memory_space<vmem>>, vector<16xf32>,
        %get3A_213 = arith.index_cast %add3A_162 : i32 to index
        %get3A_214 = arith.constant 112 : index
        %get3A_215 = tpu.vector_load %arg25[%get3A_213, %get3A_214] {strides = array<i32>} : memref<80x128xf32, #tpu.memory_space<vmem>>, vector<16xf32>,
        %mul3A_216 = arith.mulf %get3A_215, %gather3A : vector<16xf32>
        %swap3A_217 = arith.index_cast %add3A_162 : i32 to index
        %swap3A_218 = arith.constant 112 : index
        %swap3A_219 = tpu.vector_load %arg25[%swap3A_217, %swap3A_218] {strides = array<i32>} : memref<80x128xf32, #tpu.memory_space<vmem>>, vector<16xf32>,
        tpu.vector_store %arg25[%swap3A_217, %swap3A_218], %mul3A_216 {strides = array<i32>} : memref<80x128xf32, #tpu.memory_space<vmem>>, vector<16xf32>,
        %mul3A_220 = arith.constant 4 : i32
        %mul3A_221 = arith.muli %scan3A_158, %mul3A_220 : i32
        %add3A_222 = arith.constant 1 : i32
        %add3A_223 = arith.addi %mul3A_221, %add3A_222 : i32
        %broadcast_in_dim3A_224 = vector.broadcast %add3A_223 : i32 to vector<16xi32>
        %gather3A_225 = tpu.vector_load_idx %arg22[%broadcast_in_dim3A_224] : memref<80xf32, #tpu.memory_space<vmem>>[vector<16xi32>], vector<16xf32>,
        %get3A_226 = arith.index_cast %add3A_223 : i32 to index
        %get3A_227 = arith.constant 0 : index
        %get3A_228 = tpu.vector_load %arg25[%get3A_226, %get3A_227] {strides = array<i32>} : memref<80x128xf32, #tpu.memory_space<vmem>>, vector<16xf32>,
        %mul3A_229 = arith.mulf %get3A_228, %gather3A_225 : vector<16xf32>
        %swap3A_230 = arith.index_cast %add3A_223 : i32 to index
        %swap3A_231 = arith.constant 0 : index
        %swap3A_232 = tpu.vector_load %arg25[%swap3A_230, %swap3A_231] {strides = array<i32>} : memref<80x128xf32, #tpu.memory_space<vmem>>, vector<16xf32>,
        tpu.vector_store %arg25[%swap3A_230, %swap3A_231], %mul3A_229 {strides = array<i32>} : memref<80x128xf32, #tpu.memory_space<vmem>>, vector<16xf32>,
        %get3A_233 = arith.index_cast %add3A_223 : i32 to index
        %get3A_234 = arith.constant 16 : index
        %get3A_235 = tpu.vector_load %arg25[%get3A_233, %get3A_234] {strides = array<i32>} : memref<80x128xf32, #tpu.memory_space<vmem>>, vector<16xf32>,
        %mul3A_236 = arith.mulf %get3A_235, %gather3A_225 : vector<16xf32>
        %swap3A_237 = arith.index_cast %add3A_223 : i32 to index
        %swap3A_238 = arith.constant 16 : index
        %swap3A_239 = tpu.vector_load %arg25[%swap3A_237, %swap3A_238] {strides = array<i32>} : memref<80x128xf32, #tpu.memory_space<vmem>>, vector<16xf32>,
        tpu.vector_store %arg25[%swap3A_237, %swap3A_238], %mul3A_236 {strides = array<i32>} : memref<80x128xf32, #tpu.memory_space<vmem>>, vector<16xf32>,
        %get3A_240 = arith.index_cast %add3A_223 : i32 to index
        %get3A_241 = arith.constant 32 : index
        %get3A_242 = tpu.vector_load %arg25[%get3A_240, %get3A_241] {strides = array<i32>} : memref<80x128xf32, #tpu.memory_space<vmem>>, vector<16xf32>,
        %mul3A_243 = arith.mulf %get3A_242, %gather3A_225 : vector<16xf32>
        %swap3A_244 = arith.index_cast %add3A_223 : i32 to index
        %swap3A_245 = arith.constant 32 : index
        %swap3A_246 = tpu.vector_load %arg25[%swap3A_244, %swap3A_245] {strides = array<i32>} : memref<80x128xf32, #tpu.memory_space<vmem>>, vector<16xf32>,
        tpu.vector_store %arg25[%swap3A_244, %swap3A_245], %mul3A_243 {strides = array<i32>} : memref<80x128xf32, #tpu.memory_space<vmem>>, vector<16xf32>,
        %get3A_247 = arith.index_cast %add3A_223 : i32 to index
        %get3A_248 = arith.constant 48 : index
        %get3A_249 = tpu.vector_load %arg25[%get3A_247, %get3A_248] {strides = array<i32>} : memref<80x128xf32, #tpu.memory_space<vmem>>, vector<16xf32>,
        %mul3A_250 = arith.mulf %get3A_249, %gather3A_225 : vector<16xf32>
        %swap3A_251 = arith.index_cast %add3A_223 : i32 to index
        %swap3A_252 = arith.constant 48 : index
        %swap3A_253 = tpu.vector_load %arg25[%swap3A_251, %swap3A_252] {strides = array<i32>} : memref<80x128xf32, #tpu.memory_space<vmem>>, vector<16xf32>,
        tpu.vector_store %arg25[%swap3A_251, %swap3A_252], %mul3A_250 {strides = array<i32>} : memref<80x128xf32, #tpu.memory_space<vmem>>, vector<16xf32>,
        %get3A_254 = arith.index_cast %add3A_223 : i32 to index
        %get3A_255 = arith.constant 64 : index
        %get3A_256 = tpu.vector_load %arg25[%get3A_254, %get3A_255] {strides = array<i32>} : memref<80x128xf32, #tpu.memory_space<vmem>>, vector<16xf32>,
        %mul3A_257 = arith.mulf %get3A_256, %gather3A_225 : vector<16xf32>
        %swap3A_258 = arith.index_cast %add3A_223 : i32 to index
        %swap3A_259 = arith.constant 64 : index
        %swap3A_260 = tpu.vector_load %arg25[%swap3A_258, %swap3A_259] {strides = array<i32>} : memref<80x128xf32, #tpu.memory_space<vmem>>, vector<16xf32>,
        tpu.vector_store %arg25[%swap3A_258, %swap3A_259], %mul3A_257 {strides = array<i32>} : memref<80x128xf32, #tpu.memory_space<vmem>>, vector<16xf32>,
        %get3A_261 = arith.index_cast %add3A_223 : i32 to index
        %get3A_262 = arith.constant 80 : index
        %get3A_263 = tpu.vector_load %arg25[%get3A_261, %get3A_262] {strides = array<i32>} : memref<80x128xf32, #tpu.memory_space<vmem>>, vector<16xf32>,
        %mul3A_264 = arith.mulf %get3A_263, %gather3A_225 : vector<16xf32>
        %swap3A_265 = arith.index_cast %add3A_223 : i32 to index
        %swap3A_266 = arith.constant 80 : index
        %swap3A_267 = tpu.vector_load %arg25[%swap3A_265, %swap3A_266] {strides = array<i32>} : memref<80x128xf32, #tpu.memory_space<vmem>>, vector<16xf32>,
        tpu.vector_store %arg25[%swap3A_265, %swap3A_266], %mul3A_264 {strides = array<i32>} : memref<80x128xf32, #tpu.memory_space<vmem>>, vector<16xf32>,
        %get3A_268 = arith.index_cast %add3A_223 : i32 to index
        %get3A_269 = arith.constant 96 : index
        %get3A_270 = tpu.vector_load %arg25[%get3A_268, %get3A_269] {strides = array<i32>} : memref<80x128xf32, #tpu.memory_space<vmem>>, vector<16xf32>,
        %mul3A_271 = arith.mulf %get3A_270, %gather3A_225 : vector<16xf32>
        %swap3A_272 = arith.index_cast %add3A_223 : i32 to index
        %swap3A_273 = arith.constant 96 : index
        %swap3A_274 = tpu.vector_load %arg25[%swap3A_272, %swap3A_273] {strides = array<i32>} : memref<80x128xf32, #tpu.memory_space<vmem>>, vector<16xf32>,
        tpu.vector_store %arg25[%swap3A_272, %swap3A_273], %mul3A_271 {strides = array<i32>} : memref<80x128xf32, #tpu.memory_space<vmem>>, vector<16xf32>,
        %get3A_275 = arith.index_cast %add3A_223 : i32 to index
        %get3A_276 = arith.constant 112 : index
        %get3A_277 = tpu.vector_load %arg25[%get3A_275, %get3A_276] {strides = array<i32>} : memref<80x128xf32, #tpu.memory_space<vmem>>, vector<16xf32>,
        %mul3A_278 = arith.mulf %get3A_277, %gather3A_225 : vector<16xf32>
        %swap3A_279 = arith.index_cast %add3A_223 : i32 to index
        %swap3A_280 = arith.constant 112 : index
        %swap3A_281 = tpu.vector_load %arg25[%swap3A_279, %swap3A_280] {strides = array<i32>} : memref<80x128xf32, #tpu.memory_space<vmem>>, vector<16xf32>,
        tpu.vector_store %arg25[%swap3A_279, %swap3A_280], %mul3A_278 {strides = array<i32>} : memref<80x128xf32, #tpu.memory_space<vmem>>, vector<16xf32>,
        %mul3A_282 = arith.constant 4 : i32
        %mul3A_283 = arith.muli %scan3A_158, %mul3A_282 : i32
        %add3A_284 = arith.constant 2 : i32
        %add3A_285 = arith.addi %mul3A_283, %add3A_284 : i32
        %broadcast_in_dim3A_286 = vector.broadcast %add3A_285 : i32 to vector<16xi32>
        %gather3A_287 = tpu.vector_load_idx %arg22[%broadcast_in_dim3A_286] : memref<80xf32, #tpu.memory_space<vmem>>[vector<16xi32>], vector<16xf32>,
        %get3A_288 = arith.index_cast %add3A_285 : i32 to index
        %get3A_289 = arith.constant 0 : index
        %get3A_290 = tpu.vector_load %arg25[%get3A_288, %get3A_289] {strides = array<i32>} : memref<80x128xf32, #tpu.memory_space<vmem>>, vector<16xf32>,
        %mul3A_291 = arith.mulf %get3A_290, %gather3A_287 : vector<16xf32>
        %swap3A_292 = arith.index_cast %add3A_285 : i32 to index
        %swap3A_293 = arith.constant 0 : index
        %swap3A_294 = tpu.vector_load %arg25[%swap3A_292, %swap3A_293] {strides = array<i32>} : memref<80x128xf32, #tpu.memory_space<vmem>>, vector<16xf32>,
        tpu.vector_store %arg25[%swap3A_292, %swap3A_293], %mul3A_291 {strides = array<i32>} : memref<80x128xf32, #tpu.memory_space<vmem>>, vector<16xf32>,
        %get3A_295 = arith.index_cast %add3A_285 : i32 to index
        %get3A_296 = arith.constant 16 : index
        %get3A_297 = tpu.vector_load %arg25[%get3A_295, %get3A_296] {strides = array<i32>} : memref<80x128xf32, #tpu.memory_space<vmem>>, vector<16xf32>,
        %mul3A_298 = arith.mulf %get3A_297, %gather3A_287 : vector<16xf32>
        %swap3A_299 = arith.index_cast %add3A_285 : i32 to index
        %swap3A_300 = arith.constant 16 : index
        %swap3A_301 = tpu.vector_load %arg25[%swap3A_299, %swap3A_300] {strides = array<i32>} : memref<80x128xf32, #tpu.memory_space<vmem>>, vector<16xf32>,
        tpu.vector_store %arg25[%swap3A_299, %swap3A_300], %mul3A_298 {strides = array<i32>} : memref<80x128xf32, #tpu.memory_space<vmem>>, vector<16xf32>,
        %get3A_302 = arith.index_cast %add3A_285 : i32 to index
        %get3A_303 = arith.constant 32 : index
        %get3A_304 = tpu.vector_load %arg25[%get3A_302, %get3A_303] {strides = array<i32>} : memref<80x128xf32, #tpu.memory_space<vmem>>, vector<16xf32>,
        %mul3A_305 = arith.mulf %get3A_304, %gather3A_287 : vector<16xf32>
        %swap3A_306 = arith.index_cast %add3A_285 : i32 to index
        %swap3A_307 = arith.constant 32 : index
        %swap3A_308 = tpu.vector_load %arg25[%swap3A_306, %swap3A_307] {strides = array<i32>} : memref<80x128xf32, #tpu.memory_space<vmem>>, vector<16xf32>,
        tpu.vector_store %arg25[%swap3A_306, %swap3A_307], %mul3A_305 {strides = array<i32>} : memref<80x128xf32, #tpu.memory_space<vmem>>, vector<16xf32>,
        %get3A_309 = arith.index_cast %add3A_285 : i32 to index
        %get3A_310 = arith.constant 48 : index
        %get3A_311 = tpu.vector_load %arg25[%get3A_309, %get3A_310] {strides = array<i32>} : memref<80x128xf32, #tpu.memory_space<vmem>>, vector<16xf32>,
        %mul3A_312 = arith.mulf %get3A_311, %gather3A_287 : vector<16xf32>
        %swap3A_313 = arith.index_cast %add3A_285 : i32 to index
        %swap3A_314 = arith.constant 48 : index
        %swap3A_315 = tpu.vector_load %arg25[%swap3A_313, %swap3A_314] {strides = array<i32>} : memref<80x128xf32, #tpu.memory_space<vmem>>, vector<16xf32>,
        tpu.vector_store %arg25[%swap3A_313, %swap3A_314], %mul3A_312 {strides = array<i32>} : memref<80x128xf32, #tpu.memory_space<vmem>>, vector<16xf32>,
        %get3A_316 = arith.index_cast %add3A_285 : i32 to index
        %get3A_317 = arith.constant 64 : index
        %get3A_318 = tpu.vector_load %arg25[%get3A_316, %get3A_317] {strides = array<i32>} : memref<80x128xf32, #tpu.memory_space<vmem>>, vector<16xf32>,
        %mul3A_319 = arith.mulf %get3A_318, %gather3A_287 : vector<16xf32>
        %swap3A_320 = arith.index_cast %add3A_285 : i32 to index
        %swap3A_321 = arith.constant 64 : index
        %swap3A_322 = tpu.vector_load %arg25[%swap3A_320, %swap3A_321] {strides = array<i32>} : memref<80x128xf32, #tpu.memory_space<vmem>>, vector<16xf32>,
        tpu.vector_store %arg25[%swap3A_320, %swap3A_321], %mul3A_319 {strides = array<i32>} : memref<80x128xf32, #tpu.memory_space<vmem>>, vector<16xf32>,
        %get3A_323 = arith.index_cast %add3A_285 : i32 to index
        %get3A_324 = arith.constant 80 : index
        %get3A_325 = tpu.vector_load %arg25[%get3A_323, %get3A_324] {strides = array<i32>} : memref<80x128xf32, #tpu.memory_space<vmem>>, vector<16xf32>,
        %mul3A_326 = arith.mulf %get3A_325, %gather3A_287 : vector<16xf32>
        %swap3A_327 = arith.index_cast %add3A_285 : i32 to index
        %swap3A_328 = arith.constant 80 : index
        %swap3A_329 = tpu.vector_load %arg25[%swap3A_327, %swap3A_328] {strides = array<i32>} : memref<80x128xf32, #tpu.memory_space<vmem>>, vector<16xf32>,
        tpu.vector_store %arg25[%swap3A_327, %swap3A_328], %mul3A_326 {strides = array<i32>} : memref<80x128xf32, #tpu.memory_space<vmem>>, vector<16xf32>,
        %get3A_330 = arith.index_cast %add3A_285 : i32 to index
        %get3A_331 = arith.constant 96 : index
        %get3A_332 = tpu.vector_load %arg25[%get3A_330, %get3A_331] {strides = array<i32>} : memref<80x128xf32, #tpu.memory_space<vmem>>, vector<16xf32>,
        %mul3A_333 = arith.mulf %get3A_332, %gather3A_287 : vector<16xf32>
        %swap3A_334 = arith.index_cast %add3A_285 : i32 to index
        %swap3A_335 = arith.constant 96 : index
        %swap3A_336 = tpu.vector_load %arg25[%swap3A_334, %swap3A_335] {strides = array<i32>} : memref<80x128xf32, #tpu.memory_space<vmem>>, vector<16xf32>,
        tpu.vector_store %arg25[%swap3A_334, %swap3A_335], %mul3A_333 {strides = array<i32>} : memref<80x128xf32, #tpu.memory_space<vmem>>, vector<16xf32>,
        %get3A_337 = arith.index_cast %add3A_285 : i32 to index
        %get3A_338 = arith.constant 112 : index
        %get3A_339 = tpu.vector_load %arg25[%get3A_337, %get3A_338] {strides = array<i32>} : memref<80x128xf32, #tpu.memory_space<vmem>>, vector<16xf32>,
        %mul3A_340 = arith.mulf %get3A_339, %gather3A_287 : vector<16xf32>
        %swap3A_341 = arith.index_cast %add3A_285 : i32 to index
        %swap3A_342 = arith.constant 112 : index
        %swap3A_343 = tpu.vector_load %arg25[%swap3A_341, %swap3A_342] {strides = array<i32>} : memref<80x128xf32, #tpu.memory_space<vmem>>, vector<16xf32>,
        tpu.vector_store %arg25[%swap3A_341, %swap3A_342], %mul3A_340 {strides = array<i32>} : memref<80x128xf32, #tpu.memory_space<vmem>>, vector<16xf32>,
        %mul3A_344 = arith.constant 4 : i32
        %mul3A_345 = arith.muli %scan3A_158, %mul3A_344 : i32
        %add3A_346 = arith.constant 3 : i32
        %add3A_347 = arith.addi %mul3A_345, %add3A_346 : i32
        %broadcast_in_dim3A_348 = vector.broadcast %add3A_347 : i32 to vector<16xi32>
        %gather3A_349 = tpu.vector_load_idx %arg22[%broadcast_in_dim3A_348] : memref<80xf32, #tpu.memory_space<vmem>>[vector<16xi32>], vector<16xf32>,
        %get3A_350 = arith.index_cast %add3A_347 : i32 to index
        %get3A_351 = arith.constant 0 : index
        %get3A_352 = tpu.vector_load %arg25[%get3A_350, %get3A_351] {strides = array<i32>} : memref<80x128xf32, #tpu.memory_space<vmem>>, vector<16xf32>,
        %mul3A_353 = arith.mulf %get3A_352, %gather3A_349 : vector<16xf32>
        %swap3A_354 = arith.index_cast %add3A_347 : i32 to index
        %swap3A_355 = arith.constant 0 : index
        %swap3A_356 = tpu.vector_load %arg25[%swap3A_354, %swap3A_355] {strides = array<i32>} : memref<80x128xf32, #tpu.memory_space<vmem>>, vector<16xf32>,
        tpu.vector_store %arg25[%swap3A_354, %swap3A_355], %mul3A_353 {strides = array<i32>} : memref<80x128xf32, #tpu.memory_space<vmem>>, vector<16xf32>,
        %get3A_357 = arith.index_cast %add3A_347 : i32 to index
        %get3A_358 = arith.constant 16 : index
        %get3A_359 = tpu.vector_load %arg25[%get3A_357, %get3A_358] {strides = array<i32>} : memref<80x128xf32, #tpu.memory_space<vmem>>, vector<16xf32>,
        %mul3A_360 = arith.mulf %get3A_359, %gather3A_349 : vector<16xf32>
        %swap3A_361 = arith.index_cast %add3A_347 : i32 to index
        %swap3A_362 = arith.constant 16 : index
        %swap3A_363 = tpu.vector_load %arg25[%swap3A_361, %swap3A_362] {strides = array<i32>} : memref<80x128xf32, #tpu.memory_space<vmem>>, vector<16xf32>,
        tpu.vector_store %arg25[%swap3A_361, %swap3A_362], %mul3A_360 {strides = array<i32>} : memref<80x128xf32, #tpu.memory_space<vmem>>, vector<16xf32>,
        %get3A_364 = arith.index_cast %add3A_347 : i32 to index
        %get3A_365 = arith.constant 32 : index
        %get3A_366 = tpu.vector_load %arg25[%get3A_364, %get3A_365] {strides = array<i32>} : memref<80x128xf32, #tpu.memory_space<vmem>>, vector<16xf32>,
        %mul3A_367 = arith.mulf %get3A_366, %gather3A_349 : vector<16xf32>
        %swap3A_368 = arith.index_cast %add3A_347 : i32 to index
        %swap3A_369 = arith.constant 32 : index
        %swap3A_370 = tpu.vector_load %arg25[%swap3A_368, %swap3A_369] {strides = array<i32>} : memref<80x128xf32, #tpu.memory_space<vmem>>, vector<16xf32>,
        tpu.vector_store %arg25[%swap3A_368, %swap3A_369], %mul3A_367 {strides = array<i32>} : memref<80x128xf32, #tpu.memory_space<vmem>>, vector<16xf32>,
        %get3A_371 = arith.index_cast %add3A_347 : i32 to index
        %get3A_372 = arith.constant 48 : index
        %get3A_373 = tpu.vector_load %arg25[%get3A_371, %get3A_372] {strides = array<i32>} : memref<80x128xf32, #tpu.memory_space<vmem>>, vector<16xf32>,
        %mul3A_374 = arith.mulf %get3A_373, %gather3A_349 : vector<16xf32>
        %swap3A_375 = arith.index_cast %add3A_347 : i32 to index
        %swap3A_376 = arith.constant 48 : index
        %swap3A_377 = tpu.vector_load %arg25[%swap3A_375, %swap3A_376] {strides = array<i32>} : memref<80x128xf32, #tpu.memory_space<vmem>>, vector<16xf32>,
        tpu.vector_store %arg25[%swap3A_375, %swap3A_376], %mul3A_374 {strides = array<i32>} : memref<80x128xf32, #tpu.memory_space<vmem>>, vector<16xf32>,
        %get3A_378 = arith.index_cast %add3A_347 : i32 to index
        %get3A_379 = arith.constant 64 : index
        %get3A_380 = tpu.vector_load %arg25[%get3A_378, %get3A_379] {strides = array<i32>} : memref<80x128xf32, #tpu.memory_space<vmem>>, vector<16xf32>,
        %mul3A_381 = arith.mulf %get3A_380, %gather3A_349 : vector<16xf32>
        %swap3A_382 = arith.index_cast %add3A_347 : i32 to index
        %swap3A_383 = arith.constant 64 : index
        %swap3A_384 = tpu.vector_load %arg25[%swap3A_382, %swap3A_383] {strides = array<i32>} : memref<80x128xf32, #tpu.memory_space<vmem>>, vector<16xf32>,
        tpu.vector_store %arg25[%swap3A_382, %swap3A_383], %mul3A_381 {strides = array<i32>} : memref<80x128xf32, #tpu.memory_space<vmem>>, vector<16xf32>,
        %get3A_385 = arith.index_cast %add3A_347 : i32 to index
        %get3A_386 = arith.constant 80 : index
        %get3A_387 = tpu.vector_load %arg25[%get3A_385, %get3A_386] {strides = array<i32>} : memref<80x128xf32, #tpu.memory_space<vmem>>, vector<16xf32>,
        %mul3A_388 = arith.mulf %get3A_387, %gather3A_349 : vector<16xf32>
        %swap3A_389 = arith.index_cast %add3A_347 : i32 to index
        %swap3A_390 = arith.constant 80 : index
        %swap3A_391 = tpu.vector_load %arg25[%swap3A_389, %swap3A_390] {strides = array<i32>} : memref<80x128xf32, #tpu.memory_space<vmem>>, vector<16xf32>,
        tpu.vector_store %arg25[%swap3A_389, %swap3A_390], %mul3A_388 {strides = array<i32>} : memref<80x128xf32, #tpu.memory_space<vmem>>, vector<16xf32>,
        %get3A_392 = arith.index_cast %add3A_347 : i32 to index
        %get3A_393 = arith.constant 96 : index
        %get3A_394 = tpu.vector_load %arg25[%get3A_392, %get3A_393] {strides = array<i32>} : memref<80x128xf32, #tpu.memory_space<vmem>>, vector<16xf32>,
        %mul3A_395 = arith.mulf %get3A_394, %gather3A_349 : vector<16xf32>
        %swap3A_396 = arith.index_cast %add3A_347 : i32 to index
        %swap3A_397 = arith.constant 96 : index
        %swap3A_398 = tpu.vector_load %arg25[%swap3A_396, %swap3A_397] {strides = array<i32>} : memref<80x128xf32, #tpu.memory_space<vmem>>, vector<16xf32>,
        tpu.vector_store %arg25[%swap3A_396, %swap3A_397], %mul3A_395 {strides = array<i32>} : memref<80x128xf32, #tpu.memory_space<vmem>>, vector<16xf32>,
        %get3A_399 = arith.index_cast %add3A_347 : i32 to index
        %get3A_400 = arith.constant 112 : index
        %get3A_401 = tpu.vector_load %arg25[%get3A_399, %get3A_400] {strides = array<i32>} : memref<80x128xf32, #tpu.memory_space<vmem>>, vector<16xf32>,
        %mul3A_402 = arith.mulf %get3A_401, %gather3A_349 : vector<16xf32>
        %swap3A_403 = arith.index_cast %add3A_347 : i32 to index
        %swap3A_404 = arith.constant 112 : index
        %swap3A_405 = tpu.vector_load %arg25[%swap3A_403, %swap3A_404] {strides = array<i32>} : memref<80x128xf32, #tpu.memory_space<vmem>>, vector<16xf32>,
        tpu.vector_store %arg25[%swap3A_403, %swap3A_404], %mul3A_402 {strides = array<i32>} : memref<80x128xf32, #tpu.memory_space<vmem>>, vector<16xf32>,
      }
      %scan3A_151 = arith.constant 20 : i32
      %dma_start3A_152 = arith.constant 0 : i32
      %dma_start3A_153 = arith.constant 0 : i32
      %dma_start3A_154 = tpu.memref_slice %arg31[%dma_start3A_152, %dma_start3A_153] : memref<10112x128xf32, #tpu.memory_space<vmem_shared>> -> memref<10112x128xf32, #tpu.memory_space<vmem_shared>>
      tpu.enqueue_indirect_dma source(%arg25 : memref<80x128xf32, #tpu.memory_space<vmem>>) target(%dma_start3A_154 : memref<10112x128xf32, #tpu.memory_space<vmem_shared>>) offsets(%arg12 : memref<80xi32, #tpu.memory_space<vmem>>) semaphore(%arg38 : memref<!tpu.dma_semaphore, #tpu.memory_space<semaphore_mem>>) {add = true}
      %dma_wait3A_155 = arith.constant 0 : i32
      %dma_wait3A_156 = arith.constant 0 : i32
      %dma_wait3A_157 = tpu.memref_slice %arg31[%dma_wait3A_155, %dma_wait3A_156] : memref<10112x128xf32, #tpu.memory_space<vmem_shared>> -> memref<10112x128xf32, #tpu.memory_space<vmem_shared>>
      tpu.wait_indirect_dma semaphore(%arg38 : memref<!tpu.dma_semaphore, #tpu.memory_space<semaphore_mem>>) src(%arg25 : memref<80x128xf32, #tpu.memory_space<vmem>>) dst(%dma_wait3A_157 : memref<10112x128xf32, #tpu.memory_space<vmem_shared>>)
    }
    %scan3A_57 = arith.constant 5 : i32
    %barrier3A_58 = arith.constant 0 : index
    tpu.barrier barrier_id(%barrier3A_58)
    %mul3A_59 = arith.constant 632 : i32
    %mul3A_60 = arith.muli %arg1, %mul3A_59 : i32
    %mul3A_61 = arith.constant 632 : i32
    %mul3A_62 = arith.muli %arg1, %mul3A_61 : i32
    "tpu.region"() ({
      %run_scoped3A = tpu.sem_alloc : memref<!tpu.dma_semaphore, #tpu.memory_space<semaphore_mem>>
      %dma_start3A = arith.constant 0 : i32
      %dma_start3A_63 = tpu.memref_slice %arg8[%arg0, %mul3A_62, %dma_start3A] : memref<2x10112x128xf32, #tpu.memory_space<hbm>> -> memref<1x632x128xf32, #tpu.memory_space<hbm>>
      %dma_start3A_64 = tpu.memref_squeeze %dma_start3A_63 : memref<1x632x128xf32, #tpu.memory_space<hbm>> -> memref<632x128xf32, #tpu.memory_space<hbm>>
      %dma_start3A_65 = arith.constant 0 : i32
      %dma_start3A_66 = tpu.memref_slice %arg31[%mul3A_60, %dma_start3A_65] : memref<10112x128xf32, #tpu.memory_space<vmem_shared>> -> memref<632x128xf32, #tpu.memory_space<vmem_shared>>
      tpu.enqueue_dma source(%dma_start3A_66 : memref<632x128xf32, #tpu.memory_space<vmem_shared>>) target(%dma_start3A_64 : memref<632x128xf32, #tpu.memory_space<hbm>>) target_semaphore(%run_scoped3A : memref<!tpu.dma_semaphore, #tpu.memory_space<semaphore_mem>>)
      %dma_wait3A = arith.constant 0 : i32
      %dma_wait3A_67 = tpu.memref_slice %arg8[%arg0, %mul3A_62, %dma_wait3A] : memref<2x10112x128xf32, #tpu.memory_space<hbm>> -> memref<1x632x128xf32, #tpu.memory_space<hbm>>
      %dma_wait3A_68 = tpu.memref_squeeze %dma_wait3A_67 : memref<1x632x128xf32, #tpu.memory_space<hbm>> -> memref<632x128xf32, #tpu.memory_space<hbm>>
      %dma_wait3A_69 = arith.constant 0 : i32
      %dma_wait3A_70 = tpu.memref_slice %arg31[%mul3A_60, %dma_wait3A_69] : memref<10112x128xf32, #tpu.memory_space<vmem_shared>> -> memref<632x128xf32, #tpu.memory_space<vmem_shared>>
      tpu.wait_dma2 semaphore(%run_scoped3A : memref<!tpu.dma_semaphore, #tpu.memory_space<semaphore_mem>>) src(%dma_wait3A_70 : memref<632x128xf32, #tpu.memory_space<vmem_shared>>) dst(%dma_wait3A_68 : memref<632x128xf32, #tpu.memory_space<hbm>>)
      tpu.yield
    }) : () -> ()
    return
  }
}

module attributes {stable_mosaic.version = 14 : i64} {
  func.func @_matmul_body(%arg0: i32, %arg1: i32, %arg2: memref<1000x128xf32, #tpu.memory_space<vmem>>, %arg3: memref<1x128x128xf32, #tpu.memory_space<vmem>>, %arg4: memref<1x1000x128xf32, #tpu.memory_space<vmem>>) attributes {dimension_semantics = [#tpu.dimension_semantics<arbitrary>, #tpu.dimension_semantics<arbitrary>], iteration_bounds = array<i64: 10, 10>, scalar_prefetch = 0 : i64, scratch_operands = 0 : i64, tpu.core_type = #tpu.core_type<tc>, window_params = [{transform_indices = @transform_0, window_bounds = array<i64: 1000, 128>}, {transform_indices = @transform_1, window_bounds = array<i64: 1, 128, 128>}, {transform_indices = @transform_2, window_bounds = array<i64: 1, 1000, 128>}]} {
    %get3A = arith.constant 0 : index
    %get3A_0 = arith.constant 0 : index
    %get3A_1 = vector.load %arg2[%get3A, %get3A_0] : memref<1000x128xf32, #tpu.memory_space<vmem>>, vector<1000x128xf32>
    %get3A_2 = arith.constant 0 : index
    %get3A_3 = arith.constant 0 : index
    %get3A_4 = arith.constant 0 : index
    %get3A_5 = vector.load %arg3[%get3A_2, %get3A_3, %get3A_4] : memref<1x128x128xf32, #tpu.memory_space<vmem>>, vector<1x128x128xf32>
    %get3A_6 = vector.shape_cast %get3A_5 : vector<1x128x128xf32> to vector<128x128xf32>
    %dot_general3A = arith.constant dense<0.000000e+00> : vector<1000x128xf32>
    %dot_general3A_7 = tpu.matmul %get3A_1, %get3A_6, %dot_general3A {dimension_numbers = #tpu.dot_dimension_numbers<[1], [0], [0], [1], [0, 0, 1, 1], [], []>, transpose_lhs_hint = false} : vector<1000x128xf32>, vector<128x128xf32>, vector<1000x128xf32> -> vector<1000x128xf32>
    %swap3A = arith.constant 0 : index
    %swap3A_8 = arith.constant 0 : index
    %swap3A_9 = arith.constant 0 : index
    %swap3A_10 = vector.load %arg4[%swap3A, %swap3A_8, %swap3A_9] : memref<1x1000x128xf32, #tpu.memory_space<vmem>>, vector<1x1000x128xf32>
    %swap3A_11 = vector.shape_cast %swap3A_10 : vector<1x1000x128xf32> to vector<1000x128xf32>
    %swap3A_12 = vector.shape_cast %dot_general3A_7 : vector<1000x128xf32> to vector<1x1000x128xf32>
    tpu.vector_store %arg4[%swap3A, %swap3A_8, %swap3A_9], %swap3A_12 {strides = array<i32>} : memref<1x1000x128xf32, #tpu.memory_space<vmem>>, vector<1x1000x128xf32>,
    return
  }
  func.func @transform_0(%arg0: i32, %arg1: i32) -> (i32, i32) {
    %c0_i32 = arith.constant 0 : i32
    %c0_i32_0 = arith.constant 0 : i32
    return %arg0, %c0_i32 : i32, i32
  }
  func.func @transform_1(%arg0: i32, %arg1: i32) -> (i32, i32, i32) {
    %c0_i32 = arith.constant 0 : i32
    %c0_i32_0 = arith.constant 0 : i32
    %c0_i32_1 = arith.constant 0 : i32
    return %arg1, %c0_i32, %c0_i32_0 : i32, i32, i32
  }
  func.func @transform_2(%arg0: i32, %arg1: i32) -> (i32, i32, i32) {
    %c0_i32 = arith.constant 0 : i32
    %c0_i32_0 = arith.constant 0 : i32
    return %arg1, %arg0, %c0_i32 : i32, i32, i32
  }
}

module attributes {stable_mosaic.version = 14 : i64} {
  func.func @_head_body(%arg0: i32, %arg1: memref<1x625x128xf32, #tpu.memory_space<vmem>>, %arg2: memref<2x1x625x128xf32, #tpu.memory_space<vmem>>, %arg3: memref<1x128xf32, #tpu.memory_space<vmem>>, %arg4: memref<128x5xf32, #tpu.memory_space<vmem>>, %arg5: memref<1x1x5xf32, #tpu.memory_space<vmem>>) attributes {dimension_semantics = [#tpu.dimension_semantics<arbitrary>], iteration_bounds = array<i64: 16>, scalar_prefetch = 0 : i64, scratch_operands = 0 : i64, tpu.core_type = #tpu.core_type<tc>, window_params = [{transform_indices = @transform_0, window_bounds = array<i64: 1, 625, 128>}, {transform_indices = @transform_1, window_bounds = array<i64: 2, 1, 625, 128>}, {pipeline_mode = #tpu.pipeline_mode<synchronous>, transform_indices = @transform_2, window_bounds = array<i64: 1, 128>}, {pipeline_mode = #tpu.pipeline_mode<synchronous>, transform_indices = @transform_3, window_bounds = array<i64: 128, 5>}, {transform_indices = @transform_4, window_bounds = array<i64: 1, 1, 5>}]} {
    %get3A = arith.constant 0 : index
    %get3A_0 = arith.constant 0 : index
    %get3A_1 = arith.constant 0 : index
    %get3A_2 = vector.load %arg1[%get3A, %get3A_0, %get3A_1] : memref<1x625x128xf32, #tpu.memory_space<vmem>>, vector<1x625x128xf32>
    %get3A_3 = vector.shape_cast %get3A_2 : vector<1x625x128xf32> to vector<625x128xf32>
    %get3A_4 = arith.constant 0 : index
    %get3A_5 = arith.constant 0 : index
    %get3A_6 = arith.constant 0 : index
    %get3A_7 = arith.constant 0 : index
    %get3A_8 = vector.load %arg2[%get3A_4, %get3A_5, %get3A_6, %get3A_7] : memref<2x1x625x128xf32, #tpu.memory_space<vmem>>, vector<1x1x625x128xf32>
    %get3A_9 = vector.shape_cast %get3A_8 : vector<1x1x625x128xf32> to vector<625x128xf32>
    %add3A = arith.addf %get3A_3, %get3A_9 : vector<625x128xf32>
    %get3A_10 = arith.constant 1 : index
    %get3A_11 = arith.constant 0 : index
    %get3A_12 = arith.constant 0 : index
    %get3A_13 = arith.constant 0 : index
    %get3A_14 = vector.load %arg2[%get3A_10, %get3A_11, %get3A_12, %get3A_13] : memref<2x1x625x128xf32, #tpu.memory_space<vmem>>, vector<1x1x625x128xf32>
    %get3A_15 = vector.shape_cast %get3A_14 : vector<1x1x625x128xf32> to vector<625x128xf32>
    %add3A_16 = arith.addf %add3A, %get3A_15 : vector<625x128xf32>
    %get3A_17 = arith.constant 0 : index
    %get3A_18 = arith.constant 0 : index
    %get3A_19 = vector.load %arg3[%get3A_17, %get3A_18] : memref<1x128xf32, #tpu.memory_space<vmem>>, vector<1x128xf32>
    %add3A_20 = vector.broadcast %get3A_19 : vector<1x128xf32> to vector<625x128xf32>
    %add3A_21 = arith.addf %add3A_16, %add3A_20 : vector<625x128xf32>
    %max3A = arith.constant 0.000000e+00 : f32
    %max3A_22 = vector.broadcast %max3A : f32 to vector<625x128xf32>
    %max3A_23 = arith.maximumf %add3A_21, %max3A_22 : vector<625x128xf32>
    %reduce_sum3A = arith.constant dense<0.000000e+00> : vector<128xf32>
    %reduce_sum3A_24 = vector.multi_reduction <add>, %max3A_23, %reduce_sum3A [0] : vector<625x128xf32> to vector<128xf32>
    %broadcast_in_dim3A = vector.shape_cast %reduce_sum3A_24 : vector<128xf32> to vector<1x128xf32>
    %get3A_25 = arith.constant 0 : index
    %get3A_26 = arith.constant 0 : index
    %get3A_27 = vector.load %arg4[%get3A_25, %get3A_26] : memref<128x5xf32, #tpu.memory_space<vmem>>, vector<128x5xf32>
    %dot_general3A = arith.constant dense<0.000000e+00> : vector<1x5xf32>
    %dot_general3A_28 = tpu.matmul %broadcast_in_dim3A, %get3A_27, %dot_general3A {dimension_numbers = #tpu.dot_dimension_numbers<[1], [0], [0], [1], [0, 0, 1, 1], [], []>, transpose_lhs_hint = false} : vector<1x128xf32>, vector<128x5xf32>, vector<1x5xf32> -> vector<1x5xf32>
    %swap3A = arith.constant 0 : index
    %swap3A_29 = arith.constant 0 : index
    %swap3A_30 = arith.constant 0 : index
    %swap3A_31 = vector.load %arg5[%swap3A, %swap3A_29, %swap3A_30] : memref<1x1x5xf32, #tpu.memory_space<vmem>>, vector<1x1x5xf32>
    %swap3A_32 = vector.shape_cast %swap3A_31 : vector<1x1x5xf32> to vector<1x5xf32>
    %swap3A_33 = vector.shape_cast %dot_general3A_28 : vector<1x5xf32> to vector<1x1x5xf32>
    tpu.vector_store %arg5[%swap3A, %swap3A_29, %swap3A_30], %swap3A_33 {strides = array<i32>} : memref<1x1x5xf32, #tpu.memory_space<vmem>>, vector<1x1x5xf32>,
    return
  }
  func.func @transform_0(%arg0: i32) -> (i32, i32, i32) {
    %c0_i32 = arith.constant 0 : i32
    %c0_i32_0 = arith.constant 0 : i32
    %c0_i32_1 = arith.constant 0 : i32
    return %arg0, %c0_i32, %c0_i32_0 : i32, i32, i32
  }
  func.func @transform_1(%arg0: i32) -> (i32, i32, i32, i32) {
    %c0_i32 = arith.constant 0 : i32
    %c0_i32_0 = arith.constant 0 : i32
    %c0_i32_1 = arith.constant 0 : i32
    %c0_i32_2 = arith.constant 0 : i32
    return %c0_i32, %arg0, %c0_i32_0, %c0_i32_1 : i32, i32, i32, i32
  }
  func.func @transform_2(%arg0: i32) -> (i32, i32) {
    %c0_i32 = arith.constant 0 : i32
    %c0_i32_0 = arith.constant 0 : i32
    %c0_i32_1 = arith.constant 0 : i32
    return %c0_i32, %c0_i32_0 : i32, i32
  }
  func.func @transform_3(%arg0: i32) -> (i32, i32) {
    %c0_i32 = arith.constant 0 : i32
    %c0_i32_0 = arith.constant 0 : i32
    %c0_i32_1 = arith.constant 0 : i32
    return %c0_i32, %c0_i32_0 : i32, i32
  }
  func.func @transform_4(%arg0: i32) -> (i32, i32, i32) {
    %c0_i32 = arith.constant 0 : i32
    %c0_i32_0 = arith.constant 0 : i32
    %c0_i32_1 = arith.constant 0 : i32
    return %arg0, %c0_i32, %c0_i32_0 : i32, i32, i32
  }
}

</mosaic_0001>

<sc_bundles>
// kernel: kernel.5.cloned.1.call-start
scs
__scs_entry_jumppad:
0x0: {  	(pc) =	sbr.rel $0x88, $3  }
0x1: {  	(tag) =	ssettag $0x0;
	lr =	simm.s32 $0x1  }
0x2: {  	[smem:$0x3F98] =	sst lr;
	_ =	strace $0xD0000000  }
0x3: {  	_ = 	snop  }
0x4: {  	_ = 	snop  }
0x5: {  	_ = 	snop  }
0x6: {  	_ = 	snop  }
0x7: {  	_ = 	snop  }
__scs_overlays_trampoline_lowered:
0x8: {  	[smem:$0x3FA7] =	sst s0  }
0x9: {  	[smem:$0x3FA8] =	sst s1  }
0xa: {  	[smem:$0x3FA9] =	sst s2  }
0xb: {  	[smem:$0x3FAA] =	sst s3  }
0xc: {  	[smem:$0x3FAB] =	sst s4  }
0xd: {  	[smem:$0x3FAC] =	sst s5  }
0xe: {  	[smem:$0x3FAD] =	sst s6  }
0xf: {  	[smem:$0x3FAE] =	sst s7  }
0x10: {  	[smem:$0x3FAF] =	sst s8  }
0x11: {  	[smem:$0x3FB0] =	sst s9;
	s0 =	simm.s32 @!p0 $0x0  }
0x12: {  	s1 =	sld [smem:$0x3F96];
	s0 =	simm.s32 @p0 $0x1  }
0x13: {  	[smem:$0x3FB1] =	sst s0;
	s0 =	simm.s32 @!p1 $0x0  }
0x14: {  	s2 =	sld [smem:$0x3F95];
	s0 =	simm.s32 @p1 $0x1  }
0x15: {  	[smem:$0x3FB2] =	sst s0;
	s0 =	simm.s32 @!p2 $0x0  }
0x16: {  	s3 =	sld [smem:$0x3FDB];
	s0 =	simm.s32 @p2 $0x1  }
0x17: {  	s4 =	simm.s32 $0x1BF5;
	[smem:$0x3FB4] =	sst s0  }
0x18: {  	s0 =	sld [smem:$0x3F97];
	_ =	swait.ge [sflag:s4], $0x0  }
0x19: {  	s7 =	sld [smem:$0x3F98]  }
0x1a: {  	s8 =	sadd.s32 $0xFFFFE003, lr  }
0x1b: {  	s9 =	sadd.s32 $0xFFFFFEF7, lr;
	s5 =	simm.s32 $0xFFFFFFFF;
	p2 =	slt.u32 s8, $0xFFFFF086  }
0x1c: {  	p1 =	slt.u32 s9, $0xF7A;
	s5 =	simm.s32 @!p2 $0x0  }
0x1d: {  	s5 =	simm.s32 @p1 $0x1;
	p0 =	seq.s32 s7, s2  }
0x1e: {  	s7 =	smul.u32 @!p0 $0xF7A, s2;
	p2 =	seq.s32 @!p0 s5, $0x0  }
0x1f: {  	s9 =	smul.u32 $0xF7A, s1;
	s8 =	simm.s32 @!p0 $0x1BF5;
	p2 =	por !p2, p0  }
0x20: {  	[sflag:s8] =	ssyncset.s32 @!p0 $0xFFFFF086;
	s6 =	sadd.s32 @!p0 s3, s7;
	s7 =	simm.s32 @!p0 $0x108  }
0x21: {  	s3 =	sadd.s32 s3, s9;
	s6 =	sadd.s32 @!p0 $0x88, s6;
	s7 =	simm.s32 @p2 $0x1082  }
0x22: {  	[simem:s7], [sflag:s8] =	dma.local @!p0 [hbm:s6], $0xF7A  }
0x23: {  	s9 =	sor.u32 $0xD0000000, s2;
	s6 =	simm.s32 $0x108;
	_ =	swait.ge @!p0 [sflag:s8], $0x0  }
0x24: {  	s3 =	sadd.s32 $0x88, s3;
	s6 =	simm.s32 @!p1 $0x1082;
	[sflag:s4] =	ssyncset.s32 $0xFFFFF086  }
0x25: {  	[simem:s6], [sflag:s4] =	dma.local [hbm:s3], $0xF7A  }
0x26: {  	[smem:$0x3F98] =	sst s1;
	(tag) =	ssettag s2;
	_ =	strace s9  }
0x27: {  	s1 =	sld [smem:$0x3FA8]  }
0x28: {  	s2 =	sld [smem:$0x3FA9]  }
0x29: {  	s4 =	sld [smem:$0x3FAB]  }
0x2a: {  	p0 =	seq.s32 s5, $0x0;
	s5 =	sld [smem:$0x3FAC]  }
0x2b: {  	s6 =	sld [smem:$0x3FAD]  }
0x2c: {  	s7 =	sld [smem:$0x3FAE]  }
0x2d: {  	s3 =	simm.s32 $0x108;
	s8 =	sld [smem:$0x3FAF]  }
0x2e: {  	s3 =	simm.s32 @!p0 $0x1082;
	s9 =	sld [smem:$0x3FB0]  }
0x2f: {  	lr =	sadd.s32 s0, s3;
	s0 =	sld [smem:$0x3FA7]  }
0x30: {  	s3 =	sld [smem:$0x3FAA]  }
0x31: {  	[smem:$0x3FB3] =	sst s10  }
0x32: {  	s10 =	sld [smem:$0x3FB1];
	_ =	sdelay $0x3  }
0x33: {  	p0 =	seq.s32 s10, $0x1;
	s10 =	sld [smem:$0x3FB3];
	_ =	sdelay $0x3  }
0x34: {  	[smem:$0x3FB3] =	sst s10  }
0x35: {  	s10 =	sld [smem:$0x3FB2];
	_ =	sdelay $0x3  }
0x36: {  	p1 =	seq.s32 s10, $0x1;
	s10 =	sld [smem:$0x3FB3];
	_ =	sdelay $0x3  }
0x37: {  	[smem:$0x3FB3] =	sst s10  }
0x38: {  	s10 =	sld [smem:$0x3FB4]  }
0x39: {  	_ = 	snop;
	(pc) =	sbr.ind lr, $3  }
0x3a: {  	_ = 	snop  }
0x3b: {  	_ = 	snop  }
0x3c: {  	p2 =	seq.s32 s10, $0x1;
	s10 =	sld [smem:$0x3FB3]  }
0x3d: {  	_ =	shalt  }
0x3e: {  	_ =	shalt  }
0x3f: {  	_ =	shalt  }
0x40: {  	_ =	shalt  }
0x41: {  	_ =	shalt  }
0x42: {  	_ =	shalt  }
0x43: {  	_ =	shalt  }
0x44: {  	_ =	shalt  }
0x45: {  	_ =	shalt  }
0x46: {  	_ =	shalt  }
0x47: {  	_ =	shalt  }
0x48: {  	_ =	shalt  }
0x49: {  	_ =	shalt  }
0x4a: {  	_ =	shalt  }
0x4b: {  	_ =	shalt  }
0x4c: {  	_ =	shalt  }
0x4d: {  	_ =	shalt  }
0x4e: {  	_ =	shalt  }
0x4f: {  	_ =	shalt  }
0x50: {  	_ =	shalt  }
0x51: {  	_ =	shalt  }
0x52: {  	_ =	shalt  }
0x53: {  	_ =	shalt  }
0x54: {  	_ =	shalt  }
0x55: {  	_ =	shalt  }
0x56: {  	_ =	shalt  }
0x57: {  	_ =	shalt  }
0x58: {  	_ =	shalt  }
0x59: {  	_ =	shalt  }
0x5a: {  	_ =	shalt  }
0x5b: {  	_ =	shalt  }
0x5c: {  	_ =	shalt  }
0x5d: {  	_ =	shalt  }
0x5e: {  	_ =	shalt  }
0x5f: {  	_ =	shalt  }
0x60: {  	_ =	shalt  }
0x61: {  	_ =	shalt  }
0x62: {  	_ =	shalt  }
0x63: {  	_ =	shalt  }
0x64: {  	_ =	shalt  }
0x65: {  	_ =	shalt  }
0x66: {  	_ =	shalt  }
0x67: {  	_ =	shalt  }
0x68: {  	_ =	shalt  }
0x69: {  	_ =	shalt  }
0x6a: {  	_ =	shalt  }
0x6b: {  	_ =	shalt  }
0x6c: {  	_ =	shalt  }
0x6d: {  	_ =	shalt  }
0x6e: {  	_ =	shalt  }
0x6f: {  	_ =	shalt  }
0x70: {  	_ =	shalt  }
0x71: {  	_ =	shalt  }
0x72: {  	_ =	shalt  }
0x73: {  	_ =	shalt  }
0x74: {  	_ =	shalt  }
0x75: {  	_ =	shalt  }
0x76: {  	_ =	shalt  }
0x77: {  	_ =	shalt  }
0x78: {  	_ =	shalt  }
0x79: {  	_ =	shalt  }
0x7a: {  	_ =	shalt  }
0x7b: {  	_ =	shalt  }
0x7c: {  	_ =	shalt  }
0x7d: {  	_ =	shalt  }
0x7e: {  	_ =	shalt  }
0x7f: {  	_ =	shalt  }
0x80: {  	_ =	shalt  }
0x81: {  	_ =	shalt  }
0x82: {  	_ =	shalt  }
0x83: {  	_ =	shalt  }
0x84: {  	_ =	shalt  }
0x85: {  	_ =	shalt  }
0x86: {  	_ =	shalt  }
0x87: {  	_ =	shalt  }
.Lfunc_end0:
.L_simem_size_0:
called_computation_lowered:
.L_overlay_start_0:
0x88: {  	s2 =	sld [smem:$0x3FD9]  }
0x89: {  	s3 =	sld [smem:$0x3FFE];
	_ =	sdelay $0x1  }
0x8a: {  	s1 =	srdreg.scid  }
0x8b: {  	s0 =	sand.u32 $0x1, s1  }
0x8c: {  	s17 =	sshll.u32 s0, $0xA;
	s2 =	sadd.s32 s3, s2  }
0x8d: {  	s2 =	sadd.s32 s2, s17  }
0x8e: {  	[smem:$0x3FBF] =	sst s2  }
0x8f: {  	_ = 	snop  }
0x90: {  	s2 =	sld [smem:$0x3FC7];
	(tm) =	ssettm $0x1  }
0x91: {  	s18 =	sld [smem:$0x3FFB];
	_ =	sdelay $0x3  }
0x92: {  	_ =	strace s18  }
0x93: {  	s3 =	sld [smem:$0x3FFC];
	_ =	sdelay $0x3  }
0x94: {  	_ =	strace s3  }
0x95: {  	s3 =	sld [smem:$0x3FFD];
	_ =	sdelay $0x3  }
0x96: {  	_ =	strace s3  }
0x97: {  	_ =	strace $0x8FFFFFFF  }
0x98: {  	s19 =	sld [smem:$0x3FDB];
	_ =	sdelay $0x1  }
0x99: {  	s4 =	simm.s32 $_scs_section_size  }
0x9a: {  	s5 =	simm.s32 $_size__tile_overlayer_lowered;
	s6 =	simm.s32 $_tile_overlayer_lowered  }
0x9b: {  	s22 =	simm.s32 $0x1BFF;
	s21 =	sshll.u32 s6, $0x1;
	s3 =	sadd.s32 s4, s19  }
0x9c: {  	s7 =	simm.s32 $0x0;
	s20 =	sshll.u32 s5, $0x1;
	s5 =	sadd.s32 s21, s3  }
0x9d: {  	[timem:s7], [sflag:s22] =	dma.local [hbm:s5], s20  }
0x9e: {  	_ =	swait.ge [sflag:s22], s20  }
0x9f: {  	s4 =	ssub.s32 $0x0, s20;
	[sflag:s22] =	ssyncset.done $0x0  }
0xa0: {  	[sflag:s22] =	ssyncadd.s32 s4;
	_ =	sdelay $0x1  }
0xa1: {  	s23 =	simm.s32 $0x1B8B  }
0xa2: {  	_ =	swait.ge [sflag:s23], $0x1  }
0xa3: {  	[sflag:s23] =	ssyncset.done $0x0  }
0xa4: {  	s25 =	simm.s32 $0x1B8E;
	s24 =	sld [smem:$0x3FFE];
	[sflag:s23] =	ssyncadd.s32 $0xFFFFFFFF  }
0xa5: {  	s26 =	simm.s32 $execute0_lowered;
	[smem:$0x3FD2] =	sst s25  }
0xa6: {  	s5 =	sshll.u32 s26, $0x1;
	_ =	strace $0x80000046;
	[dreg:$0x1] =	wrdreg $0xFFFFFFFF  }
0xa7: {  	s28 =	simm.s32 $_size_execute0_lowered;
	s3 =	sadd.s32 s3, s5;
	[dreg:$0x0] =	wrdreg $0x0  }
0xa8: {  	s5 =	sshll.u32 s28, $0x1;
	[dreg:$0x2] =	wrdreg s3  }
0xa9: {  	[dreg:$0x3] =	wrdreg s5  }
0xaa: {  	[dreg:$0x4] =	wrdreg $0xC0  }
0xab: {  	_ =	task [dreg:s7], $0x5FFFF  }
0xac: {  	[dreg:$0x1] =	wrdreg $0xFFFFFFFF  }
0xad: {  	[dreg:$0x0] =	wrdreg $0x60  }
0xae: {  	[dreg:$0x2] =	wrdreg s24  }
0xaf: {  	[dreg:$0x3] =	wrdreg s2  }
0xb0: {  	[dreg:$0x4] =	wrdreg $0xB8000  }
0xb1: {  	[dreg:$0x5] =	wrdreg $0xA2000  }
0xb2: {  	[dreg:$0x6] =	wrdreg $0x9  }
0xb3: {  	_ =	task.clear_ibuf [dreg:s7], $0x7FFFF;
	_ =	strace $0x90000046  }
0xb4: {  	s29 =	simm.s32 $0x9;
	_ =	strace $0x80000048  }
0xb5: {  	_ =	swait.ge [sflag:s29], $0x1  }
0xb6: {  	[sflag:s29] =	ssyncadd.s32 $0xFFFFFFFF  }
0xb7: {  	_ =	strace $0x90000048  }
0xb8: {  	_ =	sfence  }
0xb9: {  	s30 =	sld [smem:$0x0];
	_ =	sdelay $0x2  }
0xba: {  	s31 =	sshll.u32 s1, $0xD;
	s1 =	sshrl.u32 s1, $0x2  }
0xbb: {  	s3 =	sand.u32 $0x4000, s31;
	s1 =	sadd.s32 s1, s30  }
0xbc: {  	s0 =	sor.u32 s3, s0;
	s1 =	sshll.u32 s1, $0x11  }
0xbd: {  	s0 =	sor.u32 s1, s0  }
0xbe: {  	s0 =	sadd.s32 $0x8F2B, s0  }
0xbf: {  	[sflag:s0] =	ssyncadd.remote.s32 $0x1  }
0xc0: {  	_ =	sfence.sel $0xFFFF  }
0xc1: {  	[dreg:$0x0] =	wrdreg $0xFFFFFFFF;
	(pc) =	sbr.abs _section_cstart, $3  }
0xc2: {  	[dreg:$0x1] =	wrdreg $0xFFFFFFFF  }
0xc3: {  	_ =	task.clear_ibuf [dreg:s7], $0x2FFFF;
	_ =	strace $0x9FFFFFFF  }
0xc4: {  	(tm) =	ssettm $0x7FFFFFFF  }
0xc5: {  	_ =	shalt  }
tec
execute0_lowered:
.L_overlay_start_1:
0x0: {  	(tag) =	ssettag $0x1  }
0x1: {  	s0 =	rddreg [dreg:$0x0]  }
0x2: {  	s2 =	rddreg [dreg:$0x2]  }
0x3: {  	s3 =	rddreg [dreg:$0x3]  }
0x4: {  	s1 =	srdreg.scid;
	s10 =	simm.s32 $0x0;
	s8 =	stileid.u32  }
0x5: {  	s28 =	simm.s32 $0x1900;
	s29 =	simm.s32 $0x1980;
	s30 =	simm.s32 $0xA  }
0x6: {  	s31 =	simm.s32 $0xB;
	s1 =	sand.u32 $0x1, s1;
	[smem:$0x7FF] =	sst s10  }
0x7: {  	s5 =	smul.u32 $0x13C00, s8;
	s6 =	sadd.s32 $0x14400, s0;
	s7 =	sadd.s32 $0xA600, s0  }
0x8: {  	s13 =	sadd.s32 $0x800, s0;
	s14 =	sadd.s32 $0x19AE00, s0;
	s16 =	smul.u32 $0x5800, s8  }
0x9: {  	s19 =	smul.u32 $0x4F000, s8;
	_ =	strace $0x80000047;
	[dreg:$0x6] =	wrdreg s7  }
0xa: {  	s9 =	sadd.s32 $0x19B200, s0;
	s23 =	smul.u32 $0x2710, s8;
	[dreg:$0x7] =	wrdreg s13  }
0xb: {  	s21 =	sshll.u32 s8, $0x6;
	s8 =	smul.u32 $0x4E20, s8;
	[dreg:$0x8] =	wrdreg s14  }
0xc: {  	s4 =	smul.u32 $0x13C000, s1;
	s15 =	ssub.s32 $0x2, s1;
	[dreg:$0x9] =	wrdreg s9  }
0xd: {  	s1 =	smul.u32 $0x27100, s1;
	s11 =	sor.u32 $0x1C0E, s21;
	s9 =	simm.s32 $0x1D80  }
0xe: {  	s13 =	simm.s32 $0x4;
	s21 =	simm.s32 $0x5;
	s14 =	simm.s32 $0x8  }
0xf: {  	s17 =	sshrl.u32 s15, $0x1;
	s18 =	sshrl.u32 s16, $0x2;
	s22 =	sshrl.u32 s19, $0x2  }
0x10: {  	[dreg:$0xc] =	wrdreg s8;
	s16 =	simm.s32 $0x1D00;
	s8 =	simm.s32 $0x6  }
0x11: {  	s19 =	simm.s32 $0x7;
	[dreg:$0xb] =	wrdreg s11;
	s4 =	sadd.s32 s5, s4  }
0x12: {  	s20 =	sadd.s32 s18, s3;
	s5 =	sadd.s32 s22, s2;
	s1 =	sadd.s32 s23, s1  }
0x13: {  	s23 =	simm.s32 $0x50;
	s18 =	simm.s32 $0x1E80;
	s22 =	simm.s32 $0x2  }
0x14: {  	s4 =	sshrl.u32 s4, $0x3;
	s24 =	sadd.s32 $0xB00, s20;
	[dreg:$0xe] =	wrdreg s1  }
0x15: {  	[dreg:$0xa] =	wrdreg s20;
	s26 =	sshrl.u32 s20, $0x3;
	s12 =	sshrl.u32 s5, $0x3  }
0x16: {  	s5 =	simm.s32 $0x1E00;
	s20 =	simm.s32 $0x9;
	[dreg:$0xd] =	wrdreg s24  }
0x17: {  	s0 =	sadd.s32 s4, s0;
	s4 =	ssub.s32 s15, s17;
	[dreg:$0x11] =	wrdreg s26  }
0x18: {  	s17 =	simm.s32 $0xE;
	s24 =	simm.s32 $0x1800;
	s26 =	simm.s32 $0x1880  }
0x19: {  	s15 =	simm.s32 $0x1;
	[dreg:$0x12] =	wrdreg s12;
	s0 =	sadd.s32 $0x19DA00, s0  }
0x1a: {  	s25 =	smax.u32 s4, $0x1;
	s4 =	simm.s32 $0xD;
	[dreg:$0xf] =	wrdreg s0  }
0x1b: {  	v0 =	vimm.f32 $1.000000000e+00;
	[dreg:$0x10] =	wrdreg s25;
	s25 =	simm.s32 $0x9680;
	s0 =	simm.s32 $0xC  }
.LBB2_1:
0x1c: {  	[tilespmem:$0x9680] =	vst v0  }
0x1d: {  	[tilespmem:$0x9690] =	vst v0  }
0x1e: {  	[dreg:$0x5] =	wrdreg s10;
	[tilespmem:$0x96A0] =	vst v0  }
0x1f: {  	[tilespmem:$0x96B0] =	vst v0;
	s1 =	rddreg [dreg:$0x8]  }
0x20: {  	[tilespmem:$0x96C0] =	vst v0;
	s7 =	rddreg [dreg:$0x11]  }
0x21: {  	[spmem:s7], [sflag:s11] =	dma.local [hbm:s1], $0x2C0  }
0x22: {  	_ =	swait.ge [sflag:s17], $0x2C0  }
0x23: {  	[sflag:s17] =	ssyncset.done $0x0  }
0x24: {  	s10 =	rddreg [dreg:$0x9];
	[sflag:s17] =	ssyncadd.s32 $0xFFFFFD40  }
0x25: {  	[spmem:s12], [sflag:s11] =	dma.local [hbm:s10], $0x2780  }
0x26: {  	_ =	swait.ge [sflag:s17], $0x2780  }
0x27: {  	[sflag:s17] =	ssyncset.done $0x0  }
0x28: {  	[sflag:s17] =	ssyncadd.s32 $0xFFFFD880  }
0x29: {  	s12 =	simm.s32 $0x0;
	[bflag:$0x0] =	sbarrier.arrive $0xFFFF  }
.LBB2_2:
0x2a: {  	s1 =	smul.u32 $0x7D0, s12  }
0x2b: {  	s7 =	rddreg [dreg:$0xc]  }
0x2c: {  	s1 =	sadd.s32 s7, s1  }
0x2d: {  	s10 =	rddreg [dreg:$0x7];
	s1 =	sshrl.u32 s1, $0x3  }
0x2e: {  	s7 =	simm.s32 $0x800;
	s11 =	sadd.s32 s10, s1;
	s10 =	simm.s32 $0x0  }
0x2f: {  	[tilespmem:s7], [sflag:$0xE] =	stream.linear.gather [hbm4b:s11+s10], $0x7D0, $0x38;
	[tilespmem:$0x1F400] =	vst v63  }
0x30: {  	_ =	swait.ge [sflag:s17], $0x7D0  }
0x31: {  	[sflag:s17] =	ssyncset.done $0x0  }
0x32: {  	[sflag:s17] =	ssyncadd.s32 $0xFFFFF830  }
0x33: {  	s11 =	rddreg [dreg:$0x1]  }
0x34: {  	s1 =	sadd.s32 s11, s1;
	s11 =	simm.s32 $0x1000  }
0x35: {  	[tilespmem:s11], [sflag:$0xE] =	stream.linear.gather [hbm4b:s1+s10], $0x7D0, $0x38;
	[tilespmem:$0x1F400] =	vst v63  }
0x36: {  	_ =	swait.ge [sflag:s17], $0x7D0  }
0x37: {  	[sflag:s17] =	ssyncset.done $0x0  }
0x38: {  	s1 =	simm.s32 $0x0;
	[sflag:s17] =	ssyncadd.s32 $0xFFFFF830  }
0x39: {  	v2 =	vld [tilespmem:s1+$0x800];
	_ =	sdelay $0x1  }
0x3a: {  	v1 =	vld [tilespmem:s1+$0x1000];
	_ =	sdelay $0x2  }
0x3b: {  	v2 =	vmul.u32 $0x9, v2  }
0x3c: {  	s11 =	simm.s32 $0x10;
	s17 =	simm.s32 $0x80  }
.LBB2_3:
0x3d: {  	p0 =	sne.s32 s17, $0x1F00;
	v3 =	vld [tilespmem:s11+$0x800];
	v1 =	vadd.s32 v1, v2  }
0x3e: {  	[tilespmem:s1+$0x1000] =	vst v1;
	s1 =	smov.u32 s11  }
.Ltmp0:
0x3f: {  	v1 =	vld [tilespmem:s1+$0x1000];
	(pc) =	sbr.rel @p0 .LBB2_3-.Ltmp0, $3  }
0x40: {  	_ =	sdelay $0x1  }
0x41: {  	v2 =	vmul.u32 $0x9, v3  }
0x42: {  	s11 =	sshra.s32 s17, $0x2;
	s17 =	sadd.s32 $0x40, s17  }
0x43: {  	v3 =	vld [tilespmem:s11+$0x800];
	v1 =	vadd.s32 v1, v2  }
0x44: {  	[tilespmem:s1+$0x1000] =	vst v1  }
0x45: {  	v1 =	vld [tilespmem:s11+$0x1000];
	_ =	sdelay $0x2  }
0x46: {  	v2 =	vmul.u32 $0x9, v3;
	_ =	sdelay $0x1  }
0x47: {  	v1 =	vadd.s32 v1, v2  }
0x48: {  	s1 =	simm.s32 $0x10A0;
	[tilespmem:s11+$0x1000] =	vst v1  }
0x49: {  	v1 =	vld [tilespmem:s1+$0xFFFFFF60];
	_ =	sdelay $0x4  }
0x4a: {  	[tilespmem:$0x1800] =	vst v1  }
0x4b: {  	v1 =	vld [tilespmem:s1+$0xFFFFFF70];
	_ =	sdelay $0x4  }
0x4c: {  	[tilespmem:$0x1810] =	vst v1  }
0x4d: {  	v1 =	vld [tilespmem:s1+$0xFFFFFF80];
	_ =	sdelay $0x4  }
0x4e: {  	[tilespmem:$0x1820] =	vst v1  }
0x4f: {  	v1 =	vld [tilespmem:s1+$0xFFFFFF90];
	_ =	sdelay $0x4  }
0x50: {  	[tilespmem:$0x1830] =	vst v1  }
0x51: {  	v1 =	vld [tilespmem:s1+$0xFFFFFFA0];
	_ =	sdelay $0x4  }
0x52: {  	[tilespmem:$0x1840] =	vst v1  }
0x53: {  	[spmem:s3] =	stream.indirect.scatter.add.f32 [tilespmem:s25], [sflag:$0xA], $0x1, s24, s23, $0xb8;
	[tilespmem:$0x1F400] =	vst v63  }
0x54: {  	v1 =	vld [tilespmem:s1+$0xFFFFFFB0];
	_ =	sdelay $0x4  }
0x55: {  	[tilespmem:$0x1880] =	vst v1  }
0x56: {  	v1 =	vld [tilespmem:s1+$0xFFFFFFC0];
	_ =	sdelay $0x4  }
0x57: {  	[tilespmem:$0x1890] =	vst v1  }
0x58: {  	v1 =	vld [tilespmem:s1+$0xFFFFFFD0];
	_ =	sdelay $0x4  }
0x59: {  	s10 =	sand.u32 $0xFC0, s10;
	[tilespmem:$0x18A0] =	vst v1  }
0x5a: {  	v1 =	vld [tilespmem:s10+$0x1080];
	_ =	sdelay $0x4  }
0x5b: {  	[tilespmem:$0x18B0] =	vst v1  }
0x5c: {  	v1 =	vld [tilespmem:s1+$0xFFFFFFF0];
	_ =	sdelay $0x4  }
0x5d: {  	[tilespmem:$0x18C0] =	vst v1  }
0x5e: {  	[spmem:s3] =	stream.indirect.scatter.add.f32 [tilespmem:s25], [sflag:$0xB], $0x1, s26, s23, $0xb8;
	[tilespmem:$0x1F400] =	vst v63  }
0x5f: {  	v1 =	vld [tilespmem:s1+$0x0];
	_ =	sdelay $0x4  }
0x60: {  	[tilespmem:$0x1900] =	vst v1  }
0x61: {  	v1 =	vld [tilespmem:s1+$0x10];
	_ =	sdelay $0x4  }
0x62: {  	[tilespmem:$0x1910] =	vst v1  }
0x63: {  	v1 =	vld [tilespmem:s1+$0x20];
	_ =	sdelay $0x4  }
0x64: {  	[tilespmem:$0x1920] =	vst v1  }
0x65: {  	v1 =	vld [tilespmem:s1+$0x30];
	_ =	sdelay $0x4  }
0x66: {  	[tilespmem:$0x1930] =	vst v1  }
0x67: {  	v1 =	vld [tilespmem:s1+$0x40];
	_ =	sdelay $0x4  }
0x68: {  	[tilespmem:$0x1940] =	vst v1  }
0x69: {  	[spmem:s3] =	stream.indirect.scatter.add.f32 [tilespmem:s25], [sflag:$0xC], $0x1, s28, s23, $0xb8;
	[tilespmem:$0x1F400] =	vst v63  }
0x6a: {  	v1 =	vld [tilespmem:s1+$0x50];
	_ =	sdelay $0x4  }
0x6b: {  	[tilespmem:$0x1980] =	vst v1  }
0x6c: {  	v1 =	vld [tilespmem:s10+$0x1100];
	_ =	sdelay $0x4  }
0x6d: {  	[tilespmem:$0x1990] =	vst v1  }
0x6e: {  	v1 =	vld [tilespmem:s1+$0x70];
	_ =	sdelay $0x4  }
0x6f: {  	[tilespmem:$0x19A0] =	vst v1  }
0x70: {  	v1 =	vld [tilespmem:s1+$0x80];
	_ =	sdelay $0x4  }
0x71: {  	[tilespmem:$0x19B0] =	vst v1  }
0x72: {  	v1 =	vld [tilespmem:s1+$0x90];
	_ =	sdelay $0x4  }
0x73: {  	[tilespmem:$0x19C0] =	vst v1  }
0x74: {  	[spmem:s3] =	stream.indirect.scatter.add.f32 [tilespmem:s25], [sflag:$0xD], $0x1, s29, s23, $0xb8;
	[tilespmem:$0x1F400] =	vst v63  }
0x75: {  	_ =	swait.ge [sflag:s30], $0x50  }
0x76: {  	[sflag:s30] =	ssyncset.done $0x0  }
0x77: {  	[sflag:s30] =	ssyncadd.s32 $0xFFFFFFB0  }
0x78: {  	_ =	swait.ge [sflag:s31], $0x50  }
0x79: {  	[sflag:s31] =	ssyncset.done $0x0  }
0x7a: {  	[sflag:s31] =	ssyncadd.s32 $0xFFFFFFB0  }
0x7b: {  	_ =	swait.ge [sflag:s0], $0x50  }
0x7c: {  	[sflag:s0] =	ssyncset.done $0x0  }
0x7d: {  	[sflag:s0] =	ssyncadd.s32 $0xFFFFFFB0  }
0x7e: {  	_ =	swait.ge [sflag:s4], $0x50  }
0x7f: {  	s10 =	simm.s32 $0x140;
	[sflag:s4] =	ssyncset.done $0x0  }
.LBB2_5:
0x80: {  	p0 =	sne.s32 s10, $0x640;
	[sflag:s4] =	ssyncadd.s32 $0xFFFFFFB0;
	s1 =	sadd.s32 $0x140, s1  }
0x81: {  	s11 =	smov.u32 s10;
	s10 =	sadd.s32 $0x140, s10;
	v1 =	vld [tilespmem:s1+$0xFFFFFF60];
	_ =	sdelay $0x4  }
0x82: {  	[tilespmem:$0x1800] =	vst v1  }
0x83: {  	v1 =	vld [tilespmem:s1+$0xFFFFFF70];
	_ =	sdelay $0x4  }
0x84: {  	[tilespmem:$0x1810] =	vst v1  }
0x85: {  	v1 =	vld [tilespmem:s1+$0xFFFFFF80];
	_ =	sdelay $0x4  }
0x86: {  	[tilespmem:$0x1820] =	vst v1  }
0x87: {  	v1 =	vld [tilespmem:s1+$0xFFFFFF90];
	_ =	sdelay $0x4  }
0x88: {  	[tilespmem:$0x1830] =	vst v1  }
0x89: {  	v1 =	vld [tilespmem:s1+$0xFFFFFFA0];
	_ =	sdelay $0x4  }
0x8a: {  	[tilespmem:$0x1840] =	vst v1  }
0x8b: {  	[spmem:s3] =	stream.indirect.scatter.add.f32 [tilespmem:s25], [sflag:$0xA], $0x1, s24, s23, $0xb8;
	[tilespmem:$0x1F400] =	vst v63  }
0x8c: {  	v1 =	vld [tilespmem:s1+$0xFFFFFFB0];
	_ =	sdelay $0x4  }
0x8d: {  	[tilespmem:$0x1880] =	vst v1  }
0x8e: {  	v1 =	vld [tilespmem:s1+$0xFFFFFFC0];
	_ =	sdelay $0x4  }
0x8f: {  	[tilespmem:$0x1890] =	vst v1  }
0x90: {  	v1 =	vld [tilespmem:s1+$0xFFFFFFD0];
	_ =	sdelay $0x4  }
0x91: {  	s11 =	sand.u32 $0xFC0, s11;
	[tilespmem:$0x18A0] =	vst v1  }
0x92: {  	v1 =	vld [tilespmem:s11+$0x1080];
	_ =	sdelay $0x4  }
0x93: {  	[tilespmem:$0x18B0] =	vst v1  }
0x94: {  	v1 =	vld [tilespmem:s1+$0xFFFFFFF0];
	_ =	sdelay $0x4  }
0x95: {  	[tilespmem:$0x18C0] =	vst v1  }
0x96: {  	[spmem:s3] =	stream.indirect.scatter.add.f32 [tilespmem:s25], [sflag:$0xB], $0x1, s26, s23, $0xb8;
	[tilespmem:$0x1F400] =	vst v63  }
0x97: {  	v1 =	vld [tilespmem:s1+$0x0];
	_ =	sdelay $0x4  }
0x98: {  	[tilespmem:$0x1900] =	vst v1  }
0x99: {  	v1 =	vld [tilespmem:s1+$0x10];
	_ =	sdelay $0x4  }
0x9a: {  	[tilespmem:$0x1910] =	vst v1  }
0x9b: {  	v1 =	vld [tilespmem:s1+$0x20];
	_ =	sdelay $0x4  }
0x9c: {  	[tilespmem:$0x1920] =	vst v1  }
0x9d: {  	v1 =	vld [tilespmem:s1+$0x30];
	_ =	sdelay $0x4  }
0x9e: {  	[tilespmem:$0x1930] =	vst v1  }
0x9f: {  	v1 =	vld [tilespmem:s1+$0x40];
	_ =	sdelay $0x4  }
0xa0: {  	[tilespmem:$0x1940] =	vst v1  }
0xa1: {  	[spmem:s3] =	stream.indirect.scatter.add.f32 [tilespmem:s25], [sflag:$0xC], $0x1, s28, s23, $0xb8;
	[tilespmem:$0x1F400] =	vst v63  }
0xa2: {  	v1 =	vld [tilespmem:s1+$0x50];
	_ =	sdelay $0x4  }
0xa3: {  	[tilespmem:$0x1980] =	vst v1  }
0xa4: {  	v1 =	vld [tilespmem:s11+$0x1100];
	_ =	sdelay $0x4  }
0xa5: {  	[tilespmem:$0x1990] =	vst v1  }
0xa6: {  	v1 =	vld [tilespmem:s1+$0x70];
	_ =	sdelay $0x4  }
0xa7: {  	[tilespmem:$0x19A0] =	vst v1  }
0xa8: {  	v1 =	vld [tilespmem:s1+$0x80];
	_ =	sdelay $0x4  }
0xa9: {  	[tilespmem:$0x19B0] =	vst v1  }
0xaa: {  	v1 =	vld [tilespmem:s1+$0x90];
	_ =	sdelay $0x4  }
0xab: {  	[tilespmem:$0x19C0] =	vst v1  }
0xac: {  	[spmem:s3] =	stream.indirect.scatter.add.f32 [tilespmem:s25], [sflag:$0xD], $0x1, s29, s23, $0xb8;
	[tilespmem:$0x1F400] =	vst v63  }
0xad: {  	_ =	swait.ge [sflag:s30], $0x50  }
0xae: {  	[sflag:s30] =	ssyncset.done $0x0  }
0xaf: {  	[sflag:s30] =	ssyncadd.s32 $0xFFFFFFB0  }
0xb0: {  	_ =	swait.ge [sflag:s31], $0x50  }
0xb1: {  	[sflag:s31] =	ssyncset.done $0x0  }
0xb2: {  	[sflag:s31] =	ssyncadd.s32 $0xFFFFFFB0  }
.Ltmp1:
0xb3: {  	_ =	swait.ge [sflag:s0], $0x50;
	(pc) =	sbr.rel @p0 .LBB2_5-.Ltmp1, $4  }
0xb4: {  	[sflag:s0] =	ssyncset.done $0x0  }
0xb5: {  	[sflag:s0] =	ssyncadd.s32 $0xFFFFFFB0  }
0xb6: {  	_ =	swait.ge [sflag:s4], $0x50  }
0xb7: {  	[sflag:s4] =	ssyncset.done $0x0  }
0xb8: {  	[sflag:s4] =	ssyncadd.s32 $0xFFFFFFB0  }
0xb9: {  	v1 =	vld [tilespmem:$0x1780]  }
0xba: {  	v2 =	vld [tilespmem:$0x1790]  }
0xbb: {  	v3 =	vld [tilespmem:$0x17A0]  }
0xbc: {  	v4 =	vld [tilespmem:$0x17B0]  }
0xbd: {  	v5 =	vld [tilespmem:$0x17C0]  }
0xbe: {  	[tilespmem:$0x1800] =	vst v1  }
0xbf: {  	[tilespmem:$0x1810] =	vst v2  }
0xc0: {  	s12 =	sadd.s32 $0x1, s12;
	[tilespmem:$0x1820] =	vst v3  }
0xc1: {  	p0 =	sne.s32 s12, $0xA;
	[tilespmem:$0x1830] =	vst v4  }
.Ltmp2:
0xc2: {  	[tilespmem:$0x1840] =	vst v5;
	(pc) =	sbr.rel @p0 .LBB2_2-.Ltmp2, $4  }
0xc3: {  	[spmem:s3] =	stream.indirect.scatter.add.f32 [tilespmem:s25], [sflag:$0xA], $0x1, s24, s23, $0xb8;
	[tilespmem:$0x1F400] =	vst v63  }
0xc4: {  	_ =	swait.ge [sflag:s30], $0x50  }
0xc5: {  	[sflag:s30] =	ssyncset.done $0x0  }
0xc6: {  	s17 =	simm.s32 $0xE;
	[sflag:s30] =	ssyncadd.s32 $0xFFFFFFB0  }
0xc7: {  	[bflag:$0x0] =	sbarrier.arrive $0xFFFF  }
0xc8: {  	s7 =	simm.s32 $0x9700;
	s1 =	rddreg [dreg:$0xa]  }
0xc9: {  	[tilespmem:s7], [sflag:$0xE] =	stream.linear.gather [spmem:s1], $0xB00, $0x38;
	[tilespmem:$0x1F400] =	vst v63  }
0xca: {  	_ =	swait.ge [sflag:s17], $0xB00  }
0xcb: {  	[sflag:s17] =	ssyncset.done $0x0  }
0xcc: {  	s10 =	simm.s32 $0x40;
	s1 =	simm.s32 $0x0;
	[sflag:s17] =	ssyncadd.s32 $0xFFFFF500  }
.LBB2_8:
0xcd: {  	p0 =	sne.s32 s10, $0x2BC0;
	v1 =	vld [tilespmem:s1+$0x9700];
	_ =	sdelay $0x4  }
0xce: {  	v1 =	vmax.f32 v1, $1.000000000e+00  }
0xcf: {  	(erf) = vrcp.f32 v1;
	_ =	sdelay $0x5  }
.Ltmp3:
0xd0: {  	(pc) =	sbr.rel @p0 .LBB2_8-.Ltmp3, $3  }
0xd1: {  	_ =	sdelay $0x1  }
0xd2: {  	v1 =	vpop (erf)  }
0xd3: {  	[tilespmem:s1+$0x9700] =	vst v1;
	s1 =	sshra.s32 s10, $0x2;
	s10 =	sadd.s32 $0x40, s10  }
0xd4: {  	v1 =	vld [tilespmem:s1+$0x9700];
	_ =	sdelay $0x4  }
0xd5: {  	v1 =	vmax.f32 v1, $1.000000000e+00  }
0xd6: {  	(erf) = vrcp.f32 v1;
	_ =	sdelay $0x8  }
0xd7: {  	v1 =	vpop (erf)  }
0xd8: {  	s11 =	rddreg [dreg:$0xa];
	[tilespmem:s1+$0x9700] =	vst v1  }
0xd9: {  	[spmem:s11] =	stream.linear.scatter [tilespmem:s7], [sflag:$0xE], $0xB00, $0x38;
	[tilespmem:$0x1F400] =	vst v63  }
0xda: {  	_ =	swait.ge [sflag:s17], $0xB00  }
0xdb: {  	[sflag:s17] =	ssyncset.done $0x0  }
0xdc: {  	s12 =	rddreg [dreg:$0xd];
	[sflag:s17] =	ssyncadd.s32 $0xFFFFF500  }
0xdd: {  	[tilespmem:s7], [sflag:$0xE] =	stream.linear.gather [spmem:s12], $0xB00, $0x38;
	[tilespmem:$0x1F400] =	vst v63  }
0xde: {  	_ =	swait.ge [sflag:s17], $0xB00  }
0xdf: {  	[sflag:s17] =	ssyncset.done $0x0  }
0xe0: {  	s10 =	simm.s32 $0x40;
	s1 =	simm.s32 $0x0;
	[sflag:s17] =	ssyncadd.s32 $0xFFFFF500  }
.LBB2_10:
0xe1: {  	p0 =	sne.s32 s10, $0x2BC0;
	v1 =	vld [tilespmem:s1+$0x9700];
	_ =	sdelay $0x4  }
0xe2: {  	v1 =	vmax.f32 v1, $1.000000000e+00  }
0xe3: {  	(erf) = vrcp.f32 v1;
	_ =	sdelay $0x5  }
.Ltmp4:
0xe4: {  	(pc) =	sbr.rel @p0 .LBB2_10-.Ltmp4, $3  }
0xe5: {  	_ =	sdelay $0x1  }
0xe6: {  	v1 =	vpop (erf)  }
0xe7: {  	[tilespmem:s1+$0x9700] =	vst v1;
	s1 =	sshra.s32 s10, $0x2;
	s10 =	sadd.s32 $0x40, s10  }
0xe8: {  	v1 =	vld [tilespmem:s1+$0x9700];
	_ =	sdelay $0x4  }
0xe9: {  	v1 =	vmax.f32 v1, $1.000000000e+00  }
0xea: {  	(erf) = vrcp.f32 v1;
	_ =	sdelay $0x8  }
0xeb: {  	v1 =	vpop (erf)  }
0xec: {  	s12 =	rddreg [dreg:$0xd];
	[tilespmem:s1+$0x9700] =	vst v1  }
0xed: {  	[spmem:s12] =	stream.linear.scatter [tilespmem:s7], [sflag:$0xE], $0xB00, $0x38;
	[tilespmem:$0x1F400] =	vst v63  }
0xee: {  	_ =	swait.ge [sflag:s17], $0xB00  }
0xef: {  	[sflag:s17] =	ssyncset.done $0x0  }
0xf0: {  	[sflag:s17] =	ssyncadd.s32 $0xFFFFF500  }
0xf1: {  	s1 =	simm.s32 $0x0;
	[bflag:$0x0] =	sbarrier.arrive $0xFFFF  }
.LBB2_12:
0xf2: {  	s10 =	smul.u32 $0x7D0, s1  }
0xf3: {  	s7 =	rddreg [dreg:$0xe]  }
0xf4: {  	[dreg:$0x13] =	wrdreg s1;
	s1 =	sadd.s32 s10, s7  }
0xf5: {  	s11 =	rddreg [dreg:$0x6];
	s1 =	sshrl.u32 s1, $0x3  }
0xf6: {  	s10 =	sadd.s32 s11, s1;
	s11 =	simm.s32 $0x0  }
0xf7: {  	[tilespmem:s11], [sflag:$0xE] =	stream.linear.gather [hbm4b:s10+s11], $0x7D0, $0x38;
	[tilespmem:$0x1F400] =	vst v63  }
0xf8: {  	_ =	swait.ge [sflag:s17], $0x7D0  }
0xf9: {  	[sflag:s17] =	ssyncset.done $0x0;
	s12 =	rddreg [dreg:$0x7]  }
0xfa: {  	[sflag:s17] =	ssyncadd.s32 $0xFFFFF830;
	s7 =	sadd.s32 s12, s1;
	s12 =	simm.s32 $0x800  }
0xfb: {  	[tilespmem:s12], [sflag:$0xE] =	stream.linear.gather [hbm4b:s7+s11], $0x7D0, $0x38;
	[tilespmem:$0x1F400] =	vst v63  }
0xfc: {  	_ =	swait.ge [sflag:s17], $0x7D0  }
0xfd: {  	[sflag:s17] =	ssyncset.done $0x0  }
0xfe: {  	[sflag:s17] =	ssyncadd.s32 $0xFFFFF830  }
0xff: {  	s10 =	rddreg [dreg:$0x1]  }
0x100: {  	s12 =	simm.s32 $0x1000;
	s1 =	sadd.s32 s10, s1  }
0x101: {  	[tilespmem:s12], [sflag:$0xE] =	stream.linear.gather [hbm4b:s1+s11], $0x7D0, $0x38;
	[tilespmem:$0x1F400] =	vst v63  }
0x102: {  	_ =	swait.ge [sflag:s17], $0x7D0  }
0x103: {  	[sflag:s17] =	ssyncset.done $0x0  }
0x104: {  	s10 =	simm.s32 $0x0;
	[sflag:s17] =	ssyncadd.s32 $0xFFFFF830  }
0x105: {  	v1 =	vld [tilespmem:s10+$0x800];
	_ =	sdelay $0x1  }
0x106: {  	v2 =	vld [tilespmem:s10+$0x1000];
	_ =	sdelay $0x1  }
0x107: {  	v3 =	vld [tilespmem:s10+$0x0]  }
0x108: {  	v4 =	vmul.u32 $0x9, v1  }
0x109: {  	s1 =	simm.s32 $0x10  }
0x10a: {  	v1 =	vld [tilespmem:s1+$0x800];
	v5 =	vmul.u32 $0x2710, v2;
	v2 =	vadd.s32 v2, v4  }
0x10b: {  	[tilespmem:s10+$0x1000] =	vst v2  }
0x10c: {  	s11 =	simm.s32 $0x80;
	v3 =	vadd.s32 v3, v5;
	v2 =	vld [tilespmem:s1+$0x1000]  }
.LBB2_13:
0x10d: {  	p0 =	sne.s32 s11, $0x1F00;
	[tilespmem:s10+$0x0] =	vst v3;
	s12 =	smov.u32 s11;
	s11 =	sadd.s32 $0x40, s11  }
0x10e: {  	s10 =	smov.u32 s1;
	v3 =	vld [tilespmem:s1+$0x0]  }
.Ltmp5:
0x10f: {  	v4 =	vmul.u32 $0x9, v1;
	(pc) =	sbr.rel @p0 .LBB2_13-.Ltmp5, $4  }
0x110: {  	s1 =	sshra.s32 s12, $0x2  }
0x111: {  	v1 =	vld [tilespmem:s1+$0x800];
	v5 =	vmul.u32 $0x2710, v2;
	v2 =	vadd.s32 v2, v4  }
0x112: {  	[tilespmem:s10+$0x1000] =	vst v2  }
0x113: {  	v2 =	vld [tilespmem:s1+$0x1000];
	v3 =	vadd.s32 v3, v5  }
0x114: {  	[tilespmem:s10+$0x0] =	vst v3  }
0x115: {  	v3 =	vld [tilespmem:s1+$0x0];
	_ =	sdelay $0x1  }
0x116: {  	v1 =	vmul.u32 $0x9, v1  }
0x117: {  	v4 =	vmul.u32 $0x2710, v2  }
0x118: {  	v1 =	vadd.s32 v2, v1  }
0x119: {  	[tilespmem:s1+$0x1000] =	vst v1;
	v1 =	vadd.s32 v3, v4  }
0x11a: {  	s12 =	simm.s32 $0x0;
	s11 =	simm.s32 $0x6E80;
	[tilespmem:s1+$0x0] =	vst v1  }
.LBB2_15:
0x11b: {  	s1 =	smul.u32 $0xF0, s12;
	_ =	sdelay $0x1  }
0x11c: {  	v1 =	vld [tilespmem:s1+$0x800];
	_ =	sdelay $0x4  }
0x11d: {  	[tilespmem:$0x1800] =	vst v1  }
0x11e: {  	v1 =	vld [tilespmem:s1+$0x0];
	_ =	sdelay $0x4  }
0x11f: {  	[tilespmem:$0x1A00] =	vst v1  }
0x120: {  	v1 =	vld [tilespmem:s1+$0x1000];
	_ =	sdelay $0x4  }
0x121: {  	[tilespmem:$0x1B80] =	vst v1  }
0x122: {  	v1 =	vld [tilespmem:s1+$0x810];
	_ =	sdelay $0x4  }
0x123: {  	[tilespmem:$0x1810] =	vst v1  }
0x124: {  	v1 =	vld [tilespmem:s1+$0x10];
	_ =	sdelay $0x4  }
0x125: {  	[tilespmem:$0x1A10] =	vst v1  }
0x126: {  	v1 =	vld [tilespmem:s1+$0x1010];
	_ =	sdelay $0x4  }
0x127: {  	[tilespmem:$0x1B90] =	vst v1  }
0x128: {  	v1 =	vld [tilespmem:s1+$0x820];
	_ =	sdelay $0x4  }
0x129: {  	[tilespmem:$0x1820] =	vst v1  }
0x12a: {  	v1 =	vld [tilespmem:s1+$0x20];
	_ =	sdelay $0x4  }
0x12b: {  	[tilespmem:$0x1A20] =	vst v1  }
0x12c: {  	v1 =	vld [tilespmem:s1+$0x1020];
	_ =	sdelay $0x4  }
0x12d: {  	[tilespmem:$0x1BA0] =	vst v1  }
0x12e: {  	v1 =	vld [tilespmem:s1+$0x830];
	_ =	sdelay $0x4  }
0x12f: {  	[tilespmem:$0x1830] =	vst v1  }
0x130: {  	v1 =	vld [tilespmem:s1+$0x30];
	_ =	sdelay $0x4  }
0x131: {  	[tilespmem:$0x1A30] =	vst v1  }
0x132: {  	v1 =	vld [tilespmem:s1+$0x1030];
	_ =	sdelay $0x4  }
0x133: {  	[tilespmem:$0x1BB0] =	vst v1  }
0x134: {  	v1 =	vld [tilespmem:s1+$0x840];
	_ =	sdelay $0x4  }
0x135: {  	[tilespmem:$0x1840] =	vst v1  }
0x136: {  	v1 =	vld [tilespmem:s1+$0x40];
	_ =	sdelay $0x4  }
0x137: {  	[tilespmem:$0x1A40] =	vst v1  }
0x138: {  	v1 =	vld [tilespmem:s1+$0x1040];
	_ =	sdelay $0x4  }
0x139: {  	s7 =	simm.s32 $0x1B80;
	[tilespmem:$0x1BC0] =	vst v1  }
0x13a: {  	[tilespmem:s16], [sflag:$0x4] =	stream.indirect.gather [spmem:s3], $0x1, s7, s23, $0xb8;
	[tilespmem:$0x1F400] =	vst v63  }
0x13b: {  	s10 =	simm.s32 $0x1A00  }
0x13c: {  	[tilespmem:s18], [sflag:$0x1] =	stream.indirect.gather [hbm4b:s6+s23], $0x80, s10, s23, $0xb8;
	[tilespmem:$0x1F400] =	vst v63  }
0x13d: {  	v1 =	vld [tilespmem:s1+$0x850];
	_ =	sdelay $0x4  }
0x13e: {  	[tilespmem:$0x1880] =	vst v1  }
0x13f: {  	v1 =	vld [tilespmem:s1+$0x50];
	_ =	sdelay $0x4  }
0x140: {  	[tilespmem:$0x1A80] =	vst v1  }
0x141: {  	v1 =	vld [tilespmem:s1+$0x1050];
	_ =	sdelay $0x4  }
0x142: {  	[tilespmem:$0x1C00] =	vst v1  }
0x143: {  	v1 =	vld [tilespmem:s1+$0x860];
	_ =	sdelay $0x4  }
0x144: {  	[tilespmem:$0x1890] =	vst v1  }
0x145: {  	v1 =	vld [tilespmem:s1+$0x60];
	_ =	sdelay $0x4  }
0x146: {  	[tilespmem:$0x1A90] =	vst v1  }
0x147: {  	v1 =	vld [tilespmem:s1+$0x1060];
	_ =	sdelay $0x4  }
0x148: {  	[tilespmem:$0x1C10] =	vst v1  }
0x149: {  	v1 =	vld [tilespmem:s1+$0x870];
	_ =	sdelay $0x4  }
0x14a: {  	[tilespmem:$0x18A0] =	vst v1  }
0x14b: {  	v1 =	vld [tilespmem:s1+$0x70];
	_ =	sdelay $0x4  }
0x14c: {  	[tilespmem:$0x1AA0] =	vst v1  }
0x14d: {  	v1 =	vld [tilespmem:s1+$0x1070];
	_ =	sdelay $0x4  }
0x14e: {  	s10 =	sand.u32 $0x7F0, s1;
	[tilespmem:$0x1C20] =	vst v1  }
0x14f: {  	v1 =	vld [tilespmem:s10+$0x880];
	_ =	sdelay $0x4  }
0x150: {  	[tilespmem:$0x18B0] =	vst v1  }
0x151: {  	v1 =	vld [tilespmem:s10+$0x80];
	_ =	sdelay $0x4  }
0x152: {  	[tilespmem:$0x1AB0] =	vst v1  }
0x153: {  	v1 =	vld [tilespmem:s10+$0x1080];
	_ =	sdelay $0x4  }
0x154: {  	[tilespmem:$0x1C30] =	vst v1  }
0x155: {  	v1 =	vld [tilespmem:s1+$0x890];
	_ =	sdelay $0x4  }
0x156: {  	[tilespmem:$0x18C0] =	vst v1  }
0x157: {  	v1 =	vld [tilespmem:s1+$0x90];
	_ =	sdelay $0x4  }
0x158: {  	[tilespmem:$0x1AC0] =	vst v1  }
0x159: {  	v1 =	vld [tilespmem:s1+$0x1090];
	_ =	sdelay $0x4  }
0x15a: {  	s17 =	simm.s32 $0x1C00;
	[tilespmem:$0x1C40] =	vst v1  }
0x15b: {  	[tilespmem:s9], [sflag:$0x5] =	stream.indirect.gather [spmem:s3], $0x1, s17, s23, $0xb8;
	[tilespmem:$0x1F400] =	vst v63  }
0x15c: {  	s10 =	simm.s32 $0x1A80;
	s17 =	simm.s32 $0x4680  }
0x15d: {  	[tilespmem:s17], [sflag:$0x2] =	stream.indirect.gather [hbm4b:s6+s23], $0x80, s10, s23, $0xb8;
	[tilespmem:$0x1F400] =	vst v63  }
0x15e: {  	v1 =	vld [tilespmem:s1+$0x8A0];
	_ =	sdelay $0x4  }
0x15f: {  	[tilespmem:$0x1900] =	vst v1  }
0x160: {  	v1 =	vld [tilespmem:s1+$0xA0];
	_ =	sdelay $0x4  }
0x161: {  	[tilespmem:$0x1B00] =	vst v1  }
0x162: {  	v1 =	vld [tilespmem:s1+$0x10A0];
	_ =	sdelay $0x4  }
0x163: {  	[tilespmem:$0x1C80] =	vst v1  }
0x164: {  	v1 =	vld [tilespmem:s1+$0x8B0];
	_ =	sdelay $0x4  }
0x165: {  	[tilespmem:$0x1910] =	vst v1  }
0x166: {  	v1 =	vld [tilespmem:s1+$0xB0];
	_ =	sdelay $0x4  }
0x167: {  	[tilespmem:$0x1B10] =	vst v1  }
0x168: {  	v1 =	vld [tilespmem:s1+$0x10B0];
	_ =	sdelay $0x4  }
0x169: {  	[tilespmem:$0x1C90] =	vst v1  }
0x16a: {  	v1 =	vld [tilespmem:s1+$0x8C0];
	_ =	sdelay $0x4  }
0x16b: {  	[tilespmem:$0x1920] =	vst v1  }
0x16c: {  	v1 =	vld [tilespmem:s1+$0xC0];
	_ =	sdelay $0x4  }
0x16d: {  	[tilespmem:$0x1B20] =	vst v1  }
0x16e: {  	v1 =	vld [tilespmem:s1+$0x10C0];
	_ =	sdelay $0x4  }
0x16f: {  	[tilespmem:$0x1CA0] =	vst v1  }
0x170: {  	v1 =	vld [tilespmem:s1+$0x8D0];
	_ =	sdelay $0x4  }
0x171: {  	[tilespmem:$0x1930] =	vst v1  }
0x172: {  	v1 =	vld [tilespmem:s1+$0xD0];
	_ =	sdelay $0x4  }
0x173: {  	[tilespmem:$0x1B30] =	vst v1  }
0x174: {  	v1 =	vld [tilespmem:s1+$0x10D0];
	_ =	sdelay $0x4  }
0x175: {  	[tilespmem:$0x1CB0] =	vst v1  }
0x176: {  	v1 =	vld [tilespmem:s1+$0x8E0];
	_ =	sdelay $0x4  }
0x177: {  	[tilespmem:$0x1940] =	vst v1  }
0x178: {  	v1 =	vld [tilespmem:s1+$0xE0];
	_ =	sdelay $0x4  }
0x179: {  	[tilespmem:$0x1B40] =	vst v1  }
0x17a: {  	v1 =	vld [tilespmem:s1+$0x10E0];
	_ =	sdelay $0x4  }
0x17b: {  	s17 =	simm.s32 $0x1C80;
	[tilespmem:$0x1CC0] =	vst v1  }
0x17c: {  	[tilespmem:s5], [sflag:$0x6] =	stream.indirect.gather [spmem:s3], $0x1, s17, s23, $0xb8;
	[tilespmem:$0x1F400] =	vst v63  }
0x17d: {  	s7 =	simm.s32 $0x1B00;
	s10 =	simm.s32 $0x0  }
0x17e: {  	v1 =	vmov s10;
	[tilespmem:s11], [sflag:$0x3] =	stream.indirect.gather [hbm4b:s6+s23], $0x80, s7, s23, $0xb8;
	[tilespmem:$0x1F400] =	vst v63  }
0x17f: {  	v1 =	vand.u32 $0xFFFFFFFC, v1;
	_ =	swait.ge [sflag:s13], $0x50  }
0x180: {  	v1 =	vbroadcast v1, $0x0;
	[sflag:s13] =	ssyncset.done $0x0  }
0x181: {  	[sflag:s13] =	ssyncadd.s32 $0xFFFFFFB0  }
0x182: {  	_ =	swait.ge [sflag:s15], $0x2800  }
0x183: {  	[sflag:s15] =	ssyncset.done $0x0  }
0x184: {  	s1 =	simm.s32 $0x1F80;
	[sflag:s15] =	ssyncadd.s32 $0xFFFFD800  }
0x185: {  	v3 =	vld [tilespmem:s1+$0xFFFFFF70]  }
0x186: {  	v1 =	vld.idx.msk [tilespmem:v1+s16+$0x0], $0xffff  }
0x187: {  	v4 =	vld [tilespmem:s1+$0xFFFFFF00]  }
0x188: {  	v5 =	vld [tilespmem:s1+$0xFFFFFF20]  }
0x189: {  	v6 =	vld [tilespmem:s1+$0xFFFFFF30]  }
0x18a: {  	v2 =	vld [tilespmem:s1+$0xFFFFFF50]  }
0x18b: {  	v8 =	vld [tilespmem:s1+$0xFFFFFF10];
	v3 =	vmul.f32 v3, v1  }
0x18c: {  	s11 =	simm.s32 $0x1;
	v7 =	vld [tilespmem:s1+$0xFFFFFF60];
	v4 =	vmul.f32 v4, v1  }
0x18d: {  	v9 =	vld [tilespmem:s1+$0xFFFFFF40];
	v5 =	vmul.f32 v5, v1;
	[tilespmem:s1+$0xFFFFFF70] =	vst v3;
	v3 =	vmov s11  }
0x18e: {  	v6 =	vmul.f32 v6, v1;
	[tilespmem:s1+$0xFFFFFF00] =	vst v4;
	v3 =	vand.u32 $0xFFFFFFFD, v3  }
0x18f: {  	v2 =	vmul.f32 v2, v1;
	[tilespmem:s1+$0xFFFFFF20] =	vst v5;
	v3 =	vbroadcast v3, $0x0  }
0x190: {  	v4 =	vmul.f32 v8, v1;
	[tilespmem:s1+$0xFFFFFF30] =	vst v6  }
0x191: {  	v5 =	vmul.f32 v7, v1;
	[tilespmem:s1+$0xFFFFFF50] =	vst v2  }
0x192: {  	v1 =	vmul.f32 v9, v1;
	[tilespmem:s1+$0xFFFFFF10] =	vst v4  }
0x193: {  	[tilespmem:s1+$0xFFFFFF60] =	vst v5  }
0x194: {  	[tilespmem:s1+$0xFFFFFF40] =	vst v1;
	v1 =	vld [tilespmem:s1+$0xFFFFFF80]  }
0x195: {  	v3 =	vld.idx.msk [tilespmem:v3+s16+$0x0], $0xffff  }
0x196: {  	v2 =	vld [tilespmem:s1+$0xFFFFFFA0]  }
0x197: {  	v4 =	vld [tilespmem:s1+$0xFFFFFF90]  }
0x198: {  	v5 =	vld [tilespmem:s1+$0xFFFFFFD0]  }
0x199: {  	v6 =	vld [tilespmem:s1+$0xFFFFFFE0]  }
0x19a: {  	v7 =	vld [tilespmem:s1+$0xFFFFFFF0];
	v1 =	vmul.f32 v1, v3  }
0x19b: {  	s17 =	simm.s32 $0x2;
	v8 =	vld [tilespmem:s1+$0xFFFFFFB0];
	v2 =	vmul.f32 v2, v3  }
0x19c: {  	v63 =	vld [tilespmem:s1+$0xFFFFFFC0];
	v4 =	vmul.f32 v4, v3;
	[tilespmem:s1+$0xFFFFFF80] =	vst v1;
	v1 =	vmov s17  }
0x19d: {  	v5 =	vmul.f32 v5, v3;
	[tilespmem:s1+$0xFFFFFFA0] =	vst v2;
	v1 =	vand.u32 $0xFFFFFFFE, v1  }
0x19e: {  	v2 =	vmul.f32 v6, v3;
	[tilespmem:s1+$0xFFFFFF90] =	vst v4;
	v4 =	vbroadcast v1, $0x0  }
0x19f: {  	v6 =	vmul.f32 v7, v3;
	[tilespmem:s1+$0xFFFFFFD0] =	vst v5;
	v7 =	vld [tilespmem:s1+$0x30]  }
0x1a0: {  	v5 =	vmul.f32 v8, v3;
	v1 =	vld [tilespmem:s1+$0x40];
	[tilespmem:s1+$0xFFFFFFE0] =	vst v2  }
0x1a1: {  	v3 =	vmul.f32 v63, v3;
	v2 =	vld [tilespmem:s1+$0x70];
	[tilespmem:s1+$0xFFFFFFF0] =	vst v6  }
0x1a2: {  	[tilespmem:s1+$0xFFFFFFB0] =	vst v5;
	v5 =	vld [tilespmem:s1+$0x20]  }
0x1a3: {  	[tilespmem:s1+$0xFFFFFFC0] =	vst v3;
	v6 =	vld [tilespmem:s1+$0x0]  }
0x1a4: {  	v3 =	vld.idx.msk [tilespmem:v4+s16+$0x0], $0xffff  }
0x1a5: {  	s10 =	simm.s32 $0x3;
	s11 =	simm.s32 $0x1F80;
	s17 =	simm.s32 $0x7;
	v4 =	vld [tilespmem:s1+$0x10]  }
.LBB2_16:
0x1a6: {  	p0 =	sne.s32 s17, $0x4F  }
0x1a7: {  	v8 =	vld [tilespmem:s1+$0x50];
	s11 =	sadd.s32 $0x200, s11;
	s7 =	smov.u32 s17;
	s17 =	sadd.s32 $0x4, s17  }
0x1a8: {  	v9 =	vld [tilespmem:s1+$0x60];
	_ =	sdelay $0x1  }
0x1a9: {  	v6 =	vmul.f32 v6, v3;
	v4 =	vmul.f32 v4, v3  }
0x1aa: {  	v5 =	vmul.f32 v5, v3;
	v7 =	vmul.f32 v7, v3  }
0x1ab: {  	v1 =	vmul.f32 v1, v3;
	v2 =	vmul.f32 v2, v3;
	[tilespmem:s1+$0x0] =	vst v6  }
0x1ac: {  	[tilespmem:s1+$0x20] =	vst v5;
	v5 =	vmul.f32 v8, v3;
	v3 =	vmul.f32 v9, v3  }
0x1ad: {  	[tilespmem:s1+$0x30] =	vst v7;
	v6 =	vld [tilespmem:s1+$0x80]  }
0x1ae: {  	[tilespmem:s1+$0x60] =	vst v3;
	v3 =	vmov s10;
	v7 =	vld [tilespmem:s1+$0xD0];
	s10 =	smov.u32 s7  }
0x1af: {  	[tilespmem:s1+$0x50] =	vst v5;
	v5 =	vld [tilespmem:s1+$0xE0]  }
0x1b0: {  	[tilespmem:s1+$0x40] =	vst v1;
	v8 =	vld [tilespmem:s1+$0xB0]  }
0x1b1: {  	v1 =	vld [tilespmem:s11+$0x40];
	[tilespmem:s1+$0x70] =	vst v2  }
0x1b2: {  	v2 =	vld [tilespmem:s11+$0x70];
	[tilespmem:s1+$0x10] =	vst v4  }
0x1b3: {  	v3 =	vld.idx.msk [tilespmem:v3+s16+$0x0], $0xffff  }
0x1b4: {  	v4 =	vld [tilespmem:s1+$0x90]  }
0x1b5: {  	v9 =	vld [tilespmem:s1+$0xA0]  }
0x1b6: {  	v10 =	vld [tilespmem:s1+$0xC0]  }
0x1b7: {  	v11 =	vld [tilespmem:s1+$0xF0];
	_ =	sdelay $0x1  }
0x1b8: {  	v6 =	vmul.f32 v6, v3;
	v4 =	vmul.f32 v4, v3  }
0x1b9: {  	s7 =	sadd.s32 $0xFFFFFFFD, s10;
	v8 =	vmul.f32 v8, v3;
	v9 =	vmul.f32 v9, v3  }
0x1ba: {  	v12 =	vmov s7;
	v7 =	vmul.f32 v7, v3;
	[tilespmem:s1+$0x80] =	vst v6;
	v6 =	vmul.f32 v10, v3  }
0x1bb: {  	v10 =	vand.u32 $0xFFFFFFFC, v12;
	[tilespmem:s1+$0x90] =	vst v4;
	v4 =	vmul.f32 v5, v3;
	v3 =	vmul.f32 v11, v3  }
0x1bc: {  	v5 =	vbroadcast v10, $0x0;
	[tilespmem:s1+$0xA0] =	vst v9  }
0x1bd: {  	[tilespmem:s1+$0xD0] =	vst v7  }
0x1be: {  	v7 =	vld [tilespmem:s11+$0xFFFFFF50];
	[tilespmem:s1+$0xB0] =	vst v8  }
0x1bf: {  	v8 =	vld [tilespmem:s11+$0xFFFFFF30];
	[tilespmem:s1+$0xC0] =	vst v6  }
0x1c0: {  	v6 =	vld [tilespmem:s11+$0xFFFFFF60];
	[tilespmem:s1+$0xE0] =	vst v4  }
0x1c1: {  	v4 =	vld [tilespmem:s11+$0xFFFFFF70];
	[tilespmem:s1+$0xF0] =	vst v3;
	s1 =	smov.u32 s11  }
0x1c2: {  	v3 =	vld.idx.msk [tilespmem:v5+s16+$0x0], $0xffff  }
0x1c3: {  	v5 =	vld [tilespmem:s11+$0xFFFFFF00]  }
0x1c4: {  	v9 =	vld [tilespmem:s11+$0xFFFFFF20]  }
0x1c5: {  	v10 =	vld [tilespmem:s11+$0xFFFFFF10]  }
0x1c6: {  	v11 =	vld [tilespmem:s11+$0xFFFFFF40];
	_ =	sdelay $0x1  }
0x1c7: {  	v4 =	vmul.f32 v4, v3;
	v5 =	vmul.f32 v5, v3  }
0x1c8: {  	s7 =	sadd.s32 $0xFFFFFFFE, s10;
	v6 =	vmul.f32 v6, v3;
	v9 =	vmul.f32 v9, v3  }
0x1c9: {  	v8 =	vmul.f32 v8, v3;
	v10 =	vmul.f32 v10, v3;
	[tilespmem:s11+$0xFFFFFF70] =	vst v4;
	v4 =	vmov s7  }
0x1ca: {  	[tilespmem:s11+$0xFFFFFF00] =	vst v5;
	v5 =	vmul.f32 v11, v3;
	v3 =	vmul.f32 v7, v3;
	v4 =	vand.u32 $0xFFFFFFFD, v4  }
0x1cb: {  	[tilespmem:s11+$0xFFFFFF20] =	vst v9;
	v4 =	vbroadcast v4, $0x0  }
0x1cc: {  	[tilespmem:s11+$0xFFFFFF30] =	vst v8  }
0x1cd: {  	[tilespmem:s11+$0xFFFFFF50] =	vst v3;
	v3 =	vld [tilespmem:s11+$0xFFFFFFF0]  }
0x1ce: {  	[tilespmem:s11+$0xFFFFFF10] =	vst v10;
	v7 =	vld [tilespmem:s11+$0xFFFFFFD0]  }
0x1cf: {  	[tilespmem:s11+$0xFFFFFF60] =	vst v6;
	v6 =	vld [tilespmem:s11+$0xFFFFFFB0]  }
0x1d0: {  	[tilespmem:s11+$0xFFFFFF40] =	vst v5;
	v5 =	vld [tilespmem:s11+$0xFFFFFF90]  }
0x1d1: {  	v4 =	vld.idx.msk [tilespmem:v4+s16+$0x0], $0xffff  }
0x1d2: {  	v8 =	vld [tilespmem:s11+$0xFFFFFF80]  }
0x1d3: {  	v9 =	vld [tilespmem:s11+$0xFFFFFFA0]  }
0x1d4: {  	v10 =	vld [tilespmem:s11+$0xFFFFFFC0]  }
0x1d5: {  	v11 =	vld [tilespmem:s11+$0xFFFFFFE0];
	_ =	sdelay $0x1  }
0x1d6: {  	v5 =	vmul.f32 v5, v4;
	v8 =	vmul.f32 v8, v4  }
0x1d7: {  	s7 =	sadd.s32 $0xFFFFFFFF, s10;
	v6 =	vmul.f32 v6, v4;
	v9 =	vmul.f32 v9, v4  }
0x1d8: {  	v7 =	vmul.f32 v7, v4;
	[tilespmem:s11+$0xFFFFFF80] =	vst v8;
	v8 =	vmul.f32 v10, v4;
	v10 =	vmov s7  }
0x1d9: {  	v3 =	vmul.f32 v3, v4;
	[tilespmem:s11+$0xFFFFFFA0] =	vst v9;
	v9 =	vmul.f32 v11, v4;
	v4 =	vand.u32 $0xFFFFFFFE, v10  }
0x1da: {  	[tilespmem:s11+$0xFFFFFF90] =	vst v5;
	v4 =	vbroadcast v4, $0x0  }
0x1db: {  	[tilespmem:s11+$0xFFFFFFD0] =	vst v7  }
0x1dc: {  	[tilespmem:s11+$0xFFFFFFE0] =	vst v9  }
0x1dd: {  	[tilespmem:s11+$0xFFFFFFB0] =	vst v6  }
.Ltmp6:
0x1de: {  	[tilespmem:s11+$0xFFFFFFF0] =	vst v3;
	v5 =	vld [tilespmem:s11+$0x20];
	(pc) =	sbr.rel @p0 .LBB2_16-.Ltmp6, $4  }
0x1df: {  	[tilespmem:s11+$0xFFFFFFC0] =	vst v8;
	v6 =	vld [tilespmem:s11+$0x0]  }
0x1e0: {  	v3 =	vld.idx.msk [tilespmem:v4+s16+$0x0], $0xffff  }
0x1e1: {  	v4 =	vld [tilespmem:s11+$0x10]  }
0x1e2: {  	v7 =	vld [tilespmem:s11+$0x30]  }
0x1e3: {  	v8 =	vld [tilespmem:s1+$0x60];
	_ =	sdelay $0x1  }
0x1e4: {  	v6 =	vmul.f32 v6, v3  }
0x1e5: {  	v9 =	vld [tilespmem:s1+$0x50];
	v5 =	vmul.f32 v5, v3  }
0x1e6: {  	v1 =	vmul.f32 v1, v3;
	[tilespmem:s1+$0x0] =	vst v6  }
0x1e7: {  	[tilespmem:s1+$0x20] =	vst v5;
	v5 =	vmul.f32 v8, v3  }
0x1e8: {  	v2 =	vmul.f32 v2, v3;
	[tilespmem:s1+$0x40] =	vst v1  }
0x1e9: {  	v7 =	vmul.f32 v7, v3;
	[tilespmem:s1+$0x60] =	vst v5;
	v5 =	vmov s10  }
0x1ea: {  	[tilespmem:s1+$0x70] =	vst v2;
	v6 =	vmul.f32 v9, v3  }
0x1eb: {  	v3 =	vmul.f32 v4, v3;
	[tilespmem:s1+$0x30] =	vst v7  }
0x1ec: {  	[tilespmem:s1+$0x50] =	vst v6  }
0x1ed: {  	v7 =	vld [tilespmem:s1+$0x80];
	[tilespmem:s1+$0x10] =	vst v3  }
0x1ee: {  	v1 =	vld.idx.msk [tilespmem:v5+s16+$0x0], $0xffff  }
0x1ef: {  	v2 =	vld [tilespmem:s1+$0x90]  }
0x1f0: {  	v3 =	vld [tilespmem:s1+$0xA0]  }
0x1f1: {  	v4 =	vld [tilespmem:s1+$0xD0]  }
0x1f2: {  	v5 =	vld [tilespmem:s1+$0xB0]  }
0x1f3: {  	v6 =	vld [tilespmem:s1+$0xC0];
	v7 =	vmul.f32 v7, v1  }
0x1f4: {  	v8 =	vld [tilespmem:s1+$0xE0];
	v2 =	vmul.f32 v2, v1  }
0x1f5: {  	v61 =	vld [tilespmem:s1+$0xF0];
	v3 =	vmul.f32 v3, v1;
	[tilespmem:s1+$0x80] =	vst v7  }
0x1f6: {  	v4 =	vmul.f32 v4, v1;
	[tilespmem:s1+$0x90] =	vst v2  }
0x1f7: {  	v2 =	vmul.f32 v5, v1;
	[tilespmem:s1+$0xA0] =	vst v3  }
0x1f8: {  	v3 =	vmul.f32 v6, v1;
	[tilespmem:s1+$0xD0] =	vst v4  }
0x1f9: {  	v4 =	vmul.f32 v8, v1;
	[tilespmem:s1+$0xB0] =	vst v2  }
0x1fa: {  	v1 =	vmul.f32 v61, v1;
	[tilespmem:s1+$0xC0] =	vst v3  }
0x1fb: {  	[tilespmem:s1+$0xE0] =	vst v4  }
0x1fc: {  	s11 =	simm.s32 $0x0;
	[tilespmem:s1+$0xF0] =	vst v1  }
0x1fd: {  	v1 =	vmov s11;
	[spmem:s2] =	stream.indirect.scatter.add.f32 [tilespmem:s18], [sflag:$0x7], $0x80, s24, s23, $0xb8;
	[tilespmem:$0x1F400] =	vst v63  }
0x1fe: {  	v1 =	vand.u32 $0xFFFFFFFC, v1;
	_ =	swait.ge [sflag:s21], $0x50  }
0x1ff: {  	v1 =	vbroadcast v1, $0x0;
	[sflag:s21] =	ssyncset.done $0x0  }
0x200: {  	[sflag:s21] =	ssyncadd.s32 $0xFFFFFFB0  }
0x201: {  	_ =	swait.ge [sflag:s22], $0x2800  }
0x202: {  	[sflag:s22] =	ssyncset.done $0x0  }
0x203: {  	s1 =	simm.s32 $0x4780;
	[sflag:s22] =	ssyncadd.s32 $0xFFFFD800  }
0x204: {  	v3 =	vld [tilespmem:s1+$0xFFFFFF70]  }
0x205: {  	v1 =	vld.idx.msk [tilespmem:v1+s9+$0x0], $0xffff  }
0x206: {  	v4 =	vld [tilespmem:s1+$0xFFFFFF00]  }
0x207: {  	v5 =	vld [tilespmem:s1+$0xFFFFFF20]  }
0x208: {  	v6 =	vld [tilespmem:s1+$0xFFFFFF30]  }
0x209: {  	v2 =	vld [tilespmem:s1+$0xFFFFFF50]  }
0x20a: {  	v8 =	vld [tilespmem:s1+$0xFFFFFF10];
	v3 =	vmul.f32 v3, v1  }
0x20b: {  	s7 =	simm.s32 $0x1;
	v7 =	vld [tilespmem:s1+$0xFFFFFF60];
	v4 =	vmul.f32 v4, v1  }
0x20c: {  	v62 =	vld [tilespmem:s1+$0xFFFFFF40];
	v5 =	vmul.f32 v5, v1;
	[tilespmem:s1+$0xFFFFFF70] =	vst v3;
	v3 =	vmov s7  }
0x20d: {  	v6 =	vmul.f32 v6, v1;
	[tilespmem:s1+$0xFFFFFF00] =	vst v4;
	v3 =	vand.u32 $0xFFFFFFFD, v3  }
0x20e: {  	v2 =	vmul.f32 v2, v1;
	[tilespmem:s1+$0xFFFFFF20] =	vst v5;
	v3 =	vbroadcast v3, $0x0  }
0x20f: {  	v4 =	vmul.f32 v8, v1;
	[tilespmem:s1+$0xFFFFFF30] =	vst v6  }
0x210: {  	v5 =	vmul.f32 v7, v1;
	[tilespmem:s1+$0xFFFFFF50] =	vst v2  }
0x211: {  	v1 =	vmul.f32 v62, v1;
	[tilespmem:s1+$0xFFFFFF10] =	vst v4  }
0x212: {  	[tilespmem:s1+$0xFFFFFF60] =	vst v5  }
0x213: {  	[tilespmem:s1+$0xFFFFFF40] =	vst v1;
	v1 =	vld [tilespmem:s1+$0xFFFFFF80]  }
0x214: {  	v3 =	vld.idx.msk [tilespmem:v3+s9+$0x0], $0xffff  }
0x215: {  	v2 =	vld [tilespmem:s1+$0xFFFFFFA0]  }
0x216: {  	v4 =	vld [tilespmem:s1+$0xFFFFFF90]  }
0x217: {  	v5 =	vld [tilespmem:s1+$0xFFFFFFD0]  }
0x218: {  	v6 =	vld [tilespmem:s1+$0xFFFFFFE0]  }
0x219: {  	v7 =	vld [tilespmem:s1+$0xFFFFFFF0];
	v1 =	vmul.f32 v1, v3  }
0x21a: {  	s17 =	simm.s32 $0x2;
	v8 =	vld [tilespmem:s1+$0xFFFFFFB0];
	v2 =	vmul.f32 v2, v3  }
0x21b: {  	v63 =	vld [tilespmem:s1+$0xFFFFFFC0];
	v4 =	vmul.f32 v4, v3;
	[tilespmem:s1+$0xFFFFFF80] =	vst v1;
	v1 =	vmov s17  }
0x21c: {  	v5 =	vmul.f32 v5, v3;
	[tilespmem:s1+$0xFFFFFFA0] =	vst v2;
	v1 =	vand.u32 $0xFFFFFFFE, v1  }
0x21d: {  	v2 =	vmul.f32 v6, v3;
	[tilespmem:s1+$0xFFFFFF90] =	vst v4;
	v4 =	vbroadcast v1, $0x0  }
0x21e: {  	v6 =	vmul.f32 v7, v3;
	[tilespmem:s1+$0xFFFFFFD0] =	vst v5;
	v7 =	vld [tilespmem:s1+$0x30]  }
0x21f: {  	v5 =	vmul.f32 v8, v3;
	v1 =	vld [tilespmem:s1+$0x40];
	[tilespmem:s1+$0xFFFFFFE0] =	vst v2  }
0x220: {  	v3 =	vmul.f32 v63, v3;
	v2 =	vld [tilespmem:s1+$0x70];
	[tilespmem:s1+$0xFFFFFFF0] =	vst v6  }
0x221: {  	[tilespmem:s1+$0xFFFFFFB0] =	vst v5;
	v5 =	vld [tilespmem:s1+$0x20]  }
0x222: {  	[tilespmem:s1+$0xFFFFFFC0] =	vst v3;
	v6 =	vld [tilespmem:s1+$0x0]  }
0x223: {  	v3 =	vld.idx.msk [tilespmem:v4+s9+$0x0], $0xffff  }
0x224: {  	s10 =	simm.s32 $0x3;
	s11 =	simm.s32 $0x4780;
	s17 =	simm.s32 $0x7;
	v4 =	vld [tilespmem:s1+$0x10]  }
.LBB2_18:
0x225: {  	p0 =	sne.s32 s17, $0x4F  }
0x226: {  	v8 =	vld [tilespmem:s1+$0x50];
	s11 =	sadd.s32 $0x200, s11;
	s7 =	smov.u32 s17;
	s17 =	sadd.s32 $0x4, s17  }
0x227: {  	v9 =	vld [tilespmem:s1+$0x60];
	_ =	sdelay $0x1  }
0x228: {  	v6 =	vmul.f32 v6, v3;
	v4 =	vmul.f32 v4, v3  }
0x229: {  	v5 =	vmul.f32 v5, v3;
	v7 =	vmul.f32 v7, v3  }
0x22a: {  	v1 =	vmul.f32 v1, v3;
	v2 =	vmul.f32 v2, v3;
	[tilespmem:s1+$0x0] =	vst v6  }
0x22b: {  	[tilespmem:s1+$0x20] =	vst v5;
	v5 =	vmul.f32 v8, v3;
	v3 =	vmul.f32 v9, v3  }
0x22c: {  	[tilespmem:s1+$0x30] =	vst v7;
	v6 =	vld [tilespmem:s1+$0x80]  }
0x22d: {  	[tilespmem:s1+$0x60] =	vst v3;
	v3 =	vmov s10;
	v7 =	vld [tilespmem:s1+$0xD0];
	s10 =	smov.u32 s7  }
0x22e: {  	[tilespmem:s1+$0x50] =	vst v5;
	v5 =	vld [tilespmem:s1+$0xE0]  }
0x22f: {  	[tilespmem:s1+$0x40] =	vst v1;
	v8 =	vld [tilespmem:s1+$0xB0]  }
0x230: {  	v1 =	vld [tilespmem:s11+$0x40];
	[tilespmem:s1+$0x70] =	vst v2  }
0x231: {  	v2 =	vld [tilespmem:s11+$0x70];
	[tilespmem:s1+$0x10] =	vst v4  }
0x232: {  	v3 =	vld.idx.msk [tilespmem:v3+s9+$0x0], $0xffff  }
0x233: {  	v4 =	vld [tilespmem:s1+$0x90]  }
0x234: {  	v9 =	vld [tilespmem:s1+$0xA0]  }
0x235: {  	v10 =	vld [tilespmem:s1+$0xC0]  }
0x236: {  	v11 =	vld [tilespmem:s1+$0xF0];
	_ =	sdelay $0x1  }
0x237: {  	v6 =	vmul.f32 v6, v3;
	v4 =	vmul.f32 v4, v3  }
0x238: {  	s7 =	sadd.s32 $0xFFFFFFFD, s10;
	v8 =	vmul.f32 v8, v3;
	v9 =	vmul.f32 v9, v3  }
0x239: {  	v12 =	vmov s7;
	v7 =	vmul.f32 v7, v3;
	[tilespmem:s1+$0x80] =	vst v6;
	v6 =	vmul.f32 v10, v3  }
0x23a: {  	v10 =	vand.u32 $0xFFFFFFFC, v12;
	[tilespmem:s1+$0x90] =	vst v4;
	v4 =	vmul.f32 v5, v3;
	v3 =	vmul.f32 v11, v3  }
0x23b: {  	v5 =	vbroadcast v10, $0x0;
	[tilespmem:s1+$0xA0] =	vst v9  }
0x23c: {  	[tilespmem:s1+$0xD0] =	vst v7  }
0x23d: {  	v7 =	vld [tilespmem:s11+$0xFFFFFF50];
	[tilespmem:s1+$0xB0] =	vst v8  }
0x23e: {  	v8 =	vld [tilespmem:s11+$0xFFFFFF30];
	[tilespmem:s1+$0xC0] =	vst v6  }
0x23f: {  	v6 =	vld [tilespmem:s11+$0xFFFFFF60];
	[tilespmem:s1+$0xE0] =	vst v4  }
0x240: {  	v4 =	vld [tilespmem:s11+$0xFFFFFF70];
	[tilespmem:s1+$0xF0] =	vst v3;
	s1 =	smov.u32 s11  }
0x241: {  	v3 =	vld.idx.msk [tilespmem:v5+s9+$0x0], $0xffff  }
0x242: {  	v5 =	vld [tilespmem:s11+$0xFFFFFF00]  }
0x243: {  	v9 =	vld [tilespmem:s11+$0xFFFFFF20]  }
0x244: {  	v10 =	vld [tilespmem:s11+$0xFFFFFF10]  }
0x245: {  	v11 =	vld [tilespmem:s11+$0xFFFFFF40];
	_ =	sdelay $0x1  }
0x246: {  	v4 =	vmul.f32 v4, v3;
	v5 =	vmul.f32 v5, v3  }
0x247: {  	s7 =	sadd.s32 $0xFFFFFFFE, s10;
	v6 =	vmul.f32 v6, v3;
	v9 =	vmul.f32 v9, v3  }
0x248: {  	v8 =	vmul.f32 v8, v3;
	v10 =	vmul.f32 v10, v3;
	[tilespmem:s11+$0xFFFFFF70] =	vst v4;
	v4 =	vmov s7  }
0x249: {  	[tilespmem:s11+$0xFFFFFF00] =	vst v5;
	v5 =	vmul.f32 v11, v3;
	v3 =	vmul.f32 v7, v3;
	v4 =	vand.u32 $0xFFFFFFFD, v4  }
0x24a: {  	[tilespmem:s11+$0xFFFFFF20] =	vst v9;
	v4 =	vbroadcast v4, $0x0  }
0x24b: {  	[tilespmem:s11+$0xFFFFFF30] =	vst v8  }
0x24c: {  	[tilespmem:s11+$0xFFFFFF50] =	vst v3;
	v3 =	vld [tilespmem:s11+$0xFFFFFFF0]  }
0x24d: {  	[tilespmem:s11+$0xFFFFFF10] =	vst v10;
	v7 =	vld [tilespmem:s11+$0xFFFFFFD0]  }
0x24e: {  	[tilespmem:s11+$0xFFFFFF60] =	vst v6;
	v6 =	vld [tilespmem:s11+$0xFFFFFFB0]  }
0x24f: {  	[tilespmem:s11+$0xFFFFFF40] =	vst v5;
	v5 =	vld [tilespmem:s11+$0xFFFFFF90]  }
0x250: {  	v4 =	vld.idx.msk [tilespmem:v4+s9+$0x0], $0xffff  }
0x251: {  	v8 =	vld [tilespmem:s11+$0xFFFFFF80]  }
0x252: {  	v9 =	vld [tilespmem:s11+$0xFFFFFFA0]  }
0x253: {  	v10 =	vld [tilespmem:s11+$0xFFFFFFC0]  }
0x254: {  	v11 =	vld [tilespmem:s11+$0xFFFFFFE0];
	_ =	sdelay $0x1  }
0x255: {  	v5 =	vmul.f32 v5, v4;
	v8 =	vmul.f32 v8, v4  }
0x256: {  	s7 =	sadd.s32 $0xFFFFFFFF, s10;
	v6 =	vmul.f32 v6, v4;
	v9 =	vmul.f32 v9, v4  }
0x257: {  	v7 =	vmul.f32 v7, v4;
	[tilespmem:s11+$0xFFFFFF80] =	vst v8;
	v8 =	vmul.f32 v10, v4;
	v10 =	vmov s7  }
0x258: {  	v3 =	vmul.f32 v3, v4;
	[tilespmem:s11+$0xFFFFFFA0] =	vst v9;
	v9 =	vmul.f32 v11, v4;
	v4 =	vand.u32 $0xFFFFFFFE, v10  }
0x259: {  	[tilespmem:s11+$0xFFFFFF90] =	vst v5;
	v4 =	vbroadcast v4, $0x0  }
0x25a: {  	[tilespmem:s11+$0xFFFFFFD0] =	vst v7  }
0x25b: {  	[tilespmem:s11+$0xFFFFFFE0] =	vst v9  }
0x25c: {  	[tilespmem:s11+$0xFFFFFFB0] =	vst v6  }
.Ltmp7:
0x25d: {  	[tilespmem:s11+$0xFFFFFFF0] =	vst v3;
	v5 =	vld [tilespmem:s11+$0x20];
	(pc) =	sbr.rel @p0 .LBB2_18-.Ltmp7, $4  }
0x25e: {  	[tilespmem:s11+$0xFFFFFFC0] =	vst v8;
	v6 =	vld [tilespmem:s11+$0x0]  }
0x25f: {  	v3 =	vld.idx.msk [tilespmem:v4+s9+$0x0], $0xffff  }
0x260: {  	v4 =	vld [tilespmem:s11+$0x10]  }
0x261: {  	v7 =	vld [tilespmem:s11+$0x30]  }
0x262: {  	v8 =	vld [tilespmem:s1+$0x60];
	_ =	sdelay $0x1  }
0x263: {  	v6 =	vmul.f32 v6, v3  }
0x264: {  	v9 =	vld [tilespmem:s1+$0x50];
	v5 =	vmul.f32 v5, v3  }
0x265: {  	v1 =	vmul.f32 v1, v3;
	[tilespmem:s1+$0x0] =	vst v6  }
0x266: {  	[tilespmem:s1+$0x20] =	vst v5;
	v5 =	vmul.f32 v8, v3  }
0x267: {  	v2 =	vmul.f32 v2, v3;
	[tilespmem:s1+$0x40] =	vst v1  }
0x268: {  	v7 =	vmul.f32 v7, v3;
	[tilespmem:s1+$0x60] =	vst v5;
	v5 =	vmov s10  }
0x269: {  	[tilespmem:s1+$0x70] =	vst v2;
	v6 =	vmul.f32 v9, v3  }
0x26a: {  	v3 =	vmul.f32 v4, v3;
	[tilespmem:s1+$0x30] =	vst v7  }
0x26b: {  	[tilespmem:s1+$0x50] =	vst v6  }
0x26c: {  	v7 =	vld [tilespmem:s1+$0x80];
	[tilespmem:s1+$0x10] =	vst v3  }
0x26d: {  	v1 =	vld.idx.msk [tilespmem:v5+s9+$0x0], $0xffff  }
0x26e: {  	v2 =	vld [tilespmem:s1+$0x90]  }
0x26f: {  	v3 =	vld [tilespmem:s1+$0xA0]  }
0x270: {  	v4 =	vld [tilespmem:s1+$0xD0]  }
0x271: {  	v5 =	vld [tilespmem:s1+$0xB0]  }
0x272: {  	v6 =	vld [tilespmem:s1+$0xC0];
	v7 =	vmul.f32 v7, v1  }
0x273: {  	v8 =	vld [tilespmem:s1+$0xE0];
	v2 =	vmul.f32 v2, v1  }
0x274: {  	v61 =	vld [tilespmem:s1+$0xF0];
	v3 =	vmul.f32 v3, v1;
	[tilespmem:s1+$0x80] =	vst v7  }
0x275: {  	v4 =	vmul.f32 v4, v1;
	[tilespmem:s1+$0x90] =	vst v2  }
0x276: {  	v2 =	vmul.f32 v5, v1;
	[tilespmem:s1+$0xA0] =	vst v3  }
0x277: {  	v3 =	vmul.f32 v6, v1;
	[tilespmem:s1+$0xD0] =	vst v4  }
0x278: {  	v4 =	vmul.f32 v8, v1;
	[tilespmem:s1+$0xB0] =	vst v2  }
0x279: {  	v1 =	vmul.f32 v61, v1;
	[tilespmem:s1+$0xC0] =	vst v3  }
0x27a: {  	[tilespmem:s1+$0xE0] =	vst v4  }
0x27b: {  	s11 =	simm.s32 $0x0;
	s10 =	simm.s32 $0x4680;
	[tilespmem:s1+$0xF0] =	vst v1  }
0x27c: {  	v1 =	vmov s11;
	[spmem:s2] =	stream.indirect.scatter.add.f32 [tilespmem:s10], [sflag:$0x8], $0x80, s26, s23, $0xb8;
	[tilespmem:$0x1F400] =	vst v63  }
0x27d: {  	v1 =	vand.u32 $0xFFFFFFFC, v1;
	_ =	swait.ge [sflag:s8], $0x50  }
0x27e: {  	v1 =	vbroadcast v1, $0x0;
	[sflag:s8] =	ssyncset.done $0x0  }
0x27f: {  	s10 =	simm.s32 $0x3;
	[sflag:s8] =	ssyncadd.s32 $0xFFFFFFB0  }
0x280: {  	_ =	swait.ge [sflag:s10], $0x2800  }
0x281: {  	[sflag:s10] =	ssyncset.done $0x0  }
0x282: {  	s1 =	simm.s32 $0x6F80;
	[sflag:s10] =	ssyncadd.s32 $0xFFFFD800  }
0x283: {  	v3 =	vld [tilespmem:s1+$0xFFFFFF70]  }
0x284: {  	v1 =	vld.idx.msk [tilespmem:v1+s5+$0x0], $0xffff  }
0x285: {  	v4 =	vld [tilespmem:s1+$0xFFFFFF00]  }
0x286: {  	v5 =	vld [tilespmem:s1+$0xFFFFFF20]  }
0x287: {  	v6 =	vld [tilespmem:s1+$0xFFFFFF30]  }
0x288: {  	v2 =	vld [tilespmem:s1+$0xFFFFFF50]  }
0x289: {  	v8 =	vld [tilespmem:s1+$0xFFFFFF10];
	v3 =	vmul.f32 v3, v1  }
0x28a: {  	s7 =	simm.s32 $0x1;
	v7 =	vld [tilespmem:s1+$0xFFFFFF60];
	v4 =	vmul.f32 v4, v1  }
0x28b: {  	v62 =	vld [tilespmem:s1+$0xFFFFFF40];
	v5 =	vmul.f32 v5, v1;
	[tilespmem:s1+$0xFFFFFF70] =	vst v3;
	v3 =	vmov s7  }
0x28c: {  	v6 =	vmul.f32 v6, v1;
	[tilespmem:s1+$0xFFFFFF00] =	vst v4;
	v3 =	vand.u32 $0xFFFFFFFD, v3  }
0x28d: {  	v2 =	vmul.f32 v2, v1;
	[tilespmem:s1+$0xFFFFFF20] =	vst v5;
	v3 =	vbroadcast v3, $0x0  }
0x28e: {  	v4 =	vmul.f32 v8, v1;
	[tilespmem:s1+$0xFFFFFF30] =	vst v6  }
0x28f: {  	v5 =	vmul.f32 v7, v1;
	[tilespmem:s1+$0xFFFFFF50] =	vst v2  }
0x290: {  	v1 =	vmul.f32 v62, v1;
	[tilespmem:s1+$0xFFFFFF10] =	vst v4  }
0x291: {  	[tilespmem:s1+$0xFFFFFF60] =	vst v5  }
0x292: {  	[tilespmem:s1+$0xFFFFFF40] =	vst v1;
	v1 =	vld [tilespmem:s1+$0xFFFFFF80]  }
0x293: {  	v3 =	vld.idx.msk [tilespmem:v3+s5+$0x0], $0xffff  }
0x294: {  	v2 =	vld [tilespmem:s1+$0xFFFFFFA0]  }
0x295: {  	v4 =	vld [tilespmem:s1+$0xFFFFFF90]  }
0x296: {  	v5 =	vld [tilespmem:s1+$0xFFFFFFD0]  }
0x297: {  	v6 =	vld [tilespmem:s1+$0xFFFFFFE0]  }
0x298: {  	v7 =	vld [tilespmem:s1+$0xFFFFFFF0];
	v1 =	vmul.f32 v1, v3  }
0x299: {  	s17 =	simm.s32 $0x2;
	v8 =	vld [tilespmem:s1+$0xFFFFFFB0];
	v2 =	vmul.f32 v2, v3  }
0x29a: {  	v63 =	vld [tilespmem:s1+$0xFFFFFFC0];
	v4 =	vmul.f32 v4, v3;
	[tilespmem:s1+$0xFFFFFF80] =	vst v1;
	v1 =	vmov s17  }
0x29b: {  	v5 =	vmul.f32 v5, v3;
	[tilespmem:s1+$0xFFFFFFA0] =	vst v2;
	v1 =	vand.u32 $0xFFFFFFFE, v1  }
0x29c: {  	v2 =	vmul.f32 v6, v3;
	[tilespmem:s1+$0xFFFFFF90] =	vst v4;
	v4 =	vbroadcast v1, $0x0  }
0x29d: {  	v6 =	vmul.f32 v7, v3;
	[tilespmem:s1+$0xFFFFFFD0] =	vst v5;
	v7 =	vld [tilespmem:s1+$0x30]  }
0x29e: {  	v5 =	vmul.f32 v8, v3;
	v1 =	vld [tilespmem:s1+$0x40];
	[tilespmem:s1+$0xFFFFFFE0] =	vst v2  }
0x29f: {  	v3 =	vmul.f32 v63, v3;
	v2 =	vld [tilespmem:s1+$0x70];
	[tilespmem:s1+$0xFFFFFFF0] =	vst v6  }
0x2a0: {  	[tilespmem:s1+$0xFFFFFFB0] =	vst v5;
	v5 =	vld [tilespmem:s1+$0x20]  }
0x2a1: {  	[tilespmem:s1+$0xFFFFFFC0] =	vst v3;
	v6 =	vld [tilespmem:s1+$0x0]  }
0x2a2: {  	v3 =	vld.idx.msk [tilespmem:v4+s5+$0x0], $0xffff  }
0x2a3: {  	s11 =	simm.s32 $0x6F80;
	s17 =	simm.s32 $0x7;
	v4 =	vld [tilespmem:s1+$0x10]  }
.LBB2_20:
0x2a4: {  	p0 =	sne.s32 s17, $0x4F  }
0x2a5: {  	v8 =	vld [tilespmem:s1+$0x50];
	s11 =	sadd.s32 $0x200, s11;
	s7 =	smov.u32 s17;
	s17 =	sadd.s32 $0x4, s17  }
0x2a6: {  	v9 =	vld [tilespmem:s1+$0x60];
	_ =	sdelay $0x1  }
0x2a7: {  	v6 =	vmul.f32 v6, v3;
	v4 =	vmul.f32 v4, v3  }
0x2a8: {  	v5 =	vmul.f32 v5, v3;
	v7 =	vmul.f32 v7, v3  }
0x2a9: {  	v1 =	vmul.f32 v1, v3;
	v2 =	vmul.f32 v2, v3;
	[tilespmem:s1+$0x0] =	vst v6  }
0x2aa: {  	[tilespmem:s1+$0x20] =	vst v5;
	v5 =	vmul.f32 v8, v3;
	v3 =	vmul.f32 v9, v3  }
0x2ab: {  	[tilespmem:s1+$0x30] =	vst v7;
	v6 =	vld [tilespmem:s1+$0x80]  }
0x2ac: {  	[tilespmem:s1+$0x60] =	vst v3;
	v3 =	vmov s10;
	v7 =	vld [tilespmem:s1+$0xD0];
	s10 =	smov.u32 s7  }
0x2ad: {  	[tilespmem:s1+$0x50] =	vst v5;
	v5 =	vld [tilespmem:s1+$0xE0]  }
0x2ae: {  	[tilespmem:s1+$0x40] =	vst v1;
	v8 =	vld [tilespmem:s1+$0xB0]  }
0x2af: {  	v1 =	vld [tilespmem:s11+$0x40];
	[tilespmem:s1+$0x70] =	vst v2  }
0x2b0: {  	v2 =	vld [tilespmem:s11+$0x70];
	[tilespmem:s1+$0x10] =	vst v4  }
0x2b1: {  	v3 =	vld.idx.msk [tilespmem:v3+s5+$0x0], $0xffff  }
0x2b2: {  	v4 =	vld [tilespmem:s1+$0x90]  }
0x2b3: {  	v9 =	vld [tilespmem:s1+$0xA0]  }
0x2b4: {  	v10 =	vld [tilespmem:s1+$0xC0]  }
0x2b5: {  	v11 =	vld [tilespmem:s1+$0xF0];
	_ =	sdelay $0x1  }
0x2b6: {  	v6 =	vmul.f32 v6, v3;
	v4 =	vmul.f32 v4, v3  }
0x2b7: {  	s7 =	sadd.s32 $0xFFFFFFFD, s10;
	v8 =	vmul.f32 v8, v3;
	v9 =	vmul.f32 v9, v3  }
0x2b8: {  	v12 =	vmov s7;
	v7 =	vmul.f32 v7, v3;
	[tilespmem:s1+$0x80] =	vst v6;
	v6 =	vmul.f32 v10, v3  }
0x2b9: {  	v10 =	vand.u32 $0xFFFFFFFC, v12;
	[tilespmem:s1+$0x90] =	vst v4;
	v4 =	vmul.f32 v5, v3;
	v3 =	vmul.f32 v11, v3  }
0x2ba: {  	v5 =	vbroadcast v10, $0x0;
	[tilespmem:s1+$0xA0] =	vst v9  }
0x2bb: {  	[tilespmem:s1+$0xD0] =	vst v7  }
0x2bc: {  	v7 =	vld [tilespmem:s11+$0xFFFFFF50];
	[tilespmem:s1+$0xB0] =	vst v8  }
0x2bd: {  	v8 =	vld [tilespmem:s11+$0xFFFFFF30];
	[tilespmem:s1+$0xC0] =	vst v6  }
0x2be: {  	v6 =	vld [tilespmem:s11+$0xFFFFFF60];
	[tilespmem:s1+$0xE0] =	vst v4  }
0x2bf: {  	v4 =	vld [tilespmem:s11+$0xFFFFFF70];
	[tilespmem:s1+$0xF0] =	vst v3;
	s1 =	smov.u32 s11  }
0x2c0: {  	v3 =	vld.idx.msk [tilespmem:v5+s5+$0x0], $0xffff  }
0x2c1: {  	v5 =	vld [tilespmem:s11+$0xFFFFFF00]  }
0x2c2: {  	v9 =	vld [tilespmem:s11+$0xFFFFFF20]  }
0x2c3: {  	v10 =	vld [tilespmem:s11+$0xFFFFFF10]  }
0x2c4: {  	v11 =	vld [tilespmem:s11+$0xFFFFFF40];
	_ =	sdelay $0x1  }
0x2c5: {  	v4 =	vmul.f32 v4, v3;
	v5 =	vmul.f32 v5, v3  }
0x2c6: {  	s7 =	sadd.s32 $0xFFFFFFFE, s10;
	v6 =	vmul.f32 v6, v3;
	v9 =	vmul.f32 v9, v3  }
0x2c7: {  	v8 =	vmul.f32 v8, v3;
	v10 =	vmul.f32 v10, v3;
	[tilespmem:s11+$0xFFFFFF70] =	vst v4;
	v4 =	vmov s7  }
0x2c8: {  	[tilespmem:s11+$0xFFFFFF00] =	vst v5;
	v5 =	vmul.f32 v11, v3;
	v3 =	vmul.f32 v7, v3;
	v4 =	vand.u32 $0xFFFFFFFD, v4  }
0x2c9: {  	[tilespmem:s11+$0xFFFFFF20] =	vst v9;
	v4 =	vbroadcast v4, $0x0  }
0x2ca: {  	[tilespmem:s11+$0xFFFFFF30] =	vst v8  }
0x2cb: {  	[tilespmem:s11+$0xFFFFFF50] =	vst v3;
	v3 =	vld [tilespmem:s11+$0xFFFFFFF0]  }
0x2cc: {  	[tilespmem:s11+$0xFFFFFF10] =	vst v10;
	v7 =	vld [tilespmem:s11+$0xFFFFFFD0]  }
0x2cd: {  	[tilespmem:s11+$0xFFFFFF60] =	vst v6;
	v6 =	vld [tilespmem:s11+$0xFFFFFFB0]  }
0x2ce: {  	[tilespmem:s11+$0xFFFFFF40] =	vst v5;
	v5 =	vld [tilespmem:s11+$0xFFFFFF90]  }
0x2cf: {  	v4 =	vld.idx.msk [tilespmem:v4+s5+$0x0], $0xffff  }
0x2d0: {  	v8 =	vld [tilespmem:s11+$0xFFFFFF80]  }
0x2d1: {  	v9 =	vld [tilespmem:s11+$0xFFFFFFA0]  }
0x2d2: {  	v10 =	vld [tilespmem:s11+$0xFFFFFFC0]  }
0x2d3: {  	v11 =	vld [tilespmem:s11+$0xFFFFFFE0];
	_ =	sdelay $0x1  }
0x2d4: {  	v5 =	vmul.f32 v5, v4;
	v8 =	vmul.f32 v8, v4  }
0x2d5: {  	s7 =	sadd.s32 $0xFFFFFFFF, s10;
	v6 =	vmul.f32 v6, v4;
	v9 =	vmul.f32 v9, v4  }
0x2d6: {  	v7 =	vmul.f32 v7, v4;
	[tilespmem:s11+$0xFFFFFF80] =	vst v8;
	v8 =	vmul.f32 v10, v4;
	v10 =	vmov s7  }
0x2d7: {  	v3 =	vmul.f32 v3, v4;
	[tilespmem:s11+$0xFFFFFFA0] =	vst v9;
	v9 =	vmul.f32 v11, v4;
	v4 =	vand.u32 $0xFFFFFFFE, v10  }
0x2d8: {  	[tilespmem:s11+$0xFFFFFF90] =	vst v5;
	v4 =	vbroadcast v4, $0x0  }
0x2d9: {  	[tilespmem:s11+$0xFFFFFFD0] =	vst v7  }
0x2da: {  	[tilespmem:s11+$0xFFFFFFE0] =	vst v9  }
0x2db: {  	[tilespmem:s11+$0xFFFFFFB0] =	vst v6  }
.Ltmp8:
0x2dc: {  	[tilespmem:s11+$0xFFFFFFF0] =	vst v3;
	v5 =	vld [tilespmem:s11+$0x20];
	(pc) =	sbr.rel @p0 .LBB2_20-.Ltmp8, $4  }
0x2dd: {  	[tilespmem:s11+$0xFFFFFFC0] =	vst v8;
	v6 =	vld [tilespmem:s11+$0x0]  }
0x2de: {  	v3 =	vld.idx.msk [tilespmem:v4+s5+$0x0], $0xffff  }
0x2df: {  	v4 =	vld [tilespmem:s11+$0x10]  }
0x2e0: {  	v7 =	vld [tilespmem:s11+$0x30]  }
0x2e1: {  	_ =	sdelay $0x1  }
0x2e2: {  	v8 =	vld [tilespmem:s1+$0x60];
	v6 =	vmul.f32 v6, v3  }
0x2e3: {  	v9 =	vld [tilespmem:s1+$0x50];
	v5 =	vmul.f32 v5, v3  }
0x2e4: {  	v1 =	vmul.f32 v1, v3;
	[tilespmem:s1+$0x0] =	vst v6  }
0x2e5: {  	v2 =	vmul.f32 v2, v3;
	[tilespmem:s1+$0x20] =	vst v5  }
0x2e6: {  	v7 =	vmul.f32 v7, v3;
	[tilespmem:s1+$0x40] =	vst v1  }
0x2e7: {  	v57 =	vmov s10;
	[tilespmem:s1+$0x70] =	vst v2;
	v54 =	vmul.f32 v8, v3  }
0x2e8: {  	v55 =	vmul.f32 v9, v3;
	[tilespmem:s1+$0x30] =	vst v7  }
0x2e9: {  	v3 =	vmul.f32 v4, v3;
	[tilespmem:s1+$0x60] =	vst v54  }
0x2ea: {  	[tilespmem:s1+$0x50] =	vst v55  }
0x2eb: {  	v56 =	vld [tilespmem:s1+$0x80];
	[tilespmem:s1+$0x10] =	vst v3  }
0x2ec: {  	v1 =	vld.idx.msk [tilespmem:v57+s5+$0x0], $0xffff  }
0x2ed: {  	v2 =	vld [tilespmem:s1+$0x90]  }
0x2ee: {  	v3 =	vld [tilespmem:s1+$0xA0]  }
0x2ef: {  	v58 =	vld [tilespmem:s1+$0xD0]  }
0x2f0: {  	v61 =	vld [tilespmem:s1+$0xE0]  }
0x2f1: {  	v59 =	vld [tilespmem:s1+$0xB0];
	v7 =	vmul.f32 v56, v1  }
0x2f2: {  	v60 =	vld [tilespmem:s1+$0xC0];
	v2 =	vmul.f32 v2, v1  }
0x2f3: {  	v62 =	vld [tilespmem:s1+$0xF0];
	v3 =	vmul.f32 v3, v1;
	[tilespmem:s1+$0x80] =	vst v7  }
0x2f4: {  	v4 =	vmul.f32 v58, v1;
	[tilespmem:s1+$0x90] =	vst v2  }
0x2f5: {  	v63 =	vmul.f32 v61, v1;
	[tilespmem:s1+$0xA0] =	vst v3  }
0x2f6: {  	v2 =	vmul.f32 v59, v1;
	[tilespmem:s1+$0xD0] =	vst v4  }
0x2f7: {  	v3 =	vmul.f32 v60, v1;
	[tilespmem:s1+$0xE0] =	vst v63  }
0x2f8: {  	v1 =	vmul.f32 v62, v1;
	[tilespmem:s1+$0xB0] =	vst v2  }
0x2f9: {  	[tilespmem:s1+$0xC0] =	vst v3  }
0x2fa: {  	s11 =	simm.s32 $0x6E80;
	[tilespmem:s1+$0xF0] =	vst v1  }
0x2fb: {  	[spmem:s2] =	stream.indirect.scatter.add.f32 [tilespmem:s11], [sflag:$0x9], $0x80, s28, s23, $0xb8;
	[tilespmem:$0x1F400] =	vst v63  }
0x2fc: {  	_ =	swait.ge [sflag:s19], $0x2800  }
0x2fd: {  	[sflag:s19] =	ssyncset.done $0x0  }
0x2fe: {  	s12 =	sadd.s32 $0x1, s12;
	[sflag:s19] =	ssyncadd.s32 $0xFFFFD800  }
0x2ff: {  	p0 =	sne.s32 s12, $0x8;
	_ =	swait.ge [sflag:s14], $0x2800  }
.Ltmp9:
0x300: {  	[sflag:s14] =	ssyncset.done $0x0;
	(pc) =	sbr.rel @p0 .LBB2_15-.Ltmp9, $4  }
0x301: {  	[sflag:s14] =	ssyncadd.s32 $0xFFFFD800  }
0x302: {  	_ =	swait.ge [sflag:s20], $0x2800  }
0x303: {  	[sflag:s20] =	ssyncset.done $0x0  }
0x304: {  	[sflag:s20] =	ssyncadd.s32 $0xFFFFD800  }
0x305: {  	v1 =	vld [tilespmem:$0xF80]  }
0x306: {  	v2 =	vld [tilespmem:$0x780]  }
0x307: {  	v3 =	vld [tilespmem:$0x1780]  }
0x308: {  	v4 =	vld [tilespmem:$0xF90]  }
0x309: {  	v5 =	vld [tilespmem:$0x790]  }
0x30a: {  	[tilespmem:$0x1800] =	vst v1;
	v1 =	vld [tilespmem:$0x1790]  }
0x30b: {  	[tilespmem:$0x1A00] =	vst v2;
	v2 =	vld [tilespmem:$0xFA0]  }
0x30c: {  	[tilespmem:$0x1B80] =	vst v3;
	v3 =	vld [tilespmem:$0x7A0]  }
0x30d: {  	[tilespmem:$0x1810] =	vst v4;
	v4 =	vld [tilespmem:$0x17A0]  }
0x30e: {  	[tilespmem:$0x1A10] =	vst v5;
	v5 =	vld [tilespmem:$0xFB0]  }
0x30f: {  	[tilespmem:$0x1B90] =	vst v1;
	v1 =	vld [tilespmem:$0x7B0]  }
0x310: {  	[tilespmem:$0x1820] =	vst v2;
	v2 =	vld [tilespmem:$0x17B0]  }
0x311: {  	[tilespmem:$0x1A20] =	vst v3;
	v3 =	vld [tilespmem:$0xFC0]  }
0x312: {  	[tilespmem:$0x1BA0] =	vst v4;
	v4 =	vld [tilespmem:$0x7C0]  }
0x313: {  	[tilespmem:$0x1830] =	vst v5;
	v5 =	vld [tilespmem:$0x17C0]  }
0x314: {  	[tilespmem:$0x1A30] =	vst v1  }
0x315: {  	[tilespmem:$0x1BB0] =	vst v2  }
0x316: {  	[tilespmem:$0x1840] =	vst v3  }
0x317: {  	[tilespmem:$0x1A40] =	vst v4  }
0x318: {  	s1 =	simm.s32 $0x1B80;
	[tilespmem:$0x1BC0] =	vst v5  }
0x319: {  	[tilespmem:s16], [sflag:$0x4] =	stream.indirect.gather [spmem:s3], $0x1, s1, s23, $0xb8;
	[tilespmem:$0x1F400] =	vst v63  }
0x31a: {  	s11 =	simm.s32 $0x1A00;
	s12 =	simm.s32 $0x0  }
0x31b: {  	v1 =	vmov s12;
	[tilespmem:s18], [sflag:$0x1] =	stream.indirect.gather [hbm4b:s6+s23], $0x80, s11, s23, $0xb8;
	[tilespmem:$0x1F400] =	vst v63  }
0x31c: {  	v1 =	vand.u32 $0xFFFFFFFC, v1;
	_ =	swait.ge [sflag:s13], $0x50  }
0x31d: {  	v1 =	vbroadcast v1, $0x0;
	[sflag:s13] =	ssyncset.done $0x0  }
0x31e: {  	[sflag:s13] =	ssyncadd.s32 $0xFFFFFFB0  }
0x31f: {  	_ =	swait.ge [sflag:s15], $0x2800  }
0x320: {  	[sflag:s15] =	ssyncset.done $0x0  }
0x321: {  	s1 =	simm.s32 $0x1F80;
	[sflag:s15] =	ssyncadd.s32 $0xFFFFD800  }
0x322: {  	v3 =	vld [tilespmem:s1+$0xFFFFFF70]  }
0x323: {  	v1 =	vld.idx.msk [tilespmem:v1+s16+$0x0], $0xffff  }
0x324: {  	v4 =	vld [tilespmem:s1+$0xFFFFFF00]  }
0x325: {  	v5 =	vld [tilespmem:s1+$0xFFFFFF20]  }
0x326: {  	v6 =	vld [tilespmem:s1+$0xFFFFFF30]  }
0x327: {  	v2 =	vld [tilespmem:s1+$0xFFFFFF50]  }
0x328: {  	v8 =	vld [tilespmem:s1+$0xFFFFFF10];
	v3 =	vmul.f32 v3, v1  }
0x329: {  	s7 =	simm.s32 $0x1;
	v7 =	vld [tilespmem:s1+$0xFFFFFF60];
	v4 =	vmul.f32 v4, v1  }
0x32a: {  	v9 =	vld [tilespmem:s1+$0xFFFFFF40];
	v5 =	vmul.f32 v5, v1;
	[tilespmem:s1+$0xFFFFFF70] =	vst v3;
	v3 =	vmov s7  }
0x32b: {  	v6 =	vmul.f32 v6, v1;
	[tilespmem:s1+$0xFFFFFF00] =	vst v4;
	v3 =	vand.u32 $0xFFFFFFFD, v3  }
0x32c: {  	v2 =	vmul.f32 v2, v1;
	[tilespmem:s1+$0xFFFFFF20] =	vst v5;
	v3 =	vbroadcast v3, $0x0  }
0x32d: {  	v4 =	vmul.f32 v8, v1;
	[tilespmem:s1+$0xFFFFFF30] =	vst v6  }
0x32e: {  	v5 =	vmul.f32 v7, v1;
	[tilespmem:s1+$0xFFFFFF50] =	vst v2  }
0x32f: {  	v1 =	vmul.f32 v9, v1;
	[tilespmem:s1+$0xFFFFFF10] =	vst v4  }
0x330: {  	[tilespmem:s1+$0xFFFFFF60] =	vst v5  }
0x331: {  	[tilespmem:s1+$0xFFFFFF40] =	vst v1;
	v1 =	vld [tilespmem:s1+$0xFFFFFF80]  }
0x332: {  	v3 =	vld.idx.msk [tilespmem:v3+s16+$0x0], $0xffff  }
0x333: {  	v2 =	vld [tilespmem:s1+$0xFFFFFFA0]  }
0x334: {  	v4 =	vld [tilespmem:s1+$0xFFFFFF90]  }
0x335: {  	v5 =	vld [tilespmem:s1+$0xFFFFFFD0]  }
0x336: {  	v6 =	vld [tilespmem:s1+$0xFFFFFFE0]  }
0x337: {  	v7 =	vld [tilespmem:s1+$0xFFFFFFF0];
	v1 =	vmul.f32 v1, v3  }
0x338: {  	s17 =	simm.s32 $0x2;
	v8 =	vld [tilespmem:s1+$0xFFFFFFB0];
	v2 =	vmul.f32 v2, v3  }
0x339: {  	v63 =	vld [tilespmem:s1+$0xFFFFFFC0];
	v4 =	vmul.f32 v4, v3;
	[tilespmem:s1+$0xFFFFFF80] =	vst v1;
	v1 =	vmov s17  }
0x33a: {  	v5 =	vmul.f32 v5, v3;
	[tilespmem:s1+$0xFFFFFFA0] =	vst v2;
	v1 =	vand.u32 $0xFFFFFFFE, v1  }
0x33b: {  	v2 =	vmul.f32 v6, v3;
	[tilespmem:s1+$0xFFFFFF90] =	vst v4;
	v4 =	vbroadcast v1, $0x0  }
0x33c: {  	v6 =	vmul.f32 v7, v3;
	[tilespmem:s1+$0xFFFFFFD0] =	vst v5;
	v7 =	vld [tilespmem:s1+$0x30]  }
0x33d: {  	v5 =	vmul.f32 v8, v3;
	v1 =	vld [tilespmem:s1+$0x40];
	[tilespmem:s1+$0xFFFFFFE0] =	vst v2  }
0x33e: {  	v3 =	vmul.f32 v63, v3;
	v2 =	vld [tilespmem:s1+$0x70];
	[tilespmem:s1+$0xFFFFFFF0] =	vst v6  }
0x33f: {  	[tilespmem:s1+$0xFFFFFFB0] =	vst v5;
	v5 =	vld [tilespmem:s1+$0x20]  }
0x340: {  	[tilespmem:s1+$0xFFFFFFC0] =	vst v3;
	v6 =	vld [tilespmem:s1+$0x0]  }
0x341: {  	v3 =	vld.idx.msk [tilespmem:v4+s16+$0x0], $0xffff  }
0x342: {  	s10 =	simm.s32 $0x3;
	s12 =	simm.s32 $0x7;
	s11 =	simm.s32 $0x1F80;
	v4 =	vld [tilespmem:s1+$0x10]  }
.LBB2_23:
0x343: {  	p0 =	sne.s32 s12, $0x4F  }
0x344: {  	v8 =	vld [tilespmem:s1+$0x50];
	s11 =	sadd.s32 $0x200, s11;
	s7 =	smov.u32 s12;
	s12 =	sadd.s32 $0x4, s12  }
0x345: {  	v9 =	vld [tilespmem:s1+$0x60];
	_ =	sdelay $0x1  }
0x346: {  	v6 =	vmul.f32 v6, v3;
	v4 =	vmul.f32 v4, v3  }
0x347: {  	v5 =	vmul.f32 v5, v3;
	v7 =	vmul.f32 v7, v3  }
0x348: {  	v1 =	vmul.f32 v1, v3;
	v2 =	vmul.f32 v2, v3;
	[tilespmem:s1+$0x0] =	vst v6  }
0x349: {  	[tilespmem:s1+$0x20] =	vst v5;
	v5 =	vmul.f32 v8, v3;
	v3 =	vmul.f32 v9, v3  }
0x34a: {  	[tilespmem:s1+$0x30] =	vst v7;
	v6 =	vld [tilespmem:s1+$0x80]  }
0x34b: {  	[tilespmem:s1+$0x60] =	vst v3;
	v3 =	vmov s10;
	v7 =	vld [tilespmem:s1+$0xD0];
	s10 =	smov.u32 s7  }
0x34c: {  	[tilespmem:s1+$0x50] =	vst v5;
	v5 =	vld [tilespmem:s1+$0xE0]  }
0x34d: {  	[tilespmem:s1+$0x40] =	vst v1;
	v8 =	vld [tilespmem:s1+$0xB0]  }
0x34e: {  	v1 =	vld [tilespmem:s11+$0x40];
	[tilespmem:s1+$0x70] =	vst v2  }
0x34f: {  	v2 =	vld [tilespmem:s11+$0x70];
	[tilespmem:s1+$0x10] =	vst v4  }
0x350: {  	v3 =	vld.idx.msk [tilespmem:v3+s16+$0x0], $0xffff  }
0x351: {  	v4 =	vld [tilespmem:s1+$0x90]  }
0x352: {  	v9 =	vld [tilespmem:s1+$0xA0]  }
0x353: {  	v10 =	vld [tilespmem:s1+$0xC0]  }
0x354: {  	v11 =	vld [tilespmem:s1+$0xF0];
	_ =	sdelay $0x1  }
0x355: {  	v6 =	vmul.f32 v6, v3;
	v4 =	vmul.f32 v4, v3  }
0x356: {  	s7 =	sadd.s32 $0xFFFFFFFD, s10;
	v8 =	vmul.f32 v8, v3;
	v9 =	vmul.f32 v9, v3  }
0x357: {  	v12 =	vmov s7;
	v7 =	vmul.f32 v7, v3;
	[tilespmem:s1+$0x80] =	vst v6;
	v6 =	vmul.f32 v10, v3  }
0x358: {  	v10 =	vand.u32 $0xFFFFFFFC, v12;
	[tilespmem:s1+$0x90] =	vst v4;
	v4 =	vmul.f32 v5, v3;
	v3 =	vmul.f32 v11, v3  }
0x359: {  	v5 =	vbroadcast v10, $0x0;
	[tilespmem:s1+$0xA0] =	vst v9  }
0x35a: {  	[tilespmem:s1+$0xD0] =	vst v7  }
0x35b: {  	v7 =	vld [tilespmem:s11+$0xFFFFFF50];
	[tilespmem:s1+$0xB0] =	vst v8  }
0x35c: {  	v8 =	vld [tilespmem:s11+$0xFFFFFF30];
	[tilespmem:s1+$0xC0] =	vst v6  }
0x35d: {  	v6 =	vld [tilespmem:s11+$0xFFFFFF60];
	[tilespmem:s1+$0xE0] =	vst v4  }
0x35e: {  	v4 =	vld [tilespmem:s11+$0xFFFFFF70];
	[tilespmem:s1+$0xF0] =	vst v3;
	s1 =	smov.u32 s11  }
0x35f: {  	v3 =	vld.idx.msk [tilespmem:v5+s16+$0x0], $0xffff  }
0x360: {  	v5 =	vld [tilespmem:s11+$0xFFFFFF00]  }
0x361: {  	v9 =	vld [tilespmem:s11+$0xFFFFFF20]  }
0x362: {  	v10 =	vld [tilespmem:s11+$0xFFFFFF10]  }
0x363: {  	v11 =	vld [tilespmem:s11+$0xFFFFFF40];
	_ =	sdelay $0x1  }
0x364: {  	v4 =	vmul.f32 v4, v3;
	v5 =	vmul.f32 v5, v3  }
0x365: {  	s7 =	sadd.s32 $0xFFFFFFFE, s10;
	v6 =	vmul.f32 v6, v3;
	v9 =	vmul.f32 v9, v3  }
0x366: {  	v8 =	vmul.f32 v8, v3;
	v10 =	vmul.f32 v10, v3;
	[tilespmem:s11+$0xFFFFFF70] =	vst v4;
	v4 =	vmov s7  }
0x367: {  	[tilespmem:s11+$0xFFFFFF00] =	vst v5;
	v5 =	vmul.f32 v11, v3;
	v3 =	vmul.f32 v7, v3;
	v4 =	vand.u32 $0xFFFFFFFD, v4  }
0x368: {  	[tilespmem:s11+$0xFFFFFF20] =	vst v9;
	v4 =	vbroadcast v4, $0x0  }
0x369: {  	[tilespmem:s11+$0xFFFFFF30] =	vst v8  }
0x36a: {  	[tilespmem:s11+$0xFFFFFF50] =	vst v3;
	v3 =	vld [tilespmem:s11+$0xFFFFFFF0]  }
0x36b: {  	[tilespmem:s11+$0xFFFFFF10] =	vst v10;
	v7 =	vld [tilespmem:s11+$0xFFFFFFD0]  }
0x36c: {  	[tilespmem:s11+$0xFFFFFF60] =	vst v6;
	v6 =	vld [tilespmem:s11+$0xFFFFFFB0]  }
0x36d: {  	[tilespmem:s11+$0xFFFFFF40] =	vst v5;
	v5 =	vld [tilespmem:s11+$0xFFFFFF90]  }
0x36e: {  	v4 =	vld.idx.msk [tilespmem:v4+s16+$0x0], $0xffff  }
0x36f: {  	v8 =	vld [tilespmem:s11+$0xFFFFFF80]  }
0x370: {  	v9 =	vld [tilespmem:s11+$0xFFFFFFA0]  }
0x371: {  	v10 =	vld [tilespmem:s11+$0xFFFFFFC0]  }
0x372: {  	v11 =	vld [tilespmem:s11+$0xFFFFFFE0];
	_ =	sdelay $0x1  }
0x373: {  	v5 =	vmul.f32 v5, v4;
	v8 =	vmul.f32 v8, v4  }
0x374: {  	s7 =	sadd.s32 $0xFFFFFFFF, s10;
	v6 =	vmul.f32 v6, v4;
	v9 =	vmul.f32 v9, v4  }
0x375: {  	v7 =	vmul.f32 v7, v4;
	[tilespmem:s11+$0xFFFFFF80] =	vst v8;
	v8 =	vmul.f32 v10, v4;
	v10 =	vmov s7  }
0x376: {  	v3 =	vmul.f32 v3, v4;
	[tilespmem:s11+$0xFFFFFFA0] =	vst v9;
	v9 =	vmul.f32 v11, v4;
	v4 =	vand.u32 $0xFFFFFFFE, v10  }
0x377: {  	[tilespmem:s11+$0xFFFFFF90] =	vst v5;
	v4 =	vbroadcast v4, $0x0  }
0x378: {  	[tilespmem:s11+$0xFFFFFFD0] =	vst v7  }
0x379: {  	[tilespmem:s11+$0xFFFFFFE0] =	vst v9  }
0x37a: {  	[tilespmem:s11+$0xFFFFFFB0] =	vst v6  }
.Ltmp10:
0x37b: {  	[tilespmem:s11+$0xFFFFFFF0] =	vst v3;
	v5 =	vld [tilespmem:s11+$0x20];
	(pc) =	sbr.rel @p0 .LBB2_23-.Ltmp10, $4  }
0x37c: {  	[tilespmem:s11+$0xFFFFFFC0] =	vst v8;
	v6 =	vld [tilespmem:s11+$0x0]  }
0x37d: {  	v3 =	vld.idx.msk [tilespmem:v4+s16+$0x0], $0xffff  }
0x37e: {  	v4 =	vld [tilespmem:s11+$0x10]  }
0x37f: {  	v7 =	vld [tilespmem:s11+$0x30]  }
0x380: {  	_ =	sdelay $0x1  }
0x381: {  	v8 =	vld [tilespmem:s1+$0x60];
	v6 =	vmul.f32 v6, v3  }
0x382: {  	v9 =	vld [tilespmem:s1+$0x50];
	v5 =	vmul.f32 v5, v3  }
0x383: {  	v1 =	vmul.f32 v1, v3;
	[tilespmem:s1+$0x0] =	vst v6  }
0x384: {  	v2 =	vmul.f32 v2, v3;
	[tilespmem:s1+$0x20] =	vst v5  }
0x385: {  	v7 =	vmul.f32 v7, v3;
	[tilespmem:s1+$0x40] =	vst v1  }
0x386: {  	v57 =	vmov s10;
	[tilespmem:s1+$0x70] =	vst v2;
	v54 =	vmul.f32 v8, v3  }
0x387: {  	v55 =	vmul.f32 v9, v3;
	[tilespmem:s1+$0x30] =	vst v7  }
0x388: {  	v3 =	vmul.f32 v4, v3;
	[tilespmem:s1+$0x60] =	vst v54  }
0x389: {  	[tilespmem:s1+$0x50] =	vst v55  }
0x38a: {  	v56 =	vld [tilespmem:s1+$0x80];
	[tilespmem:s1+$0x10] =	vst v3  }
0x38b: {  	v1 =	vld.idx.msk [tilespmem:v57+s16+$0x0], $0xffff  }
0x38c: {  	v2 =	vld [tilespmem:s1+$0x90]  }
0x38d: {  	v3 =	vld [tilespmem:s1+$0xA0]  }
0x38e: {  	v58 =	vld [tilespmem:s1+$0xD0]  }
0x38f: {  	v61 =	vld [tilespmem:s1+$0xE0]  }
0x390: {  	v59 =	vld [tilespmem:s1+$0xB0];
	v7 =	vmul.f32 v56, v1  }
0x391: {  	v60 =	vld [tilespmem:s1+$0xC0];
	v2 =	vmul.f32 v2, v1  }
0x392: {  	v62 =	vld [tilespmem:s1+$0xF0];
	v3 =	vmul.f32 v3, v1;
	[tilespmem:s1+$0x80] =	vst v7  }
0x393: {  	v4 =	vmul.f32 v58, v1;
	[tilespmem:s1+$0x90] =	vst v2  }
0x394: {  	v63 =	vmul.f32 v61, v1;
	[tilespmem:s1+$0xA0] =	vst v3  }
0x395: {  	v2 =	vmul.f32 v59, v1;
	[tilespmem:s1+$0xD0] =	vst v4  }
0x396: {  	v3 =	vmul.f32 v60, v1;
	[tilespmem:s1+$0xE0] =	vst v63  }
0x397: {  	v1 =	vmul.f32 v62, v1;
	[tilespmem:s1+$0xB0] =	vst v2  }
0x398: {  	[tilespmem:s1+$0xC0] =	vst v3  }
0x399: {  	[tilespmem:s1+$0xF0] =	vst v1  }
0x39a: {  	[spmem:s2] =	stream.indirect.scatter.add.f32 [tilespmem:s18], [sflag:$0x7], $0x80, s24, s23, $0xb8;
	[tilespmem:$0x1F400] =	vst v63  }
0x39b: {  	_ =	swait.ge [sflag:s19], $0x2800  }
0x39c: {  	s17 =	rddreg [dreg:$0x13]  }
0x39d: {  	s1 =	sadd.s32 $0x1, s17  }
0x39e: {  	p0 =	sne.s32 s1, $0x5  }
.Ltmp11:
0x39f: {  	_ = 	snop;
	(pc) =	sbr.rel @p0 .LBB2_12-.Ltmp11, $3  }
0x3a0: {  	_ =	sdelay $0x1  }
0x3a1: {  	[sflag:s19] =	ssyncset.done $0x0  }
0x3a2: {  	[sflag:s19] =	ssyncadd.s32 $0xFFFFD800;
	s17 =	simm.s32 $0xE  }
0x3a3: {  	[bflag:$0x0] =	sbarrier.arrive $0xFFFF  }
0x3a4: {  	s11 =	rddreg [dreg:$0xb]  }
0x3a5: {  	s1 =	rddreg [dreg:$0xf]  }
0x3a6: {  	s12 =	rddreg [dreg:$0x12]  }
0x3a7: {  	[hbm:s1], [sflag:s11] =	dma.local [spmem:s12], $0x2780  }
0x3a8: {  	_ =	swait.ge [sflag:s17], $0x2780  }
0x3a9: {  	s10 =	rddreg [dreg:$0x5]  }
0x3aa: {  	s7 =	rddreg [dreg:$0x10];
	s10 =	sadd.s32 $0x1, s10  }
0x3ab: {  	p0 =	sne.s32 s10, s7  }
.Ltmp12:
0x3ac: {  	_ = 	snop;
	(pc) =	sbr.rel @p0 .LBB2_1-.Ltmp12, $3  }
0x3ad: {  	_ =	sdelay $0x1  }
0x3ae: {  	[sflag:s17] =	ssyncset.done $0x0  }
0x3af: {  	[sflag:s17] =	ssyncadd.s32 $0xFFFFD880  }
0x3b0: {  	_ =	sfence.sel $0x180000  }
0x3b1: {  	[bflag:$0x0] =	sbarrier.arrive $0xFFFF  }
0x3b2: {  	_ =	strace $0x90000047  }
0x3b3: {  	s0 =	stileid.u32;
	[bflag:$0x2] =	sbarrier.arrive $0xFFFF  }
0x3b4: {  	p0 =	sne.s32 s0, $0x0;
	s0 =	rddreg [dreg:$0x4]  }
0x3b5: {  	s0 =	sadd.s32 @!p0 $0x100000, s0  }
0x3b6: {  	[sflag:s0] =	ssyncadd.tile.s32 @!p0 $0x1;
	_ =	shalt  }
.Lfunc_end2:
_tile_overlayer_lowered:
.L_overlay_start_2:
0x3b7: {  	(tag) =	ssettag $0x2  }
0x3b8: {  	s0 =	rddreg [dreg:$0x0];
	s2 =	stileid.u32  }
0x3b9: {  	s1 =	rddreg [dreg:$0x1];
	p0 =	sne.s32 s2, $0x0  }
0x3ba: {  	s3 =	rddreg [dreg:$0x2];
	[bflag:$0x3] =	sbarrier.arrive $0xFFFF;
	s2 =	simm.s32 @!p0 $0x1C0E  }
0x3bb: {  	[timem:s3], [sflag:s2] =	dma.local @!p0 [hbm:s0], s1  }
0x3bc: {  	s0 =	simm.s32 @!p0 $0xE  }
0x3bd: {  	_ =	swait.ge @!p0 [sflag:s0], s1  }
0x3be: {  	s1 =	ssub.s32 @!p0 $0x0, s1;
	[sflag:s0] =	ssyncset.done @!p0 $0x0  }
0x3bf: {  	[sflag:s0] =	ssyncadd.s32 @!p0 s1  }
0x3c0: {  	[bflag:$0x3] =	sbarrier.arrive $0xFFFF  }
0x3c1: {  	_ =	shalt  }

</sc_bundles>
